<compile_context>
chip_gen: v7x
topology: tpu7x:2x2x1
jax: 0.10.2.dev20260603
libtpu: 0.0.44.dev20260713+nightly
codegen_flags: <defaults>
</compile_context>

<pallas_src>
import functools

import jax
import jax.numpy as jnp
from jax import lax
from jax.experimental import pallas as pl
from jax.experimental.pallas import tpu as pltpu
from jax.experimental.pallas import tpu_sc as plsc

D_EMB = 64
LANES = 16
NW = 32
SB = 256


def _wid():
    return lax.axis_index("s") * 2 + lax.axis_index("c")


def _make_spread(vocab):
    n_full = vocab // SB
    tail = vocab - n_full * SB
    per_tile = (n_full + NW - 1) // NW
    n_pairs = (per_tile + 1) // 2
    mesh = plsc.VectorSubcoreMesh(core_axis_name="c", subcore_axis_name="s")

    @functools.partial(
        pl.kernel,
        out_type=jax.ShapeDtypeStruct((vocab, 2 * D_EMB), jnp.float32),
        mesh=mesh,
        compiler_params=pltpu.CompilerParams(needs_layout_passes=False),
        scratch_types=[
            pltpu.VMEM((2, D_EMB, SB), jnp.float32),
            pltpu.VMEM((2, SB, 128), jnp.float32),
            pltpu.VMEM((32, 128), jnp.float32),
            pltpu.SemaphoreType.DMA,
            pltpu.SemaphoreType.DMA,
            pltpu.SemaphoreType.DMA,
            pltpu.SemaphoreType.DMA,
        ],
    )
    def k(wt_t, tail_c, wtr, inb, outb, tstage, isem0, isem1, osem0, osem1):
        wid = _wid()
        isems = (isem0, isem1)
        osems = (osem0, osem1)

        n_jg = SB // LANES
        rows_c = [jg * LANES + lax.iota(jnp.int32, LANES) for jg in range(n_jg)]
        iota = lax.iota(jnp.int32, LANES)
        one = jnp.full((LANES,), 1, jnp.int32)

        def blk(i):
            return wid + i * NW

        def fire_in(i, slot):
            @pl.when(blk(i) < n_full)
            def _():
                pltpu.async_copy(
                    wt_t.at[:, pl.ds(blk(i) * SB, SB)], inb.at[slot],
                    isems[slot])

        def drain_in(i, slot):
            @pl.when(blk(i) < n_full)
            def _():
                pltpu.make_async_copy(
                    wt_t.at[:, pl.ds(0, SB)], inb.at[slot], isems[slot]).wait()

        def drain_out(i, slot):
            @pl.when(blk(i) < n_full)
            def _():
                pltpu.make_async_copy(
                    wtr.at[pl.ds(0, SB)], outb.at[slot], osems[slot]).wait()

        def transpose(i, slot):
            @pl.when(blk(i) < n_full)
            def _():
                def drow(d, cols):
                    for jg in range(n_jg):
                        v = inb[slot, d, pl.ds(jg * LANES, LANES)]
                        plsc.store_scatter(outb.at[slot], [rows_c[jg], cols], v)
                    return cols + one

                lax.fori_loop(0, D_EMB, drow, iota)

        def fire_out(i, slot):
            @pl.when(blk(i) < n_full)
            def _():
                pltpu.async_copy(
                    outb.at[slot], wtr.at[pl.ds(blk(i) * SB, SB)],
                    osems[slot])

        fire_in(0, 0)

        def body(p, carry):
            a = 2 * p
            drain_in(a, 0)
            fire_in(a + 1, 1)

            @pl.when(p > 0)
            def _():
                drain_out(a - 2, 0)
                drain_out(a - 1, 1)

            transpose(a, 0)
            fire_out(a, 0)
            drain_in(a + 1, 1)
            fire_in(a + 2, 0)
            transpose(a + 1, 1)
            fire_out(a + 1, 1)
            return carry

        lax.fori_loop(0, n_pairs, body, 0)
        drain_out(2 * n_pairs - 2, 0)
        drain_out(2 * n_pairs - 1, 1)

        if tail:
            @pl.when(wid == NW - 1)
            def _():
                pltpu.async_copy(tail_c, tstage, isem0).wait()

                def drow(d, carry2):
                    cols_dst, cols_src = carry2
                    for jg in range(tail // LANES):
                        j16 = jg * LANES + iota
                        v = plsc.load_gather(
                            tstage, [j16 >> 1, cols_src + (j16 & 1) * D_EMB])
                        plsc.store_scatter(
                            outb.at[0], [j16, cols_dst], v)
                    return (cols_dst + one, cols_src + one)

                lax.fori_loop(0, D_EMB, drow, (iota & 15, iota * 0))
                pltpu.async_copy(
                    outb.at[0, pl.ds(0, tail)],
                    wtr.at[pl.ds(n_full * SB, tail)], isem0).wait()

    return k


def _make_gather(batch, hist, vocab):
    mesh = plsc.VectorSubcoreMesh(core_axis_name="c", subcore_axis_name="s")
    n_rounds = hist // 4

    @functools.partial(
        pl.kernel,
        out_type=jax.ShapeDtypeStruct((hist, D_EMB, batch), jnp.float32),
        mesh=mesh,
        compiler_params=pltpu.CompilerParams(needs_layout_passes=False),
        scratch_types=[
            pltpu.VMEM((hist, 128), jnp.int32),
            pltpu.VMEM((2, 2, 128, 128), jnp.float32),
            pltpu.VMEM((2, 2, D_EMB, 128), jnp.float32),
            pltpu.SemaphoreType.DMA,
            pltpu.SemaphoreType.DMA,
            pltpu.SemaphoreType.DMA,
            pltpu.SemaphoreType.DMA,
        ],
    )
    def k(idx_t, wtr, out, idx_v, rows, outb, gsem0, gsem1, osem0, osem1):
        wid = _wid()
        b0 = wid * 128
        gsems = (gsem0, gsem1)
        osems = (osem0, osem1)
        pltpu.async_copy(idx_t.at[:, pl.ds(b0, 128)], idx_v, gsem0).wait()

        rows_c = [jg * LANES + lax.iota(jnp.int32, LANES) for jg in range(8)]
        one = jnp.full((LANES,), 1, jnp.int32)

        def fire_pair(a, slot):
            for kk in range(2):
                pltpu.async_copy(
                    wtr.at[idx_v.at[2 * a + kk]], rows.at[slot, kk],
                    gsems[slot])

        def drain_pair(slot):
            for _ in range(2):
                pltpu.make_async_copy(
                    wtr.at[pl.ds(0, 128)], rows.at[slot, 0], gsems[slot]).wait()

        def drain_outs(slot):
            for _ in range(2):
                pltpu.make_async_copy(
                    wtr.at[pl.ds(0, D_EMB)], outb.at[slot, 0],
                    osems[slot]).wait()

        def repack(h, slot, kk):
            cols0 = [(idx_v[h, pl.ds(jg * LANES, LANES)] & 15)
                     for jg in range(8)]

            def drow(d, cols):
                new = []
                for jg in range(8):
                    v = plsc.load_gather(
                        rows.at[slot, kk], [rows_c[jg], cols[jg]])
                    outb[slot, kk, d, pl.ds(jg * LANES, LANES)] = v
                    new.append(cols[jg] + one)
                return tuple(new)

            lax.fori_loop(0, D_EMB, drow, tuple(cols0))

        def do_pair(a, slot):
            for kk in range(2):
                h = 2 * a + kk
                repack(h, slot, kk)
                pltpu.async_copy(
                    outb.at[slot, kk], out.at[h, :, pl.ds(b0, 128)],
                    osems[slot])

        fire_pair(0, 0)

        def body(p, carry):
            a = 2 * p
            fire_pair(a + 1, 1)
            drain_pair(0)

            @pl.when(p > 0)
            def _():
                drain_outs(0)

            do_pair(a, 0)

            @pl.when(p < n_rounds - 1)
            def _():
                fire_pair(a + 2, 0)

            drain_pair(1)

            @pl.when(p > 0)
            def _():
                drain_outs(1)

            do_pair(a + 1, 1)
            return carry

        lax.fori_loop(0, n_rounds, body, 0)
        drain_outs(0)
        drain_outs(1)

    return k


@functools.partial(jax.jit, static_argnums=(2, 3, 4))
def _embedding(indices, weight, batch, hist, vocab):
    n_full = vocab // SB
    tail = vocab - n_full * SB
    if tail:
        tail_c = weight[n_full * SB:].reshape(tail // 2, 2 * D_EMB)
    else:
        tail_c = jnp.zeros((0, 2 * D_EMB), jnp.float32)
    wtr = _make_spread(vocab)(weight.T, tail_c)
    out = _make_gather(batch, hist, vocab)(indices.T, wtr)
    return out.transpose(2, 0, 1)


def kernel(indices, weight):
    b, h = indices.shape
    v, d = weight.shape
    assert d == D_EMB
    return _embedding(indices, weight, b, h, v)

# --- scband reference (transcript-rebuilt; emitter-appended) ---
"""Pipeline reference for scband-token-embedding-5025111736581 (READ-ONLY COPY).

The authoritative reference and input builder live on the scoring server;
editing this copy changes nothing except your own understanding.
"""

import jax, jax.numpy as jnp
import numpy as np

VOCAB = 1000000
D_EMB = 64
BATCH = 4096
HIST = 200

def setup_inputs(seed: int = 0) -> dict:
    key = jax.random.key(seed)
    k_idx, k_w = jax.random.split(key)
    indices = jax.random.randint(k_idx, (BATCH, HIST), 0, VOCAB, dtype=jnp.int64 if jax.config.jax_enable_x64 else jnp.int32).astype(jnp.int32)
    weight = jax.random.normal(k_w, (VOCAB, D_EMB), dtype=jnp.float32)
    return {"indices": indices, "weight": weight}

def reference(indices, weight):
    # TokenEmbedding forward: plain embedding lookup (gather rows of the table)
    return jnp.take(weight, indices, axis=0)

if __name__ == "__main__":
    import jax
    _d = setup_inputs()
    print(jax.jit(kernel)(*tuple(_d.values())))

</pallas_src>

<mosaic_0001>
#map = affine_map<(d0, d1) -> (0, 0)>
module attributes {stable_mosaic.version = 14 : i64} {
  func.func @k(%arg0: i32, %arg1: i32, %arg2: memref<64x1000000xf32, #tpu.memory_space<hbm>>, %arg3: memref<32x128xf32, #tpu.memory_space<hbm>>, %arg4: memref<1000000x128xf32, #tpu.memory_space<hbm>>, %arg5: memref<2x64x256xf32, #tpu.memory_space<vmem>>, %arg6: memref<2x256x128xf32, #tpu.memory_space<vmem>>, %arg7: memref<32x128xf32, #tpu.memory_space<vmem>>, %arg8: memref<!tpu.dma_semaphore, #tpu.memory_space<semaphore_mem>>, %arg9: memref<!tpu.dma_semaphore, #tpu.memory_space<semaphore_mem>>, %arg10: memref<!tpu.dma_semaphore, #tpu.memory_space<semaphore_mem>>, %arg11: memref<!tpu.dma_semaphore, #tpu.memory_space<semaphore_mem>>) attributes {dimension_semantics = [#tpu.dimension_semantics<core_parallel>, #tpu.dimension_semantics<subcore_parallel>], iteration_bounds = array<i64: 2, 16>, scalar_prefetch = 0 : i64, scratch_operands = 7 : i64, tpu.core_type = #tpu.core_type<sc_vector_subcore>, window_params = [{transform_indices = #map}, {transform_indices = #map}, {transform_indices = #map}]} {
    %mul3A = arith.constant 2 : i32
    %mul3A_0 = arith.muli %arg1, %mul3A : i32
    %add3A = arith.addi %mul3A_0, %arg0 : i32
    %iota3A = tpu.iota {dimensions = array<i32: 0>} : vector<16xi32>
    %add3A_1 = arith.constant 0 : i32
    %add3A_2 = vector.broadcast %add3A_1 : i32 to vector<16xi32>
    %add3A_3 = arith.addi %add3A_2, %iota3A : vector<16xi32>
    %iota3A_4 = tpu.iota {dimensions = array<i32: 0>} : vector<16xi32>
    %add3A_5 = arith.constant 16 : i32
    %add3A_6 = vector.broadcast %add3A_5 : i32 to vector<16xi32>
    %add3A_7 = arith.addi %add3A_6, %iota3A_4 : vector<16xi32>
    %iota3A_8 = tpu.iota {dimensions = array<i32: 0>} : vector<16xi32>
    %add3A_9 = arith.constant 32 : i32
    %add3A_10 = vector.broadcast %add3A_9 : i32 to vector<16xi32>
    %add3A_11 = arith.addi %add3A_10, %iota3A_8 : vector<16xi32>
    %iota3A_12 = tpu.iota {dimensions = array<i32: 0>} : vector<16xi32>
    %add3A_13 = arith.constant 48 : i32
    %add3A_14 = vector.broadcast %add3A_13 : i32 to vector<16xi32>
    %add3A_15 = arith.addi %add3A_14, %iota3A_12 : vector<16xi32>
    %iota3A_16 = tpu.iota {dimensions = array<i32: 0>} : vector<16xi32>
    %add3A_17 = arith.constant 64 : i32
    %add3A_18 = vector.broadcast %add3A_17 : i32 to vector<16xi32>
    %add3A_19 = arith.addi %add3A_18, %iota3A_16 : vector<16xi32>
    %iota3A_20 = tpu.iota {dimensions = array<i32: 0>} : vector<16xi32>
    %add3A_21 = arith.constant 80 : i32
    %add3A_22 = vector.broadcast %add3A_21 : i32 to vector<16xi32>
    %add3A_23 = arith.addi %add3A_22, %iota3A_20 : vector<16xi32>
    %iota3A_24 = tpu.iota {dimensions = array<i32: 0>} : vector<16xi32>
    %add3A_25 = arith.constant 96 : i32
    %add3A_26 = vector.broadcast %add3A_25 : i32 to vector<16xi32>
    %add3A_27 = arith.addi %add3A_26, %iota3A_24 : vector<16xi32>
    %iota3A_28 = tpu.iota {dimensions = array<i32: 0>} : vector<16xi32>
    %add3A_29 = arith.constant 112 : i32
    %add3A_30 = vector.broadcast %add3A_29 : i32 to vector<16xi32>
    %add3A_31 = arith.addi %add3A_30, %iota3A_28 : vector<16xi32>
    %iota3A_32 = tpu.iota {dimensions = array<i32: 0>} : vector<16xi32>
    %add3A_33 = arith.constant 128 : i32
    %add3A_34 = vector.broadcast %add3A_33 : i32 to vector<16xi32>
    %add3A_35 = arith.addi %add3A_34, %iota3A_32 : vector<16xi32>
    %iota3A_36 = tpu.iota {dimensions = array<i32: 0>} : vector<16xi32>
    %add3A_37 = arith.constant 144 : i32
    %add3A_38 = vector.broadcast %add3A_37 : i32 to vector<16xi32>
    %add3A_39 = arith.addi %add3A_38, %iota3A_36 : vector<16xi32>
    %iota3A_40 = tpu.iota {dimensions = array<i32: 0>} : vector<16xi32>
    %add3A_41 = arith.constant 160 : i32
    %add3A_42 = vector.broadcast %add3A_41 : i32 to vector<16xi32>
    %add3A_43 = arith.addi %add3A_42, %iota3A_40 : vector<16xi32>
    %iota3A_44 = tpu.iota {dimensions = array<i32: 0>} : vector<16xi32>
    %add3A_45 = arith.constant 176 : i32
    %add3A_46 = vector.broadcast %add3A_45 : i32 to vector<16xi32>
    %add3A_47 = arith.addi %add3A_46, %iota3A_44 : vector<16xi32>
    %iota3A_48 = tpu.iota {dimensions = array<i32: 0>} : vector<16xi32>
    %add3A_49 = arith.constant 192 : i32
    %add3A_50 = vector.broadcast %add3A_49 : i32 to vector<16xi32>
    %add3A_51 = arith.addi %add3A_50, %iota3A_48 : vector<16xi32>
    %iota3A_52 = tpu.iota {dimensions = array<i32: 0>} : vector<16xi32>
    %add3A_53 = arith.constant 208 : i32
    %add3A_54 = vector.broadcast %add3A_53 : i32 to vector<16xi32>
    %add3A_55 = arith.addi %add3A_54, %iota3A_52 : vector<16xi32>
    %iota3A_56 = tpu.iota {dimensions = array<i32: 0>} : vector<16xi32>
    %add3A_57 = arith.constant 224 : i32
    %add3A_58 = vector.broadcast %add3A_57 : i32 to vector<16xi32>
    %add3A_59 = arith.addi %add3A_58, %iota3A_56 : vector<16xi32>
    %iota3A_60 = tpu.iota {dimensions = array<i32: 0>} : vector<16xi32>
    %add3A_61 = arith.constant 240 : i32
    %add3A_62 = vector.broadcast %add3A_61 : i32 to vector<16xi32>
    %add3A_63 = arith.addi %add3A_62, %iota3A_60 : vector<16xi32>
    %iota3A_64 = tpu.iota {dimensions = array<i32: 0>} : vector<16xi32>
    %broadcast_in_dim3A = arith.constant 1 : i32
    %broadcast_in_dim3A_65 = vector.broadcast %broadcast_in_dim3A : i32 to vector<16xi32>
    %add3A_66 = arith.constant 0 : i32
    %add3A_67 = arith.addi %add3A, %add3A_66 : i32
    %lt3A = arith.constant 3906 : i32
    %lt3A_68 = arith.cmpi slt, %add3A_67, %lt3A : i32
    %convert_element_type3A = arith.extui %lt3A_68 : i1 to i32
    %cond3A = arith.constant 0 : i32
    %cond3A_69 = arith.cmpi ne, %convert_element_type3A, %cond3A : i32
    scf.if %cond3A_69 {
      %add3A_93 = arith.constant 0 : i32
      %add3A_94 = arith.addi %add3A, %add3A_93 : i32
      %mul3A_95 = arith.constant 256 : i32
      %mul3A_96 = arith.muli %add3A_94, %mul3A_95 : i32
      %dma_start3A = arith.constant 0 : i32
      %dma_start3A_97 = arith.constant 0 : i32
      %dma_start3A_98 = arith.constant 0 : i32
      %dma_start3A_99 = tpu.memref_slice %arg5[%dma_start3A, %dma_start3A_97, %dma_start3A_98] : memref<2x64x256xf32, #tpu.memory_space<vmem>> -> memref<1x64x256xf32, #tpu.memory_space<vmem>>
      %dma_start3A_100 = tpu.memref_squeeze %dma_start3A_99 : memref<1x64x256xf32, #tpu.memory_space<vmem>> -> memref<64x256xf32, #tpu.memory_space<vmem>>
      %dma_start3A_101 = arith.constant 0 : i32
      %dma_start3A_102 = tpu.memref_slice %arg2[%dma_start3A_101, %mul3A_96] : memref<64x1000000xf32, #tpu.memory_space<hbm>> -> memref<64x256xf32, #tpu.memory_space<hbm>>
      %dma_start3A_103 = arith.constant 0 : i32
      %dma_start3A_104 = arith.constant 0 : i32
      %dma_start3A_105 = tpu.memref_slice %arg5[%dma_start3A, %dma_start3A_103, %dma_start3A_104] : memref<2x64x256xf32, #tpu.memory_space<vmem>> -> memref<1x64x256xf32, #tpu.memory_space<vmem>>
      %dma_start3A_106 = tpu.memref_squeeze %dma_start3A_105 : memref<1x64x256xf32, #tpu.memory_space<vmem>> -> memref<64x256xf32, #tpu.memory_space<vmem>>
      %dma_start3A_107 = arith.constant 0 : i32
      %dma_start3A_108 = tpu.memref_slice %arg2[%dma_start3A_107, %mul3A_96] : memref<64x1000000xf32, #tpu.memory_space<hbm>> -> memref<64x256xf32, #tpu.memory_space<hbm>>
      tpu.enqueue_dma source(%dma_start3A_108 : memref<64x256xf32, #tpu.memory_space<hbm>>) target(%dma_start3A_106 : memref<64x256xf32, #tpu.memory_space<vmem>>) target_semaphore(%arg8 : memref<!tpu.dma_semaphore, #tpu.memory_space<semaphore_mem>>)
    } else {
    }
    %scan3A = arith.constant 0 : i32
    %scan3A_70 = arith.constant 0 : i32
    %scan3A_71 = arith.constant 62 : i32
    %scan3A_72 = arith.addi %scan3A_70, %scan3A_71 : i32
    %scan3A_73 = arith.constant 1 : i32
    scf.for %scan3A_93 = %scan3A_70 to %scan3A_72 step %scan3A_73  : i32 {
      %mul3A_94 = arith.constant 2 : i32
      %mul3A_95 = arith.muli %mul3A_94, %scan3A_93 : i32
      %mul3A_96 = arith.constant 32 : i32
      %mul3A_97 = arith.muli %mul3A_95, %mul3A_96 : i32
      %add3A_98 = arith.addi %add3A, %mul3A_97 : i32
      %lt3A_99 = arith.constant 3906 : i32
      %lt3A_100 = arith.cmpi slt, %add3A_98, %lt3A_99 : i32
      %convert_element_type3A_101 = arith.extui %lt3A_100 : i1 to i32
      %cond3A_102 = arith.constant 0 : i32
      %cond3A_103 = arith.cmpi ne, %convert_element_type3A_101, %cond3A_102 : i32
      scf.if %cond3A_103 {
        %dma_wait3A = arith.constant 0 : i32
        %dma_wait3A_174 = arith.constant 0 : i32
        %dma_wait3A_175 = arith.constant 0 : i32
        %dma_wait3A_176 = tpu.memref_slice %arg5[%dma_wait3A, %dma_wait3A_174, %dma_wait3A_175] : memref<2x64x256xf32, #tpu.memory_space<vmem>> -> memref<1x64x256xf32, #tpu.memory_space<vmem>>
        %dma_wait3A_177 = tpu.memref_squeeze %dma_wait3A_176 : memref<1x64x256xf32, #tpu.memory_space<vmem>> -> memref<64x256xf32, #tpu.memory_space<vmem>>
        %dma_wait3A_178 = arith.constant 0 : i32
        %dma_wait3A_179 = arith.constant 0 : i32
        %dma_wait3A_180 = tpu.memref_slice %arg2[%dma_wait3A_178, %dma_wait3A_179] : memref<64x1000000xf32, #tpu.memory_space<hbm>> -> memref<64x256xf32, #tpu.memory_space<hbm>>
        %dma_wait3A_181 = arith.constant 0 : i32
        %dma_wait3A_182 = arith.constant 0 : i32
        %dma_wait3A_183 = tpu.memref_slice %arg5[%dma_wait3A, %dma_wait3A_181, %dma_wait3A_182] : memref<2x64x256xf32, #tpu.memory_space<vmem>> -> memref<1x64x256xf32, #tpu.memory_space<vmem>>
        %dma_wait3A_184 = tpu.memref_squeeze %dma_wait3A_183 : memref<1x64x256xf32, #tpu.memory_space<vmem>> -> memref<64x256xf32, #tpu.memory_space<vmem>>
        %dma_wait3A_185 = arith.constant 0 : i32
        %dma_wait3A_186 = arith.constant 0 : i32
        %dma_wait3A_187 = tpu.memref_slice %arg2[%dma_wait3A_185, %dma_wait3A_186] : memref<64x1000000xf32, #tpu.memory_space<hbm>> -> memref<64x256xf32, #tpu.memory_space<hbm>>
        tpu.wait_dma2 semaphore(%arg8 : memref<!tpu.dma_semaphore, #tpu.memory_space<semaphore_mem>>) src(%dma_wait3A_187 : memref<64x256xf32, #tpu.memory_space<hbm>>) dst(%dma_wait3A_184 : memref<64x256xf32, #tpu.memory_space<vmem>>)
      } else {
      }
      %add3A_104 = arith.constant 1 : i32
      %add3A_105 = arith.addi %mul3A_95, %add3A_104 : i32
      %mul3A_106 = arith.constant 32 : i32
      %mul3A_107 = arith.muli %add3A_105, %mul3A_106 : i32
      %add3A_108 = arith.addi %add3A, %mul3A_107 : i32
      %lt3A_109 = arith.constant 3906 : i32
      %lt3A_110 = arith.cmpi slt, %add3A_108, %lt3A_109 : i32
      %convert_element_type3A_111 = arith.extui %lt3A_110 : i1 to i32
      %cond3A_112 = arith.constant 0 : i32
      %cond3A_113 = arith.cmpi ne, %convert_element_type3A_111, %cond3A_112 : i32
      scf.if %cond3A_113 {
        %mul3A_174 = arith.constant 32 : i32
        %mul3A_175 = arith.muli %add3A_105, %mul3A_174 : i32
        %add3A_176 = arith.addi %add3A, %mul3A_175 : i32
        %mul3A_177 = arith.constant 256 : i32
        %mul3A_178 = arith.muli %add3A_176, %mul3A_177 : i32
        %dma_start3A = arith.constant 1 : i32
        %dma_start3A_179 = arith.constant 0 : i32
        %dma_start3A_180 = arith.constant 0 : i32
        %dma_start3A_181 = tpu.memref_slice %arg5[%dma_start3A, %dma_start3A_179, %dma_start3A_180] : memref<2x64x256xf32, #tpu.memory_space<vmem>> -> memref<1x64x256xf32, #tpu.memory_space<vmem>>
        %dma_start3A_182 = tpu.memref_squeeze %dma_start3A_181 : memref<1x64x256xf32, #tpu.memory_space<vmem>> -> memref<64x256xf32, #tpu.memory_space<vmem>>
        %dma_start3A_183 = arith.constant 0 : i32
        %dma_start3A_184 = tpu.memref_slice %arg2[%dma_start3A_183, %mul3A_178] : memref<64x1000000xf32, #tpu.memory_space<hbm>> -> memref<64x256xf32, #tpu.memory_space<hbm>>
        %dma_start3A_185 = arith.constant 0 : i32
        %dma_start3A_186 = arith.constant 0 : i32
        %dma_start3A_187 = tpu.memref_slice %arg5[%dma_start3A, %dma_start3A_185, %dma_start3A_186] : memref<2x64x256xf32, #tpu.memory_space<vmem>> -> memref<1x64x256xf32, #tpu.memory_space<vmem>>
        %dma_start3A_188 = tpu.memref_squeeze %dma_start3A_187 : memref<1x64x256xf32, #tpu.memory_space<vmem>> -> memref<64x256xf32, #tpu.memory_space<vmem>>
        %dma_start3A_189 = arith.constant 0 : i32
        %dma_start3A_190 = tpu.memref_slice %arg2[%dma_start3A_189, %mul3A_178] : memref<64x1000000xf32, #tpu.memory_space<hbm>> -> memref<64x256xf32, #tpu.memory_space<hbm>>
        tpu.enqueue_dma source(%dma_start3A_190 : memref<64x256xf32, #tpu.memory_space<hbm>>) target(%dma_start3A_188 : memref<64x256xf32, #tpu.memory_space<vmem>>) target_semaphore(%arg9 : memref<!tpu.dma_semaphore, #tpu.memory_space<semaphore_mem>>)
      } else {
      }
      %gt3A = arith.constant 0 : i32
      %gt3A_114 = arith.cmpi sgt, %scan3A_93, %gt3A : i32
      %convert_element_type3A_115 = arith.extui %gt3A_114 : i1 to i32
      %cond3A_116 = arith.constant 0 : i32
      %cond3A_117 = arith.cmpi ne, %convert_element_type3A_115, %cond3A_116 : i32
      scf.if %cond3A_117 {
        %sub3A = arith.constant 2 : i32
        %sub3A_174 = arith.subi %mul3A_95, %sub3A : i32
        %mul3A_175 = arith.constant 32 : i32
        %mul3A_176 = arith.muli %sub3A_174, %mul3A_175 : i32
        %add3A_177 = arith.addi %add3A, %mul3A_176 : i32
        %lt3A_178 = arith.constant 3906 : i32
        %lt3A_179 = arith.cmpi slt, %add3A_177, %lt3A_178 : i32
        %convert_element_type3A_180 = arith.extui %lt3A_179 : i1 to i32
        %cond3A_181 = arith.constant 0 : i32
        %cond3A_182 = arith.cmpi ne, %convert_element_type3A_180, %cond3A_181 : i32
        scf.if %cond3A_182 {
          %dma_wait3A = arith.constant 0 : i32
          %dma_wait3A_193 = arith.constant 0 : i32
          %dma_wait3A_194 = arith.constant 0 : i32
          %dma_wait3A_195 = tpu.memref_slice %arg6[%dma_wait3A, %dma_wait3A_193, %dma_wait3A_194] : memref<2x256x128xf32, #tpu.memory_space<vmem>> -> memref<1x256x128xf32, #tpu.memory_space<vmem>>
          %dma_wait3A_196 = tpu.memref_squeeze %dma_wait3A_195 : memref<1x256x128xf32, #tpu.memory_space<vmem>> -> memref<256x128xf32, #tpu.memory_space<vmem>>
          %dma_wait3A_197 = arith.constant 0 : i32
          %dma_wait3A_198 = arith.constant 0 : i32
          %dma_wait3A_199 = tpu.memref_slice %arg4[%dma_wait3A_197, %dma_wait3A_198] : memref<1000000x128xf32, #tpu.memory_space<hbm>> -> memref<256x128xf32, #tpu.memory_space<hbm>>
          %dma_wait3A_200 = arith.constant 0 : i32
          %dma_wait3A_201 = arith.constant 0 : i32
          %dma_wait3A_202 = tpu.memref_slice %arg6[%dma_wait3A, %dma_wait3A_200, %dma_wait3A_201] : memref<2x256x128xf32, #tpu.memory_space<vmem>> -> memref<1x256x128xf32, #tpu.memory_space<vmem>>
          %dma_wait3A_203 = tpu.memref_squeeze %dma_wait3A_202 : memref<1x256x128xf32, #tpu.memory_space<vmem>> -> memref<256x128xf32, #tpu.memory_space<vmem>>
          %dma_wait3A_204 = arith.constant 0 : i32
          %dma_wait3A_205 = arith.constant 0 : i32
          %dma_wait3A_206 = tpu.memref_slice %arg4[%dma_wait3A_204, %dma_wait3A_205] : memref<1000000x128xf32, #tpu.memory_space<hbm>> -> memref<256x128xf32, #tpu.memory_space<hbm>>
          tpu.wait_dma2 semaphore(%arg10 : memref<!tpu.dma_semaphore, #tpu.memory_space<semaphore_mem>>) src(%dma_wait3A_206 : memref<256x128xf32, #tpu.memory_space<hbm>>) dst(%dma_wait3A_203 : memref<256x128xf32, #tpu.memory_space<vmem>>)
        } else {
        }
        %sub3A_183 = arith.constant 1 : i32
        %sub3A_184 = arith.subi %mul3A_95, %sub3A_183 : i32
        %mul3A_185 = arith.constant 32 : i32
        %mul3A_186 = arith.muli %sub3A_184, %mul3A_185 : i32
        %add3A_187 = arith.addi %add3A, %mul3A_186 : i32
        %lt3A_188 = arith.constant 3906 : i32
        %lt3A_189 = arith.cmpi slt, %add3A_187, %lt3A_188 : i32
        %convert_element_type3A_190 = arith.extui %lt3A_189 : i1 to i32
        %cond3A_191 = arith.constant 0 : i32
        %cond3A_192 = arith.cmpi ne, %convert_element_type3A_190, %cond3A_191 : i32
        scf.if %cond3A_192 {
          %dma_wait3A = arith.constant 1 : i32
          %dma_wait3A_193 = arith.constant 0 : i32
          %dma_wait3A_194 = arith.constant 0 : i32
          %dma_wait3A_195 = tpu.memref_slice %arg6[%dma_wait3A, %dma_wait3A_193, %dma_wait3A_194] : memref<2x256x128xf32, #tpu.memory_space<vmem>> -> memref<1x256x128xf32, #tpu.memory_space<vmem>>
          %dma_wait3A_196 = tpu.memref_squeeze %dma_wait3A_195 : memref<1x256x128xf32, #tpu.memory_space<vmem>> -> memref<256x128xf32, #tpu.memory_space<vmem>>
          %dma_wait3A_197 = arith.constant 0 : i32
          %dma_wait3A_198 = arith.constant 0 : i32
          %dma_wait3A_199 = tpu.memref_slice %arg4[%dma_wait3A_197, %dma_wait3A_198] : memref<1000000x128xf32, #tpu.memory_space<hbm>> -> memref<256x128xf32, #tpu.memory_space<hbm>>
          %dma_wait3A_200 = arith.constant 0 : i32
          %dma_wait3A_201 = arith.constant 0 : i32
          %dma_wait3A_202 = tpu.memref_slice %arg6[%dma_wait3A, %dma_wait3A_200, %dma_wait3A_201] : memref<2x256x128xf32, #tpu.memory_space<vmem>> -> memref<1x256x128xf32, #tpu.memory_space<vmem>>
          %dma_wait3A_203 = tpu.memref_squeeze %dma_wait3A_202 : memref<1x256x128xf32, #tpu.memory_space<vmem>> -> memref<256x128xf32, #tpu.memory_space<vmem>>
          %dma_wait3A_204 = arith.constant 0 : i32
          %dma_wait3A_205 = arith.constant 0 : i32
          %dma_wait3A_206 = tpu.memref_slice %arg4[%dma_wait3A_204, %dma_wait3A_205] : memref<1000000x128xf32, #tpu.memory_space<hbm>> -> memref<256x128xf32, #tpu.memory_space<hbm>>
          tpu.wait_dma2 semaphore(%arg11 : memref<!tpu.dma_semaphore, #tpu.memory_space<semaphore_mem>>) src(%dma_wait3A_206 : memref<256x128xf32, #tpu.memory_space<hbm>>) dst(%dma_wait3A_203 : memref<256x128xf32, #tpu.memory_space<vmem>>)
        } else {
        }
      } else {
      }
      %mul3A_118 = arith.constant 32 : i32
      %mul3A_119 = arith.muli %mul3A_95, %mul3A_118 : i32
      %add3A_120 = arith.addi %add3A, %mul3A_119 : i32
      %lt3A_121 = arith.constant 3906 : i32
      %lt3A_122 = arith.cmpi slt, %add3A_120, %lt3A_121 : i32
      %convert_element_type3A_123 = arith.extui %lt3A_122 : i1 to i32
      %cond3A_124 = arith.constant 0 : i32
      %cond3A_125 = arith.cmpi ne, %convert_element_type3A_123, %cond3A_124 : i32
      scf.if %cond3A_125 {
        %scan3A_174 = arith.constant 0 : i32
        %scan3A_175 = arith.constant 64 : i32
        %scan3A_176 = arith.addi %scan3A_174, %scan3A_175 : i32
        %scan3A_177 = arith.constant 1 : i32
        %scan3A_178 = scf.for %scan3A_180 = %scan3A_174 to %scan3A_176 step %scan3A_177 iter_args(%scan3A_181 = %iota3A_64) -> (vector<16xi32>)  : i32 {
          %get3A = arith.constant 0 : i32
          %get3A_182 = arith.index_cast %get3A : i32 to index
          %get3A_183 = arith.index_cast %scan3A_180 : i32 to index
          %get3A_184 = arith.constant 0 : index
          %get3A_185 = tpu.vector_load %arg5[%get3A_182, %get3A_183, %get3A_184] {strides = array<i32>} : memref<2x64x256xf32, #tpu.memory_space<vmem>>, vector<16xf32>,
          %scatter3A = arith.constant 0 : i32
          %scatter3A_186 = arith.constant 0 : i32
          %scatter3A_187 = arith.constant 0 : i32
          %scatter3A_188 = tpu.memref_slice %arg6[%scatter3A, %scatter3A_186, %scatter3A_187] : memref<2x256x128xf32, #tpu.memory_space<vmem>> -> memref<1x256x128xf32, #tpu.memory_space<vmem>>
          %scatter3A_189 = tpu.memref_squeeze %scatter3A_188 : memref<1x256x128xf32, #tpu.memory_space<vmem>> -> memref<256x128xf32, #tpu.memory_space<vmem>>
          tpu.vector_store_idx %scatter3A_189[%add3A_3, %scan3A_181], %get3A_185 : memref<256x128xf32, #tpu.memory_space<vmem>>[vector<16xi32>, vector<16xi32>], vector<16xf32>,
          %get3A_190 = arith.constant 0 : i32
          %get3A_191 = arith.index_cast %get3A_190 : i32 to index
          %get3A_192 = arith.index_cast %scan3A_180 : i32 to index
          %get3A_193 = arith.constant 16 : index
          %get3A_194 = tpu.vector_load %arg5[%get3A_191, %get3A_192, %get3A_193] {strides = array<i32>} : memref<2x64x256xf32, #tpu.memory_space<vmem>>, vector<16xf32>,
          %scatter3A_195 = arith.constant 0 : i32
          %scatter3A_196 = arith.constant 0 : i32
          %scatter3A_197 = arith.constant 0 : i32
          %scatter3A_198 = tpu.memref_slice %arg6[%scatter3A_195, %scatter3A_196, %scatter3A_197] : memref<2x256x128xf32, #tpu.memory_space<vmem>> -> memref<1x256x128xf32, #tpu.memory_space<vmem>>
          %scatter3A_199 = tpu.memref_squeeze %scatter3A_198 : memref<1x256x128xf32, #tpu.memory_space<vmem>> -> memref<256x128xf32, #tpu.memory_space<vmem>>
          tpu.vector_store_idx %scatter3A_199[%add3A_7, %scan3A_181], %get3A_194 : memref<256x128xf32, #tpu.memory_space<vmem>>[vector<16xi32>, vector<16xi32>], vector<16xf32>,
          %get3A_200 = arith.constant 0 : i32
          %get3A_201 = arith.index_cast %get3A_200 : i32 to index
          %get3A_202 = arith.index_cast %scan3A_180 : i32 to index
          %get3A_203 = arith.constant 32 : index
          %get3A_204 = tpu.vector_load %arg5[%get3A_201, %get3A_202, %get3A_203] {strides = array<i32>} : memref<2x64x256xf32, #tpu.memory_space<vmem>>, vector<16xf32>,
          %scatter3A_205 = arith.constant 0 : i32
          %scatter3A_206 = arith.constant 0 : i32
          %scatter3A_207 = arith.constant 0 : i32
          %scatter3A_208 = tpu.memref_slice %arg6[%scatter3A_205, %scatter3A_206, %scatter3A_207] : memref<2x256x128xf32, #tpu.memory_space<vmem>> -> memref<1x256x128xf32, #tpu.memory_space<vmem>>
          %scatter3A_209 = tpu.memref_squeeze %scatter3A_208 : memref<1x256x128xf32, #tpu.memory_space<vmem>> -> memref<256x128xf32, #tpu.memory_space<vmem>>
          tpu.vector_store_idx %scatter3A_209[%add3A_11, %scan3A_181], %get3A_204 : memref<256x128xf32, #tpu.memory_space<vmem>>[vector<16xi32>, vector<16xi32>], vector<16xf32>,
          %get3A_210 = arith.constant 0 : i32
          %get3A_211 = arith.index_cast %get3A_210 : i32 to index
          %get3A_212 = arith.index_cast %scan3A_180 : i32 to index
          %get3A_213 = arith.constant 48 : index
          %get3A_214 = tpu.vector_load %arg5[%get3A_211, %get3A_212, %get3A_213] {strides = array<i32>} : memref<2x64x256xf32, #tpu.memory_space<vmem>>, vector<16xf32>,
          %scatter3A_215 = arith.constant 0 : i32
          %scatter3A_216 = arith.constant 0 : i32
          %scatter3A_217 = arith.constant 0 : i32
          %scatter3A_218 = tpu.memref_slice %arg6[%scatter3A_215, %scatter3A_216, %scatter3A_217] : memref<2x256x128xf32, #tpu.memory_space<vmem>> -> memref<1x256x128xf32, #tpu.memory_space<vmem>>
          %scatter3A_219 = tpu.memref_squeeze %scatter3A_218 : memref<1x256x128xf32, #tpu.memory_space<vmem>> -> memref<256x128xf32, #tpu.memory_space<vmem>>
          tpu.vector_store_idx %scatter3A_219[%add3A_15, %scan3A_181], %get3A_214 : memref<256x128xf32, #tpu.memory_space<vmem>>[vector<16xi32>, vector<16xi32>], vector<16xf32>,
          %get3A_220 = arith.constant 0 : i32
          %get3A_221 = arith.index_cast %get3A_220 : i32 to index
          %get3A_222 = arith.index_cast %scan3A_180 : i32 to index
          %get3A_223 = arith.constant 64 : index
          %get3A_224 = tpu.vector_load %arg5[%get3A_221, %get3A_222, %get3A_223] {strides = array<i32>} : memref<2x64x256xf32, #tpu.memory_space<vmem>>, vector<16xf32>,
          %scatter3A_225 = arith.constant 0 : i32
          %scatter3A_226 = arith.constant 0 : i32
          %scatter3A_227 = arith.constant 0 : i32
          %scatter3A_228 = tpu.memref_slice %arg6[%scatter3A_225, %scatter3A_226, %scatter3A_227] : memref<2x256x128xf32, #tpu.memory_space<vmem>> -> memref<1x256x128xf32, #tpu.memory_space<vmem>>
          %scatter3A_229 = tpu.memref_squeeze %scatter3A_228 : memref<1x256x128xf32, #tpu.memory_space<vmem>> -> memref<256x128xf32, #tpu.memory_space<vmem>>
          tpu.vector_store_idx %scatter3A_229[%add3A_19, %scan3A_181], %get3A_224 : memref<256x128xf32, #tpu.memory_space<vmem>>[vector<16xi32>, vector<16xi32>], vector<16xf32>,
          %get3A_230 = arith.constant 0 : i32
          %get3A_231 = arith.index_cast %get3A_230 : i32 to index
          %get3A_232 = arith.index_cast %scan3A_180 : i32 to index
          %get3A_233 = arith.constant 80 : index
          %get3A_234 = tpu.vector_load %arg5[%get3A_231, %get3A_232, %get3A_233] {strides = array<i32>} : memref<2x64x256xf32, #tpu.memory_space<vmem>>, vector<16xf32>,
          %scatter3A_235 = arith.constant 0 : i32
          %scatter3A_236 = arith.constant 0 : i32
          %scatter3A_237 = arith.constant 0 : i32
          %scatter3A_238 = tpu.memref_slice %arg6[%scatter3A_235, %scatter3A_236, %scatter3A_237] : memref<2x256x128xf32, #tpu.memory_space<vmem>> -> memref<1x256x128xf32, #tpu.memory_space<vmem>>
          %scatter3A_239 = tpu.memref_squeeze %scatter3A_238 : memref<1x256x128xf32, #tpu.memory_space<vmem>> -> memref<256x128xf32, #tpu.memory_space<vmem>>
          tpu.vector_store_idx %scatter3A_239[%add3A_23, %scan3A_181], %get3A_234 : memref<256x128xf32, #tpu.memory_space<vmem>>[vector<16xi32>, vector<16xi32>], vector<16xf32>,
          %get3A_240 = arith.constant 0 : i32
          %get3A_241 = arith.index_cast %get3A_240 : i32 to index
          %get3A_242 = arith.index_cast %scan3A_180 : i32 to index
          %get3A_243 = arith.constant 96 : index
          %get3A_244 = tpu.vector_load %arg5[%get3A_241, %get3A_242, %get3A_243] {strides = array<i32>} : memref<2x64x256xf32, #tpu.memory_space<vmem>>, vector<16xf32>,
          %scatter3A_245 = arith.constant 0 : i32
          %scatter3A_246 = arith.constant 0 : i32
          %scatter3A_247 = arith.constant 0 : i32
          %scatter3A_248 = tpu.memref_slice %arg6[%scatter3A_245, %scatter3A_246, %scatter3A_247] : memref<2x256x128xf32, #tpu.memory_space<vmem>> -> memref<1x256x128xf32, #tpu.memory_space<vmem>>
          %scatter3A_249 = tpu.memref_squeeze %scatter3A_248 : memref<1x256x128xf32, #tpu.memory_space<vmem>> -> memref<256x128xf32, #tpu.memory_space<vmem>>
          tpu.vector_store_idx %scatter3A_249[%add3A_27, %scan3A_181], %get3A_244 : memref<256x128xf32, #tpu.memory_space<vmem>>[vector<16xi32>, vector<16xi32>], vector<16xf32>,
          %get3A_250 = arith.constant 0 : i32
          %get3A_251 = arith.index_cast %get3A_250 : i32 to index
          %get3A_252 = arith.index_cast %scan3A_180 : i32 to index
          %get3A_253 = arith.constant 112 : index
          %get3A_254 = tpu.vector_load %arg5[%get3A_251, %get3A_252, %get3A_253] {strides = array<i32>} : memref<2x64x256xf32, #tpu.memory_space<vmem>>, vector<16xf32>,
          %scatter3A_255 = arith.constant 0 : i32
          %scatter3A_256 = arith.constant 0 : i32
          %scatter3A_257 = arith.constant 0 : i32
          %scatter3A_258 = tpu.memref_slice %arg6[%scatter3A_255, %scatter3A_256, %scatter3A_257] : memref<2x256x128xf32, #tpu.memory_space<vmem>> -> memref<1x256x128xf32, #tpu.memory_space<vmem>>
          %scatter3A_259 = tpu.memref_squeeze %scatter3A_258 : memref<1x256x128xf32, #tpu.memory_space<vmem>> -> memref<256x128xf32, #tpu.memory_space<vmem>>
          tpu.vector_store_idx %scatter3A_259[%add3A_31, %scan3A_181], %get3A_254 : memref<256x128xf32, #tpu.memory_space<vmem>>[vector<16xi32>, vector<16xi32>], vector<16xf32>,
          %get3A_260 = arith.constant 0 : i32
          %get3A_261 = arith.index_cast %get3A_260 : i32 to index
          %get3A_262 = arith.index_cast %scan3A_180 : i32 to index
          %get3A_263 = arith.constant 128 : index
          %get3A_264 = tpu.vector_load %arg5[%get3A_261, %get3A_262, %get3A_263] {strides = array<i32>} : memref<2x64x256xf32, #tpu.memory_space<vmem>>, vector<16xf32>,
          %scatter3A_265 = arith.constant 0 : i32
          %scatter3A_266 = arith.constant 0 : i32
          %scatter3A_267 = arith.constant 0 : i32
          %scatter3A_268 = tpu.memref_slice %arg6[%scatter3A_265, %scatter3A_266, %scatter3A_267] : memref<2x256x128xf32, #tpu.memory_space<vmem>> -> memref<1x256x128xf32, #tpu.memory_space<vmem>>
          %scatter3A_269 = tpu.memref_squeeze %scatter3A_268 : memref<1x256x128xf32, #tpu.memory_space<vmem>> -> memref<256x128xf32, #tpu.memory_space<vmem>>
          tpu.vector_store_idx %scatter3A_269[%add3A_35, %scan3A_181], %get3A_264 : memref<256x128xf32, #tpu.memory_space<vmem>>[vector<16xi32>, vector<16xi32>], vector<16xf32>,
          %get3A_270 = arith.constant 0 : i32
          %get3A_271 = arith.index_cast %get3A_270 : i32 to index
          %get3A_272 = arith.index_cast %scan3A_180 : i32 to index
          %get3A_273 = arith.constant 144 : index
          %get3A_274 = tpu.vector_load %arg5[%get3A_271, %get3A_272, %get3A_273] {strides = array<i32>} : memref<2x64x256xf32, #tpu.memory_space<vmem>>, vector<16xf32>,
          %scatter3A_275 = arith.constant 0 : i32
          %scatter3A_276 = arith.constant 0 : i32
          %scatter3A_277 = arith.constant 0 : i32
          %scatter3A_278 = tpu.memref_slice %arg6[%scatter3A_275, %scatter3A_276, %scatter3A_277] : memref<2x256x128xf32, #tpu.memory_space<vmem>> -> memref<1x256x128xf32, #tpu.memory_space<vmem>>
          %scatter3A_279 = tpu.memref_squeeze %scatter3A_278 : memref<1x256x128xf32, #tpu.memory_space<vmem>> -> memref<256x128xf32, #tpu.memory_space<vmem>>
          tpu.vector_store_idx %scatter3A_279[%add3A_39, %scan3A_181], %get3A_274 : memref<256x128xf32, #tpu.memory_space<vmem>>[vector<16xi32>, vector<16xi32>], vector<16xf32>,
          %get3A_280 = arith.constant 0 : i32
          %get3A_281 = arith.index_cast %get3A_280 : i32 to index
          %get3A_282 = arith.index_cast %scan3A_180 : i32 to index
          %get3A_283 = arith.constant 160 : index
          %get3A_284 = tpu.vector_load %arg5[%get3A_281, %get3A_282, %get3A_283] {strides = array<i32>} : memref<2x64x256xf32, #tpu.memory_space<vmem>>, vector<16xf32>,
          %scatter3A_285 = arith.constant 0 : i32
          %scatter3A_286 = arith.constant 0 : i32
          %scatter3A_287 = arith.constant 0 : i32
          %scatter3A_288 = tpu.memref_slice %arg6[%scatter3A_285, %scatter3A_286, %scatter3A_287] : memref<2x256x128xf32, #tpu.memory_space<vmem>> -> memref<1x256x128xf32, #tpu.memory_space<vmem>>
          %scatter3A_289 = tpu.memref_squeeze %scatter3A_288 : memref<1x256x128xf32, #tpu.memory_space<vmem>> -> memref<256x128xf32, #tpu.memory_space<vmem>>
          tpu.vector_store_idx %scatter3A_289[%add3A_43, %scan3A_181], %get3A_284 : memref<256x128xf32, #tpu.memory_space<vmem>>[vector<16xi32>, vector<16xi32>], vector<16xf32>,
          %get3A_290 = arith.constant 0 : i32
          %get3A_291 = arith.index_cast %get3A_290 : i32 to index
          %get3A_292 = arith.index_cast %scan3A_180 : i32 to index
          %get3A_293 = arith.constant 176 : index
          %get3A_294 = tpu.vector_load %arg5[%get3A_291, %get3A_292, %get3A_293] {strides = array<i32>} : memref<2x64x256xf32, #tpu.memory_space<vmem>>, vector<16xf32>,
          %scatter3A_295 = arith.constant 0 : i32
          %scatter3A_296 = arith.constant 0 : i32
          %scatter3A_297 = arith.constant 0 : i32
          %scatter3A_298 = tpu.memref_slice %arg6[%scatter3A_295, %scatter3A_296, %scatter3A_297] : memref<2x256x128xf32, #tpu.memory_space<vmem>> -> memref<1x256x128xf32, #tpu.memory_space<vmem>>
          %scatter3A_299 = tpu.memref_squeeze %scatter3A_298 : memref<1x256x128xf32, #tpu.memory_space<vmem>> -> memref<256x128xf32, #tpu.memory_space<vmem>>
          tpu.vector_store_idx %scatter3A_299[%add3A_47, %scan3A_181], %get3A_294 : memref<256x128xf32, #tpu.memory_space<vmem>>[vector<16xi32>, vector<16xi32>], vector<16xf32>,
          %get3A_300 = arith.constant 0 : i32
          %get3A_301 = arith.index_cast %get3A_300 : i32 to index
          %get3A_302 = arith.index_cast %scan3A_180 : i32 to index
          %get3A_303 = arith.constant 192 : index
          %get3A_304 = tpu.vector_load %arg5[%get3A_301, %get3A_302, %get3A_303] {strides = array<i32>} : memref<2x64x256xf32, #tpu.memory_space<vmem>>, vector<16xf32>,
          %scatter3A_305 = arith.constant 0 : i32
          %scatter3A_306 = arith.constant 0 : i32
          %scatter3A_307 = arith.constant 0 : i32
          %scatter3A_308 = tpu.memref_slice %arg6[%scatter3A_305, %scatter3A_306, %scatter3A_307] : memref<2x256x128xf32, #tpu.memory_space<vmem>> -> memref<1x256x128xf32, #tpu.memory_space<vmem>>
          %scatter3A_309 = tpu.memref_squeeze %scatter3A_308 : memref<1x256x128xf32, #tpu.memory_space<vmem>> -> memref<256x128xf32, #tpu.memory_space<vmem>>
          tpu.vector_store_idx %scatter3A_309[%add3A_51, %scan3A_181], %get3A_304 : memref<256x128xf32, #tpu.memory_space<vmem>>[vector<16xi32>, vector<16xi32>], vector<16xf32>,
          %get3A_310 = arith.constant 0 : i32
          %get3A_311 = arith.index_cast %get3A_310 : i32 to index
          %get3A_312 = arith.index_cast %scan3A_180 : i32 to index
          %get3A_313 = arith.constant 208 : index
          %get3A_314 = tpu.vector_load %arg5[%get3A_311, %get3A_312, %get3A_313] {strides = array<i32>} : memref<2x64x256xf32, #tpu.memory_space<vmem>>, vector<16xf32>,
          %scatter3A_315 = arith.constant 0 : i32
          %scatter3A_316 = arith.constant 0 : i32
          %scatter3A_317 = arith.constant 0 : i32
          %scatter3A_318 = tpu.memref_slice %arg6[%scatter3A_315, %scatter3A_316, %scatter3A_317] : memref<2x256x128xf32, #tpu.memory_space<vmem>> -> memref<1x256x128xf32, #tpu.memory_space<vmem>>
          %scatter3A_319 = tpu.memref_squeeze %scatter3A_318 : memref<1x256x128xf32, #tpu.memory_space<vmem>> -> memref<256x128xf32, #tpu.memory_space<vmem>>
          tpu.vector_store_idx %scatter3A_319[%add3A_55, %scan3A_181], %get3A_314 : memref<256x128xf32, #tpu.memory_space<vmem>>[vector<16xi32>, vector<16xi32>], vector<16xf32>,
          %get3A_320 = arith.constant 0 : i32
          %get3A_321 = arith.index_cast %get3A_320 : i32 to index
          %get3A_322 = arith.index_cast %scan3A_180 : i32 to index
          %get3A_323 = arith.constant 224 : index
          %get3A_324 = tpu.vector_load %arg5[%get3A_321, %get3A_322, %get3A_323] {strides = array<i32>} : memref<2x64x256xf32, #tpu.memory_space<vmem>>, vector<16xf32>,
          %scatter3A_325 = arith.constant 0 : i32
          %scatter3A_326 = arith.constant 0 : i32
          %scatter3A_327 = arith.constant 0 : i32
          %scatter3A_328 = tpu.memref_slice %arg6[%scatter3A_325, %scatter3A_326, %scatter3A_327] : memref<2x256x128xf32, #tpu.memory_space<vmem>> -> memref<1x256x128xf32, #tpu.memory_space<vmem>>
          %scatter3A_329 = tpu.memref_squeeze %scatter3A_328 : memref<1x256x128xf32, #tpu.memory_space<vmem>> -> memref<256x128xf32, #tpu.memory_space<vmem>>
          tpu.vector_store_idx %scatter3A_329[%add3A_59, %scan3A_181], %get3A_324 : memref<256x128xf32, #tpu.memory_space<vmem>>[vector<16xi32>, vector<16xi32>], vector<16xf32>,
          %get3A_330 = arith.constant 0 : i32
          %get3A_331 = arith.index_cast %get3A_330 : i32 to index
          %get3A_332 = arith.index_cast %scan3A_180 : i32 to index
          %get3A_333 = arith.constant 240 : index
          %get3A_334 = tpu.vector_load %arg5[%get3A_331, %get3A_332, %get3A_333] {strides = array<i32>} : memref<2x64x256xf32, #tpu.memory_space<vmem>>, vector<16xf32>,
          %scatter3A_335 = arith.constant 0 : i32
          %scatter3A_336 = arith.constant 0 : i32
          %scatter3A_337 = arith.constant 0 : i32
          %scatter3A_338 = tpu.memref_slice %arg6[%scatter3A_335, %scatter3A_336, %scatter3A_337] : memref<2x256x128xf32, #tpu.memory_space<vmem>> -> memref<1x256x128xf32, #tpu.memory_space<vmem>>
          %scatter3A_339 = tpu.memref_squeeze %scatter3A_338 : memref<1x256x128xf32, #tpu.memory_space<vmem>> -> memref<256x128xf32, #tpu.memory_space<vmem>>
          tpu.vector_store_idx %scatter3A_339[%add3A_63, %scan3A_181], %get3A_334 : memref<256x128xf32, #tpu.memory_space<vmem>>[vector<16xi32>, vector<16xi32>], vector<16xf32>,
          %add3A_340 = arith.addi %scan3A_181, %broadcast_in_dim3A_65 : vector<16xi32>
          scf.yield %add3A_340 : vector<16xi32>
        }
        %scan3A_179 = arith.constant 64 : i32
      } else {
      }
      %mul3A_126 = arith.constant 32 : i32
      %mul3A_127 = arith.muli %mul3A_95, %mul3A_126 : i32
      %add3A_128 = arith.addi %add3A, %mul3A_127 : i32
      %lt3A_129 = arith.constant 3906 : i32
      %lt3A_130 = arith.cmpi slt, %add3A_128, %lt3A_129 : i32
      %convert_element_type3A_131 = arith.extui %lt3A_130 : i1 to i32
      %cond3A_132 = arith.constant 0 : i32
      %cond3A_133 = arith.cmpi ne, %convert_element_type3A_131, %cond3A_132 : i32
      scf.if %cond3A_133 {
        %mul3A_174 = arith.constant 32 : i32
        %mul3A_175 = arith.muli %mul3A_95, %mul3A_174 : i32
        %add3A_176 = arith.addi %add3A, %mul3A_175 : i32
        %mul3A_177 = arith.constant 256 : i32
        %mul3A_178 = arith.muli %add3A_176, %mul3A_177 : i32
        %dma_start3A = arith.constant 0 : i32
        %dma_start3A_179 = arith.constant 0 : i32
        %dma_start3A_180 = arith.constant 0 : i32
        %dma_start3A_181 = tpu.memref_slice %arg6[%dma_start3A, %dma_start3A_179, %dma_start3A_180] : memref<2x256x128xf32, #tpu.memory_space<vmem>> -> memref<1x256x128xf32, #tpu.memory_space<vmem>>
        %dma_start3A_182 = tpu.memref_squeeze %dma_start3A_181 : memref<1x256x128xf32, #tpu.memory_space<vmem>> -> memref<256x128xf32, #tpu.memory_space<vmem>>
        %dma_start3A_183 = arith.constant 0 : i32
        %dma_start3A_184 = tpu.memref_slice %arg4[%mul3A_178, %dma_start3A_183] : memref<1000000x128xf32, #tpu.memory_space<hbm>> -> memref<256x128xf32, #tpu.memory_space<hbm>>
        %dma_start3A_185 = arith.constant 0 : i32
        %dma_start3A_186 = tpu.memref_slice %arg4[%mul3A_178, %dma_start3A_185] : memref<1000000x128xf32, #tpu.memory_space<hbm>> -> memref<256x128xf32, #tpu.memory_space<hbm>>
        %dma_start3A_187 = arith.constant 0 : i32
        %dma_start3A_188 = arith.constant 0 : i32
        %dma_start3A_189 = tpu.memref_slice %arg6[%dma_start3A, %dma_start3A_187, %dma_start3A_188] : memref<2x256x128xf32, #tpu.memory_space<vmem>> -> memref<1x256x128xf32, #tpu.memory_space<vmem>>
        %dma_start3A_190 = tpu.memref_squeeze %dma_start3A_189 : memref<1x256x128xf32, #tpu.memory_space<vmem>> -> memref<256x128xf32, #tpu.memory_space<vmem>>
        tpu.enqueue_dma source(%dma_start3A_190 : memref<256x128xf32, #tpu.memory_space<vmem>>) target(%dma_start3A_186 : memref<256x128xf32, #tpu.memory_space<hbm>>) target_semaphore(%arg10 : memref<!tpu.dma_semaphore, #tpu.memory_space<semaphore_mem>>)
      } else {
      }
      %add3A_134 = arith.constant 1 : i32
      %add3A_135 = arith.addi %mul3A_95, %add3A_134 : i32
      %mul3A_136 = arith.constant 32 : i32
      %mul3A_137 = arith.muli %add3A_135, %mul3A_136 : i32
      %add3A_138 = arith.addi %add3A, %mul3A_137 : i32
      %lt3A_139 = arith.constant 3906 : i32
      %lt3A_140 = arith.cmpi slt, %add3A_138, %lt3A_139 : i32
      %convert_element_type3A_141 = arith.extui %lt3A_140 : i1 to i32
      %cond3A_142 = arith.constant 0 : i32
      %cond3A_143 = arith.cmpi ne, %convert_element_type3A_141, %cond3A_142 : i32
      scf.if %cond3A_143 {
        %dma_wait3A = arith.constant 1 : i32
        %dma_wait3A_174 = arith.constant 0 : i32
        %dma_wait3A_175 = arith.constant 0 : i32
        %dma_wait3A_176 = tpu.memref_slice %arg5[%dma_wait3A, %dma_wait3A_174, %dma_wait3A_175] : memref<2x64x256xf32, #tpu.memory_space<vmem>> -> memref<1x64x256xf32, #tpu.memory_space<vmem>>
        %dma_wait3A_177 = tpu.memref_squeeze %dma_wait3A_176 : memref<1x64x256xf32, #tpu.memory_space<vmem>> -> memref<64x256xf32, #tpu.memory_space<vmem>>
        %dma_wait3A_178 = arith.constant 0 : i32
        %dma_wait3A_179 = arith.constant 0 : i32
        %dma_wait3A_180 = tpu.memref_slice %arg2[%dma_wait3A_178, %dma_wait3A_179] : memref<64x1000000xf32, #tpu.memory_space<hbm>> -> memref<64x256xf32, #tpu.memory_space<hbm>>
        %dma_wait3A_181 = arith.constant 0 : i32
        %dma_wait3A_182 = arith.constant 0 : i32
        %dma_wait3A_183 = tpu.memref_slice %arg5[%dma_wait3A, %dma_wait3A_181, %dma_wait3A_182] : memref<2x64x256xf32, #tpu.memory_space<vmem>> -> memref<1x64x256xf32, #tpu.memory_space<vmem>>
        %dma_wait3A_184 = tpu.memref_squeeze %dma_wait3A_183 : memref<1x64x256xf32, #tpu.memory_space<vmem>> -> memref<64x256xf32, #tpu.memory_space<vmem>>
        %dma_wait3A_185 = arith.constant 0 : i32
        %dma_wait3A_186 = arith.constant 0 : i32
        %dma_wait3A_187 = tpu.memref_slice %arg2[%dma_wait3A_185, %dma_wait3A_186] : memref<64x1000000xf32, #tpu.memory_space<hbm>> -> memref<64x256xf32, #tpu.memory_space<hbm>>
        tpu.wait_dma2 semaphore(%arg9 : memref<!tpu.dma_semaphore, #tpu.memory_space<semaphore_mem>>) src(%dma_wait3A_187 : memref<64x256xf32, #tpu.memory_space<hbm>>) dst(%dma_wait3A_184 : memref<64x256xf32, #tpu.memory_space<vmem>>)
      } else {
      }
      %add3A_144 = arith.constant 2 : i32
      %add3A_145 = arith.addi %mul3A_95, %add3A_144 : i32
      %mul3A_146 = arith.constant 32 : i32
      %mul3A_147 = arith.muli %add3A_145, %mul3A_146 : i32
      %add3A_148 = arith.addi %add3A, %mul3A_147 : i32
      %lt3A_149 = arith.constant 3906 : i32
      %lt3A_150 = arith.cmpi slt, %add3A_148, %lt3A_149 : i32
      %convert_element_type3A_151 = arith.extui %lt3A_150 : i1 to i32
      %cond3A_152 = arith.constant 0 : i32
      %cond3A_153 = arith.cmpi ne, %convert_element_type3A_151, %cond3A_152 : i32
      scf.if %cond3A_153 {
        %mul3A_174 = arith.constant 32 : i32
        %mul3A_175 = arith.muli %add3A_145, %mul3A_174 : i32
        %add3A_176 = arith.addi %add3A, %mul3A_175 : i32
        %mul3A_177 = arith.constant 256 : i32
        %mul3A_178 = arith.muli %add3A_176, %mul3A_177 : i32
        %dma_start3A = arith.constant 0 : i32
        %dma_start3A_179 = arith.constant 0 : i32
        %dma_start3A_180 = arith.constant 0 : i32
        %dma_start3A_181 = tpu.memref_slice %arg5[%dma_start3A, %dma_start3A_179, %dma_start3A_180] : memref<2x64x256xf32, #tpu.memory_space<vmem>> -> memref<1x64x256xf32, #tpu.memory_space<vmem>>
        %dma_start3A_182 = tpu.memref_squeeze %dma_start3A_181 : memref<1x64x256xf32, #tpu.memory_space<vmem>> -> memref<64x256xf32, #tpu.memory_space<vmem>>
        %dma_start3A_183 = arith.constant 0 : i32
        %dma_start3A_184 = tpu.memref_slice %arg2[%dma_start3A_183, %mul3A_178] : memref<64x1000000xf32, #tpu.memory_space<hbm>> -> memref<64x256xf32, #tpu.memory_space<hbm>>
        %dma_start3A_185 = arith.constant 0 : i32
        %dma_start3A_186 = arith.constant 0 : i32
        %dma_start3A_187 = tpu.memref_slice %arg5[%dma_start3A, %dma_start3A_185, %dma_start3A_186] : memref<2x64x256xf32, #tpu.memory_space<vmem>> -> memref<1x64x256xf32, #tpu.memory_space<vmem>>
        %dma_start3A_188 = tpu.memref_squeeze %dma_start3A_187 : memref<1x64x256xf32, #tpu.memory_space<vmem>> -> memref<64x256xf32, #tpu.memory_space<vmem>>
        %dma_start3A_189 = arith.constant 0 : i32
        %dma_start3A_190 = tpu.memref_slice %arg2[%dma_start3A_189, %mul3A_178] : memref<64x1000000xf32, #tpu.memory_space<hbm>> -> memref<64x256xf32, #tpu.memory_space<hbm>>
        tpu.enqueue_dma source(%dma_start3A_190 : memref<64x256xf32, #tpu.memory_space<hbm>>) target(%dma_start3A_188 : memref<64x256xf32, #tpu.memory_space<vmem>>) target_semaphore(%arg8 : memref<!tpu.dma_semaphore, #tpu.memory_space<semaphore_mem>>)
      } else {
      }
      %add3A_154 = arith.constant 1 : i32
      %add3A_155 = arith.addi %mul3A_95, %add3A_154 : i32
      %mul3A_156 = arith.constant 32 : i32
      %mul3A_157 = arith.muli %add3A_155, %mul3A_156 : i32
      %add3A_158 = arith.addi %add3A, %mul3A_157 : i32
      %lt3A_159 = arith.constant 3906 : i32
      %lt3A_160 = arith.cmpi slt, %add3A_158, %lt3A_159 : i32
      %convert_element_type3A_161 = arith.extui %lt3A_160 : i1 to i32
      %cond3A_162 = arith.constant 0 : i32
      %cond3A_163 = arith.cmpi ne, %convert_element_type3A_161, %cond3A_162 : i32
      scf.if %cond3A_163 {
        %scan3A_174 = arith.constant 0 : i32
        %scan3A_175 = arith.constant 64 : i32
        %scan3A_176 = arith.addi %scan3A_174, %scan3A_175 : i32
        %scan3A_177 = arith.constant 1 : i32
        %scan3A_178 = scf.for %scan3A_180 = %scan3A_174 to %scan3A_176 step %scan3A_177 iter_args(%scan3A_181 = %iota3A_64) -> (vector<16xi32>)  : i32 {
          %get3A = arith.constant 1 : i32
          %get3A_182 = arith.index_cast %get3A : i32 to index
          %get3A_183 = arith.index_cast %scan3A_180 : i32 to index
          %get3A_184 = arith.constant 0 : index
          %get3A_185 = tpu.vector_load %arg5[%get3A_182, %get3A_183, %get3A_184] {strides = array<i32>} : memref<2x64x256xf32, #tpu.memory_space<vmem>>, vector<16xf32>,
          %scatter3A = arith.constant 1 : i32
          %scatter3A_186 = arith.constant 0 : i32
          %scatter3A_187 = arith.constant 0 : i32
          %scatter3A_188 = tpu.memref_slice %arg6[%scatter3A, %scatter3A_186, %scatter3A_187] : memref<2x256x128xf32, #tpu.memory_space<vmem>> -> memref<1x256x128xf32, #tpu.memory_space<vmem>>
          %scatter3A_189 = tpu.memref_squeeze %scatter3A_188 : memref<1x256x128xf32, #tpu.memory_space<vmem>> -> memref<256x128xf32, #tpu.memory_space<vmem>>
          tpu.vector_store_idx %scatter3A_189[%add3A_3, %scan3A_181], %get3A_185 : memref<256x128xf32, #tpu.memory_space<vmem>>[vector<16xi32>, vector<16xi32>], vector<16xf32>,
          %get3A_190 = arith.constant 1 : i32
          %get3A_191 = arith.index_cast %get3A_190 : i32 to index
          %get3A_192 = arith.index_cast %scan3A_180 : i32 to index
          %get3A_193 = arith.constant 16 : index
          %get3A_194 = tpu.vector_load %arg5[%get3A_191, %get3A_192, %get3A_193] {strides = array<i32>} : memref<2x64x256xf32, #tpu.memory_space<vmem>>, vector<16xf32>,
          %scatter3A_195 = arith.constant 1 : i32
          %scatter3A_196 = arith.constant 0 : i32
          %scatter3A_197 = arith.constant 0 : i32
          %scatter3A_198 = tpu.memref_slice %arg6[%scatter3A_195, %scatter3A_196, %scatter3A_197] : memref<2x256x128xf32, #tpu.memory_space<vmem>> -> memref<1x256x128xf32, #tpu.memory_space<vmem>>
          %scatter3A_199 = tpu.memref_squeeze %scatter3A_198 : memref<1x256x128xf32, #tpu.memory_space<vmem>> -> memref<256x128xf32, #tpu.memory_space<vmem>>
          tpu.vector_store_idx %scatter3A_199[%add3A_7, %scan3A_181], %get3A_194 : memref<256x128xf32, #tpu.memory_space<vmem>>[vector<16xi32>, vector<16xi32>], vector<16xf32>,
          %get3A_200 = arith.constant 1 : i32
          %get3A_201 = arith.index_cast %get3A_200 : i32 to index
          %get3A_202 = arith.index_cast %scan3A_180 : i32 to index
          %get3A_203 = arith.constant 32 : index
          %get3A_204 = tpu.vector_load %arg5[%get3A_201, %get3A_202, %get3A_203] {strides = array<i32>} : memref<2x64x256xf32, #tpu.memory_space<vmem>>, vector<16xf32>,
          %scatter3A_205 = arith.constant 1 : i32
          %scatter3A_206 = arith.constant 0 : i32
          %scatter3A_207 = arith.constant 0 : i32
          %scatter3A_208 = tpu.memref_slice %arg6[%scatter3A_205, %scatter3A_206, %scatter3A_207] : memref<2x256x128xf32, #tpu.memory_space<vmem>> -> memref<1x256x128xf32, #tpu.memory_space<vmem>>
          %scatter3A_209 = tpu.memref_squeeze %scatter3A_208 : memref<1x256x128xf32, #tpu.memory_space<vmem>> -> memref<256x128xf32, #tpu.memory_space<vmem>>
          tpu.vector_store_idx %scatter3A_209[%add3A_11, %scan3A_181], %get3A_204 : memref<256x128xf32, #tpu.memory_space<vmem>>[vector<16xi32>, vector<16xi32>], vector<16xf32>,
          %get3A_210 = arith.constant 1 : i32
          %get3A_211 = arith.index_cast %get3A_210 : i32 to index
          %get3A_212 = arith.index_cast %scan3A_180 : i32 to index
          %get3A_213 = arith.constant 48 : index
          %get3A_214 = tpu.vector_load %arg5[%get3A_211, %get3A_212, %get3A_213] {strides = array<i32>} : memref<2x64x256xf32, #tpu.memory_space<vmem>>, vector<16xf32>,
          %scatter3A_215 = arith.constant 1 : i32
          %scatter3A_216 = arith.constant 0 : i32
          %scatter3A_217 = arith.constant 0 : i32
          %scatter3A_218 = tpu.memref_slice %arg6[%scatter3A_215, %scatter3A_216, %scatter3A_217] : memref<2x256x128xf32, #tpu.memory_space<vmem>> -> memref<1x256x128xf32, #tpu.memory_space<vmem>>
          %scatter3A_219 = tpu.memref_squeeze %scatter3A_218 : memref<1x256x128xf32, #tpu.memory_space<vmem>> -> memref<256x128xf32, #tpu.memory_space<vmem>>
          tpu.vector_store_idx %scatter3A_219[%add3A_15, %scan3A_181], %get3A_214 : memref<256x128xf32, #tpu.memory_space<vmem>>[vector<16xi32>, vector<16xi32>], vector<16xf32>,
          %get3A_220 = arith.constant 1 : i32
          %get3A_221 = arith.index_cast %get3A_220 : i32 to index
          %get3A_222 = arith.index_cast %scan3A_180 : i32 to index
          %get3A_223 = arith.constant 64 : index
          %get3A_224 = tpu.vector_load %arg5[%get3A_221, %get3A_222, %get3A_223] {strides = array<i32>} : memref<2x64x256xf32, #tpu.memory_space<vmem>>, vector<16xf32>,
          %scatter3A_225 = arith.constant 1 : i32
          %scatter3A_226 = arith.constant 0 : i32
          %scatter3A_227 = arith.constant 0 : i32
          %scatter3A_228 = tpu.memref_slice %arg6[%scatter3A_225, %scatter3A_226, %scatter3A_227] : memref<2x256x128xf32, #tpu.memory_space<vmem>> -> memref<1x256x128xf32, #tpu.memory_space<vmem>>
          %scatter3A_229 = tpu.memref_squeeze %scatter3A_228 : memref<1x256x128xf32, #tpu.memory_space<vmem>> -> memref<256x128xf32, #tpu.memory_space<vmem>>
          tpu.vector_store_idx %scatter3A_229[%add3A_19, %scan3A_181], %get3A_224 : memref<256x128xf32, #tpu.memory_space<vmem>>[vector<16xi32>, vector<16xi32>], vector<16xf32>,
          %get3A_230 = arith.constant 1 : i32
          %get3A_231 = arith.index_cast %get3A_230 : i32 to index
          %get3A_232 = arith.index_cast %scan3A_180 : i32 to index
          %get3A_233 = arith.constant 80 : index
          %get3A_234 = tpu.vector_load %arg5[%get3A_231, %get3A_232, %get3A_233] {strides = array<i32>} : memref<2x64x256xf32, #tpu.memory_space<vmem>>, vector<16xf32>,
          %scatter3A_235 = arith.constant 1 : i32
          %scatter3A_236 = arith.constant 0 : i32
          %scatter3A_237 = arith.constant 0 : i32
          %scatter3A_238 = tpu.memref_slice %arg6[%scatter3A_235, %scatter3A_236, %scatter3A_237] : memref<2x256x128xf32, #tpu.memory_space<vmem>> -> memref<1x256x128xf32, #tpu.memory_space<vmem>>
          %scatter3A_239 = tpu.memref_squeeze %scatter3A_238 : memref<1x256x128xf32, #tpu.memory_space<vmem>> -> memref<256x128xf32, #tpu.memory_space<vmem>>
          tpu.vector_store_idx %scatter3A_239[%add3A_23, %scan3A_181], %get3A_234 : memref<256x128xf32, #tpu.memory_space<vmem>>[vector<16xi32>, vector<16xi32>], vector<16xf32>,
          %get3A_240 = arith.constant 1 : i32
          %get3A_241 = arith.index_cast %get3A_240 : i32 to index
          %get3A_242 = arith.index_cast %scan3A_180 : i32 to index
          %get3A_243 = arith.constant 96 : index
          %get3A_244 = tpu.vector_load %arg5[%get3A_241, %get3A_242, %get3A_243] {strides = array<i32>} : memref<2x64x256xf32, #tpu.memory_space<vmem>>, vector<16xf32>,
          %scatter3A_245 = arith.constant 1 : i32
          %scatter3A_246 = arith.constant 0 : i32
          %scatter3A_247 = arith.constant 0 : i32
          %scatter3A_248 = tpu.memref_slice %arg6[%scatter3A_245, %scatter3A_246, %scatter3A_247] : memref<2x256x128xf32, #tpu.memory_space<vmem>> -> memref<1x256x128xf32, #tpu.memory_space<vmem>>
          %scatter3A_249 = tpu.memref_squeeze %scatter3A_248 : memref<1x256x128xf32, #tpu.memory_space<vmem>> -> memref<256x128xf32, #tpu.memory_space<vmem>>
          tpu.vector_store_idx %scatter3A_249[%add3A_27, %scan3A_181], %get3A_244 : memref<256x128xf32, #tpu.memory_space<vmem>>[vector<16xi32>, vector<16xi32>], vector<16xf32>,
          %get3A_250 = arith.constant 1 : i32
          %get3A_251 = arith.index_cast %get3A_250 : i32 to index
          %get3A_252 = arith.index_cast %scan3A_180 : i32 to index
          %get3A_253 = arith.constant 112 : index
          %get3A_254 = tpu.vector_load %arg5[%get3A_251, %get3A_252, %get3A_253] {strides = array<i32>} : memref<2x64x256xf32, #tpu.memory_space<vmem>>, vector<16xf32>,
          %scatter3A_255 = arith.constant 1 : i32
          %scatter3A_256 = arith.constant 0 : i32
          %scatter3A_257 = arith.constant 0 : i32
          %scatter3A_258 = tpu.memref_slice %arg6[%scatter3A_255, %scatter3A_256, %scatter3A_257] : memref<2x256x128xf32, #tpu.memory_space<vmem>> -> memref<1x256x128xf32, #tpu.memory_space<vmem>>
          %scatter3A_259 = tpu.memref_squeeze %scatter3A_258 : memref<1x256x128xf32, #tpu.memory_space<vmem>> -> memref<256x128xf32, #tpu.memory_space<vmem>>
          tpu.vector_store_idx %scatter3A_259[%add3A_31, %scan3A_181], %get3A_254 : memref<256x128xf32, #tpu.memory_space<vmem>>[vector<16xi32>, vector<16xi32>], vector<16xf32>,
          %get3A_260 = arith.constant 1 : i32
          %get3A_261 = arith.index_cast %get3A_260 : i32 to index
          %get3A_262 = arith.index_cast %scan3A_180 : i32 to index
          %get3A_263 = arith.constant 128 : index
          %get3A_264 = tpu.vector_load %arg5[%get3A_261, %get3A_262, %get3A_263] {strides = array<i32>} : memref<2x64x256xf32, #tpu.memory_space<vmem>>, vector<16xf32>,
          %scatter3A_265 = arith.constant 1 : i32
          %scatter3A_266 = arith.constant 0 : i32
          %scatter3A_267 = arith.constant 0 : i32
          %scatter3A_268 = tpu.memref_slice %arg6[%scatter3A_265, %scatter3A_266, %scatter3A_267] : memref<2x256x128xf32, #tpu.memory_space<vmem>> -> memref<1x256x128xf32, #tpu.memory_space<vmem>>
          %scatter3A_269 = tpu.memref_squeeze %scatter3A_268 : memref<1x256x128xf32, #tpu.memory_space<vmem>> -> memref<256x128xf32, #tpu.memory_space<vmem>>
          tpu.vector_store_idx %scatter3A_269[%add3A_35, %scan3A_181], %get3A_264 : memref<256x128xf32, #tpu.memory_space<vmem>>[vector<16xi32>, vector<16xi32>], vector<16xf32>,
          %get3A_270 = arith.constant 1 : i32
          %get3A_271 = arith.index_cast %get3A_270 : i32 to index
          %get3A_272 = arith.index_cast %scan3A_180 : i32 to index
          %get3A_273 = arith.constant 144 : index
          %get3A_274 = tpu.vector_load %arg5[%get3A_271, %get3A_272, %get3A_273] {strides = array<i32>} : memref<2x64x256xf32, #tpu.memory_space<vmem>>, vector<16xf32>,
          %scatter3A_275 = arith.constant 1 : i32
          %scatter3A_276 = arith.constant 0 : i32
          %scatter3A_277 = arith.constant 0 : i32
          %scatter3A_278 = tpu.memref_slice %arg6[%scatter3A_275, %scatter3A_276, %scatter3A_277] : memref<2x256x128xf32, #tpu.memory_space<vmem>> -> memref<1x256x128xf32, #tpu.memory_space<vmem>>
          %scatter3A_279 = tpu.memref_squeeze %scatter3A_278 : memref<1x256x128xf32, #tpu.memory_space<vmem>> -> memref<256x128xf32, #tpu.memory_space<vmem>>
          tpu.vector_store_idx %scatter3A_279[%add3A_39, %scan3A_181], %get3A_274 : memref<256x128xf32, #tpu.memory_space<vmem>>[vector<16xi32>, vector<16xi32>], vector<16xf32>,
          %get3A_280 = arith.constant 1 : i32
          %get3A_281 = arith.index_cast %get3A_280 : i32 to index
          %get3A_282 = arith.index_cast %scan3A_180 : i32 to index
          %get3A_283 = arith.constant 160 : index
          %get3A_284 = tpu.vector_load %arg5[%get3A_281, %get3A_282, %get3A_283] {strides = array<i32>} : memref<2x64x256xf32, #tpu.memory_space<vmem>>, vector<16xf32>,
          %scatter3A_285 = arith.constant 1 : i32
          %scatter3A_286 = arith.constant 0 : i32
          %scatter3A_287 = arith.constant 0 : i32
          %scatter3A_288 = tpu.memref_slice %arg6[%scatter3A_285, %scatter3A_286, %scatter3A_287] : memref<2x256x128xf32, #tpu.memory_space<vmem>> -> memref<1x256x128xf32, #tpu.memory_space<vmem>>
          %scatter3A_289 = tpu.memref_squeeze %scatter3A_288 : memref<1x256x128xf32, #tpu.memory_space<vmem>> -> memref<256x128xf32, #tpu.memory_space<vmem>>
          tpu.vector_store_idx %scatter3A_289[%add3A_43, %scan3A_181], %get3A_284 : memref<256x128xf32, #tpu.memory_space<vmem>>[vector<16xi32>, vector<16xi32>], vector<16xf32>,
          %get3A_290 = arith.constant 1 : i32
          %get3A_291 = arith.index_cast %get3A_290 : i32 to index
          %get3A_292 = arith.index_cast %scan3A_180 : i32 to index
          %get3A_293 = arith.constant 176 : index
          %get3A_294 = tpu.vector_load %arg5[%get3A_291, %get3A_292, %get3A_293] {strides = array<i32>} : memref<2x64x256xf32, #tpu.memory_space<vmem>>, vector<16xf32>,
          %scatter3A_295 = arith.constant 1 : i32
          %scatter3A_296 = arith.constant 0 : i32
          %scatter3A_297 = arith.constant 0 : i32
          %scatter3A_298 = tpu.memref_slice %arg6[%scatter3A_295, %scatter3A_296, %scatter3A_297] : memref<2x256x128xf32, #tpu.memory_space<vmem>> -> memref<1x256x128xf32, #tpu.memory_space<vmem>>
          %scatter3A_299 = tpu.memref_squeeze %scatter3A_298 : memref<1x256x128xf32, #tpu.memory_space<vmem>> -> memref<256x128xf32, #tpu.memory_space<vmem>>
          tpu.vector_store_idx %scatter3A_299[%add3A_47, %scan3A_181], %get3A_294 : memref<256x128xf32, #tpu.memory_space<vmem>>[vector<16xi32>, vector<16xi32>], vector<16xf32>,
          %get3A_300 = arith.constant 1 : i32
          %get3A_301 = arith.index_cast %get3A_300 : i32 to index
          %get3A_302 = arith.index_cast %scan3A_180 : i32 to index
          %get3A_303 = arith.constant 192 : index
          %get3A_304 = tpu.vector_load %arg5[%get3A_301, %get3A_302, %get3A_303] {strides = array<i32>} : memref<2x64x256xf32, #tpu.memory_space<vmem>>, vector<16xf32>,
          %scatter3A_305 = arith.constant 1 : i32
          %scatter3A_306 = arith.constant 0 : i32
          %scatter3A_307 = arith.constant 0 : i32
          %scatter3A_308 = tpu.memref_slice %arg6[%scatter3A_305, %scatter3A_306, %scatter3A_307] : memref<2x256x128xf32, #tpu.memory_space<vmem>> -> memref<1x256x128xf32, #tpu.memory_space<vmem>>
          %scatter3A_309 = tpu.memref_squeeze %scatter3A_308 : memref<1x256x128xf32, #tpu.memory_space<vmem>> -> memref<256x128xf32, #tpu.memory_space<vmem>>
          tpu.vector_store_idx %scatter3A_309[%add3A_51, %scan3A_181], %get3A_304 : memref<256x128xf32, #tpu.memory_space<vmem>>[vector<16xi32>, vector<16xi32>], vector<16xf32>,
          %get3A_310 = arith.constant 1 : i32
          %get3A_311 = arith.index_cast %get3A_310 : i32 to index
          %get3A_312 = arith.index_cast %scan3A_180 : i32 to index
          %get3A_313 = arith.constant 208 : index
          %get3A_314 = tpu.vector_load %arg5[%get3A_311, %get3A_312, %get3A_313] {strides = array<i32>} : memref<2x64x256xf32, #tpu.memory_space<vmem>>, vector<16xf32>,
          %scatter3A_315 = arith.constant 1 : i32
          %scatter3A_316 = arith.constant 0 : i32
          %scatter3A_317 = arith.constant 0 : i32
          %scatter3A_318 = tpu.memref_slice %arg6[%scatter3A_315, %scatter3A_316, %scatter3A_317] : memref<2x256x128xf32, #tpu.memory_space<vmem>> -> memref<1x256x128xf32, #tpu.memory_space<vmem>>
          %scatter3A_319 = tpu.memref_squeeze %scatter3A_318 : memref<1x256x128xf32, #tpu.memory_space<vmem>> -> memref<256x128xf32, #tpu.memory_space<vmem>>
          tpu.vector_store_idx %scatter3A_319[%add3A_55, %scan3A_181], %get3A_314 : memref<256x128xf32, #tpu.memory_space<vmem>>[vector<16xi32>, vector<16xi32>], vector<16xf32>,
          %get3A_320 = arith.constant 1 : i32
          %get3A_321 = arith.index_cast %get3A_320 : i32 to index
          %get3A_322 = arith.index_cast %scan3A_180 : i32 to index
          %get3A_323 = arith.constant 224 : index
          %get3A_324 = tpu.vector_load %arg5[%get3A_321, %get3A_322, %get3A_323] {strides = array<i32>} : memref<2x64x256xf32, #tpu.memory_space<vmem>>, vector<16xf32>,
          %scatter3A_325 = arith.constant 1 : i32
          %scatter3A_326 = arith.constant 0 : i32
          %scatter3A_327 = arith.constant 0 : i32
          %scatter3A_328 = tpu.memref_slice %arg6[%scatter3A_325, %scatter3A_326, %scatter3A_327] : memref<2x256x128xf32, #tpu.memory_space<vmem>> -> memref<1x256x128xf32, #tpu.memory_space<vmem>>
          %scatter3A_329 = tpu.memref_squeeze %scatter3A_328 : memref<1x256x128xf32, #tpu.memory_space<vmem>> -> memref<256x128xf32, #tpu.memory_space<vmem>>
          tpu.vector_store_idx %scatter3A_329[%add3A_59, %scan3A_181], %get3A_324 : memref<256x128xf32, #tpu.memory_space<vmem>>[vector<16xi32>, vector<16xi32>], vector<16xf32>,
          %get3A_330 = arith.constant 1 : i32
          %get3A_331 = arith.index_cast %get3A_330 : i32 to index
          %get3A_332 = arith.index_cast %scan3A_180 : i32 to index
          %get3A_333 = arith.constant 240 : index
          %get3A_334 = tpu.vector_load %arg5[%get3A_331, %get3A_332, %get3A_333] {strides = array<i32>} : memref<2x64x256xf32, #tpu.memory_space<vmem>>, vector<16xf32>,
          %scatter3A_335 = arith.constant 1 : i32
          %scatter3A_336 = arith.constant 0 : i32
          %scatter3A_337 = arith.constant 0 : i32
          %scatter3A_338 = tpu.memref_slice %arg6[%scatter3A_335, %scatter3A_336, %scatter3A_337] : memref<2x256x128xf32, #tpu.memory_space<vmem>> -> memref<1x256x128xf32, #tpu.memory_space<vmem>>
          %scatter3A_339 = tpu.memref_squeeze %scatter3A_338 : memref<1x256x128xf32, #tpu.memory_space<vmem>> -> memref<256x128xf32, #tpu.memory_space<vmem>>
          tpu.vector_store_idx %scatter3A_339[%add3A_63, %scan3A_181], %get3A_334 : memref<256x128xf32, #tpu.memory_space<vmem>>[vector<16xi32>, vector<16xi32>], vector<16xf32>,
          %add3A_340 = arith.addi %scan3A_181, %broadcast_in_dim3A_65 : vector<16xi32>
          scf.yield %add3A_340 : vector<16xi32>
        }
        %scan3A_179 = arith.constant 64 : i32
      } else {
      }
      %add3A_164 = arith.constant 1 : i32
      %add3A_165 = arith.addi %mul3A_95, %add3A_164 : i32
      %mul3A_166 = arith.constant 32 : i32
      %mul3A_167 = arith.muli %add3A_165, %mul3A_166 : i32
      %add3A_168 = arith.addi %add3A, %mul3A_167 : i32
      %lt3A_169 = arith.constant 3906 : i32
      %lt3A_170 = arith.cmpi slt, %add3A_168, %lt3A_169 : i32
      %convert_element_type3A_171 = arith.extui %lt3A_170 : i1 to i32
      %cond3A_172 = arith.constant 0 : i32
      %cond3A_173 = arith.cmpi ne, %convert_element_type3A_171, %cond3A_172 : i32
      scf.if %cond3A_173 {
        %mul3A_174 = arith.constant 32 : i32
        %mul3A_175 = arith.muli %add3A_165, %mul3A_174 : i32
        %add3A_176 = arith.addi %add3A, %mul3A_175 : i32
        %mul3A_177 = arith.constant 256 : i32
        %mul3A_178 = arith.muli %add3A_176, %mul3A_177 : i32
        %dma_start3A = arith.constant 1 : i32
        %dma_start3A_179 = arith.constant 0 : i32
        %dma_start3A_180 = arith.constant 0 : i32
        %dma_start3A_181 = tpu.memref_slice %arg6[%dma_start3A, %dma_start3A_179, %dma_start3A_180] : memref<2x256x128xf32, #tpu.memory_space<vmem>> -> memref<1x256x128xf32, #tpu.memory_space<vmem>>
        %dma_start3A_182 = tpu.memref_squeeze %dma_start3A_181 : memref<1x256x128xf32, #tpu.memory_space<vmem>> -> memref<256x128xf32, #tpu.memory_space<vmem>>
        %dma_start3A_183 = arith.constant 0 : i32
        %dma_start3A_184 = tpu.memref_slice %arg4[%mul3A_178, %dma_start3A_183] : memref<1000000x128xf32, #tpu.memory_space<hbm>> -> memref<256x128xf32, #tpu.memory_space<hbm>>
        %dma_start3A_185 = arith.constant 0 : i32
        %dma_start3A_186 = tpu.memref_slice %arg4[%mul3A_178, %dma_start3A_185] : memref<1000000x128xf32, #tpu.memory_space<hbm>> -> memref<256x128xf32, #tpu.memory_space<hbm>>
        %dma_start3A_187 = arith.constant 0 : i32
        %dma_start3A_188 = arith.constant 0 : i32
        %dma_start3A_189 = tpu.memref_slice %arg6[%dma_start3A, %dma_start3A_187, %dma_start3A_188] : memref<2x256x128xf32, #tpu.memory_space<vmem>> -> memref<1x256x128xf32, #tpu.memory_space<vmem>>
        %dma_start3A_190 = tpu.memref_squeeze %dma_start3A_189 : memref<1x256x128xf32, #tpu.memory_space<vmem>> -> memref<256x128xf32, #tpu.memory_space<vmem>>
        tpu.enqueue_dma source(%dma_start3A_190 : memref<256x128xf32, #tpu.memory_space<vmem>>) target(%dma_start3A_186 : memref<256x128xf32, #tpu.memory_space<hbm>>) target_semaphore(%arg11 : memref<!tpu.dma_semaphore, #tpu.memory_space<semaphore_mem>>)
      } else {
      }
    }
    %scan3A_74 = arith.constant 62 : i32
    %add3A_75 = arith.constant 3904 : i32
    %add3A_76 = arith.addi %add3A, %add3A_75 : i32
    %lt3A_77 = arith.constant 3906 : i32
    %lt3A_78 = arith.cmpi slt, %add3A_76, %lt3A_77 : i32
    %convert_element_type3A_79 = arith.extui %lt3A_78 : i1 to i32
    %cond3A_80 = arith.constant 0 : i32
    %cond3A_81 = arith.cmpi ne, %convert_element_type3A_79, %cond3A_80 : i32
    scf.if %cond3A_81 {
      %dma_wait3A = arith.constant 0 : i32
      %dma_wait3A_93 = arith.constant 0 : i32
      %dma_wait3A_94 = arith.constant 0 : i32
      %dma_wait3A_95 = tpu.memref_slice %arg6[%dma_wait3A, %dma_wait3A_93, %dma_wait3A_94] : memref<2x256x128xf32, #tpu.memory_space<vmem>> -> memref<1x256x128xf32, #tpu.memory_space<vmem>>
      %dma_wait3A_96 = tpu.memref_squeeze %dma_wait3A_95 : memref<1x256x128xf32, #tpu.memory_space<vmem>> -> memref<256x128xf32, #tpu.memory_space<vmem>>
      %dma_wait3A_97 = arith.constant 0 : i32
      %dma_wait3A_98 = arith.constant 0 : i32
      %dma_wait3A_99 = tpu.memref_slice %arg4[%dma_wait3A_97, %dma_wait3A_98] : memref<1000000x128xf32, #tpu.memory_space<hbm>> -> memref<256x128xf32, #tpu.memory_space<hbm>>
      %dma_wait3A_100 = arith.constant 0 : i32
      %dma_wait3A_101 = arith.constant 0 : i32
      %dma_wait3A_102 = tpu.memref_slice %arg6[%dma_wait3A, %dma_wait3A_100, %dma_wait3A_101] : memref<2x256x128xf32, #tpu.memory_space<vmem>> -> memref<1x256x128xf32, #tpu.memory_space<vmem>>
      %dma_wait3A_103 = tpu.memref_squeeze %dma_wait3A_102 : memref<1x256x128xf32, #tpu.memory_space<vmem>> -> memref<256x128xf32, #tpu.memory_space<vmem>>
      %dma_wait3A_104 = arith.constant 0 : i32
      %dma_wait3A_105 = arith.constant 0 : i32
      %dma_wait3A_106 = tpu.memref_slice %arg4[%dma_wait3A_104, %dma_wait3A_105] : memref<1000000x128xf32, #tpu.memory_space<hbm>> -> memref<256x128xf32, #tpu.memory_space<hbm>>
      tpu.wait_dma2 semaphore(%arg10 : memref<!tpu.dma_semaphore, #tpu.memory_space<semaphore_mem>>) src(%dma_wait3A_106 : memref<256x128xf32, #tpu.memory_space<hbm>>) dst(%dma_wait3A_103 : memref<256x128xf32, #tpu.memory_space<vmem>>)
    } else {
    }
    %add3A_82 = arith.constant 3936 : i32
    %add3A_83 = arith.addi %add3A, %add3A_82 : i32
    %lt3A_84 = arith.constant 3906 : i32
    %lt3A_85 = arith.cmpi slt, %add3A_83, %lt3A_84 : i32
    %convert_element_type3A_86 = arith.extui %lt3A_85 : i1 to i32
    %cond3A_87 = arith.constant 0 : i32
    %cond3A_88 = arith.cmpi ne, %convert_element_type3A_86, %cond3A_87 : i32
    scf.if %cond3A_88 {
      %dma_wait3A = arith.constant 1 : i32
      %dma_wait3A_93 = arith.constant 0 : i32
      %dma_wait3A_94 = arith.constant 0 : i32
      %dma_wait3A_95 = tpu.memref_slice %arg6[%dma_wait3A, %dma_wait3A_93, %dma_wait3A_94] : memref<2x256x128xf32, #tpu.memory_space<vmem>> -> memref<1x256x128xf32, #tpu.memory_space<vmem>>
      %dma_wait3A_96 = tpu.memref_squeeze %dma_wait3A_95 : memref<1x256x128xf32, #tpu.memory_space<vmem>> -> memref<256x128xf32, #tpu.memory_space<vmem>>
      %dma_wait3A_97 = arith.constant 0 : i32
      %dma_wait3A_98 = arith.constant 0 : i32
      %dma_wait3A_99 = tpu.memref_slice %arg4[%dma_wait3A_97, %dma_wait3A_98] : memref<1000000x128xf32, #tpu.memory_space<hbm>> -> memref<256x128xf32, #tpu.memory_space<hbm>>
      %dma_wait3A_100 = arith.constant 0 : i32
      %dma_wait3A_101 = arith.constant 0 : i32
      %dma_wait3A_102 = tpu.memref_slice %arg6[%dma_wait3A, %dma_wait3A_100, %dma_wait3A_101] : memref<2x256x128xf32, #tpu.memory_space<vmem>> -> memref<1x256x128xf32, #tpu.memory_space<vmem>>
      %dma_wait3A_103 = tpu.memref_squeeze %dma_wait3A_102 : memref<1x256x128xf32, #tpu.memory_space<vmem>> -> memref<256x128xf32, #tpu.memory_space<vmem>>
      %dma_wait3A_104 = arith.constant 0 : i32
      %dma_wait3A_105 = arith.constant 0 : i32
      %dma_wait3A_106 = tpu.memref_slice %arg4[%dma_wait3A_104, %dma_wait3A_105] : memref<1000000x128xf32, #tpu.memory_space<hbm>> -> memref<256x128xf32, #tpu.memory_space<hbm>>
      tpu.wait_dma2 semaphore(%arg11 : memref<!tpu.dma_semaphore, #tpu.memory_space<semaphore_mem>>) src(%dma_wait3A_106 : memref<256x128xf32, #tpu.memory_space<hbm>>) dst(%dma_wait3A_103 : memref<256x128xf32, #tpu.memory_space<vmem>>)
    } else {
    }
    %eq3A = arith.constant 31 : i32
    %eq3A_89 = arith.cmpi eq, %add3A, %eq3A : i32
    %convert_element_type3A_90 = arith.extui %eq3A_89 : i1 to i32
    %cond3A_91 = arith.constant 0 : i32
    %cond3A_92 = arith.cmpi ne, %convert_element_type3A_90, %cond3A_91 : i32
    scf.if %cond3A_92 {
      tpu.enqueue_dma source(%arg3 : memref<32x128xf32, #tpu.memory_space<hbm>>) target(%arg7 : memref<32x128xf32, #tpu.memory_space<vmem>>) target_semaphore(%arg8 : memref<!tpu.dma_semaphore, #tpu.memory_space<semaphore_mem>>)
      tpu.wait_dma2 semaphore(%arg8 : memref<!tpu.dma_semaphore, #tpu.memory_space<semaphore_mem>>) src(%arg3 : memref<32x128xf32, #tpu.memory_space<hbm>>) dst(%arg7 : memref<32x128xf32, #tpu.memory_space<vmem>>)
      %and3A = arith.constant 15 : i32
      %and3A_93 = vector.broadcast %and3A : i32 to vector<16xi32>
      %and3A_94 = arith.andi %iota3A_64, %and3A_93 : vector<16xi32>
      %mul3A_95 = arith.constant 0 : i32
      %mul3A_96 = vector.broadcast %mul3A_95 : i32 to vector<16xi32>
      %mul3A_97 = arith.muli %iota3A_64, %mul3A_96 : vector<16xi32>
      %scan3A_98 = arith.constant 0 : i32
      %scan3A_99 = arith.constant 64 : i32
      %scan3A_100 = arith.addi %scan3A_98, %scan3A_99 : i32
      %scan3A_101 = arith.constant 1 : i32
      %scan3A_102:2 = scf.for %scan3A_132 = %scan3A_98 to %scan3A_100 step %scan3A_101 iter_args(%scan3A_133 = %and3A_94, %scan3A_134 = %mul3A_97) -> (vector<16xi32>, vector<16xi32>)  : i32 {
        %add3A_135 = arith.constant 0 : i32
        %add3A_136 = vector.broadcast %add3A_135 : i32 to vector<16xi32>
        %add3A_137 = arith.addi %add3A_136, %iota3A_64 : vector<16xi32>
        %shift_right_arithmetic3A = arith.constant 1 : i32
        %shift_right_arithmetic3A_138 = vector.broadcast %shift_right_arithmetic3A : i32 to vector<16xi32>
        %shift_right_arithmetic3A_139 = arith.shrsi %add3A_137, %shift_right_arithmetic3A_138 : vector<16xi32>
        %and3A_140 = arith.constant 1 : i32
        %and3A_141 = vector.broadcast %and3A_140 : i32 to vector<16xi32>
        %and3A_142 = arith.andi %add3A_137, %and3A_141 : vector<16xi32>
        %mul3A_143 = arith.constant 64 : i32
        %mul3A_144 = vector.broadcast %mul3A_143 : i32 to vector<16xi32>
        %mul3A_145 = arith.muli %and3A_142, %mul3A_144 : vector<16xi32>
        %add3A_146 = arith.addi %scan3A_134, %mul3A_145 : vector<16xi32>
        %gather3A = tpu.vector_load_idx %arg7[%shift_right_arithmetic3A_139, %add3A_146] : memref<32x128xf32, #tpu.memory_space<vmem>>[vector<16xi32>, vector<16xi32>], vector<16xf32>,
        %scatter3A = arith.constant 0 : i32
        %scatter3A_147 = arith.constant 0 : i32
        %scatter3A_148 = arith.constant 0 : i32
        %scatter3A_149 = tpu.memref_slice %arg6[%scatter3A, %scatter3A_147, %scatter3A_148] : memref<2x256x128xf32, #tpu.memory_space<vmem>> -> memref<1x256x128xf32, #tpu.memory_space<vmem>>
        %scatter3A_150 = tpu.memref_squeeze %scatter3A_149 : memref<1x256x128xf32, #tpu.memory_space<vmem>> -> memref<256x128xf32, #tpu.memory_space<vmem>>
        tpu.vector_store_idx %scatter3A_150[%add3A_137, %scan3A_133], %gather3A : memref<256x128xf32, #tpu.memory_space<vmem>>[vector<16xi32>, vector<16xi32>], vector<16xf32>,
        %add3A_151 = arith.constant 16 : i32
        %add3A_152 = vector.broadcast %add3A_151 : i32 to vector<16xi32>
        %add3A_153 = arith.addi %add3A_152, %iota3A_64 : vector<16xi32>
        %shift_right_arithmetic3A_154 = arith.constant 1 : i32
        %shift_right_arithmetic3A_155 = vector.broadcast %shift_right_arithmetic3A_154 : i32 to vector<16xi32>
        %shift_right_arithmetic3A_156 = arith.shrsi %add3A_153, %shift_right_arithmetic3A_155 : vector<16xi32>
        %and3A_157 = arith.constant 1 : i32
        %and3A_158 = vector.broadcast %and3A_157 : i32 to vector<16xi32>
        %and3A_159 = arith.andi %add3A_153, %and3A_158 : vector<16xi32>
        %mul3A_160 = arith.constant 64 : i32
        %mul3A_161 = vector.broadcast %mul3A_160 : i32 to vector<16xi32>
        %mul3A_162 = arith.muli %and3A_159, %mul3A_161 : vector<16xi32>
        %add3A_163 = arith.addi %scan3A_134, %mul3A_162 : vector<16xi32>
        %gather3A_164 = tpu.vector_load_idx %arg7[%shift_right_arithmetic3A_156, %add3A_163] : memref<32x128xf32, #tpu.memory_space<vmem>>[vector<16xi32>, vector<16xi32>], vector<16xf32>,
        %scatter3A_165 = arith.constant 0 : i32
        %scatter3A_166 = arith.constant 0 : i32
        %scatter3A_167 = arith.constant 0 : i32
        %scatter3A_168 = tpu.memref_slice %arg6[%scatter3A_165, %scatter3A_166, %scatter3A_167] : memref<2x256x128xf32, #tpu.memory_space<vmem>> -> memref<1x256x128xf32, #tpu.memory_space<vmem>>
        %scatter3A_169 = tpu.memref_squeeze %scatter3A_168 : memref<1x256x128xf32, #tpu.memory_space<vmem>> -> memref<256x128xf32, #tpu.memory_space<vmem>>
        tpu.vector_store_idx %scatter3A_169[%add3A_153, %scan3A_133], %gather3A_164 : memref<256x128xf32, #tpu.memory_space<vmem>>[vector<16xi32>, vector<16xi32>], vector<16xf32>,
        %add3A_170 = arith.constant 32 : i32
        %add3A_171 = vector.broadcast %add3A_170 : i32 to vector<16xi32>
        %add3A_172 = arith.addi %add3A_171, %iota3A_64 : vector<16xi32>
        %shift_right_arithmetic3A_173 = arith.constant 1 : i32
        %shift_right_arithmetic3A_174 = vector.broadcast %shift_right_arithmetic3A_173 : i32 to vector<16xi32>
        %shift_right_arithmetic3A_175 = arith.shrsi %add3A_172, %shift_right_arithmetic3A_174 : vector<16xi32>
        %and3A_176 = arith.constant 1 : i32
        %and3A_177 = vector.broadcast %and3A_176 : i32 to vector<16xi32>
        %and3A_178 = arith.andi %add3A_172, %and3A_177 : vector<16xi32>
        %mul3A_179 = arith.constant 64 : i32
        %mul3A_180 = vector.broadcast %mul3A_179 : i32 to vector<16xi32>
        %mul3A_181 = arith.muli %and3A_178, %mul3A_180 : vector<16xi32>
        %add3A_182 = arith.addi %scan3A_134, %mul3A_181 : vector<16xi32>
        %gather3A_183 = tpu.vector_load_idx %arg7[%shift_right_arithmetic3A_175, %add3A_182] : memref<32x128xf32, #tpu.memory_space<vmem>>[vector<16xi32>, vector<16xi32>], vector<16xf32>,
        %scatter3A_184 = arith.constant 0 : i32
        %scatter3A_185 = arith.constant 0 : i32
        %scatter3A_186 = arith.constant 0 : i32
        %scatter3A_187 = tpu.memref_slice %arg6[%scatter3A_184, %scatter3A_185, %scatter3A_186] : memref<2x256x128xf32, #tpu.memory_space<vmem>> -> memref<1x256x128xf32, #tpu.memory_space<vmem>>
        %scatter3A_188 = tpu.memref_squeeze %scatter3A_187 : memref<1x256x128xf32, #tpu.memory_space<vmem>> -> memref<256x128xf32, #tpu.memory_space<vmem>>
        tpu.vector_store_idx %scatter3A_188[%add3A_172, %scan3A_133], %gather3A_183 : memref<256x128xf32, #tpu.memory_space<vmem>>[vector<16xi32>, vector<16xi32>], vector<16xf32>,
        %add3A_189 = arith.constant 48 : i32
        %add3A_190 = vector.broadcast %add3A_189 : i32 to vector<16xi32>
        %add3A_191 = arith.addi %add3A_190, %iota3A_64 : vector<16xi32>
        %shift_right_arithmetic3A_192 = arith.constant 1 : i32
        %shift_right_arithmetic3A_193 = vector.broadcast %shift_right_arithmetic3A_192 : i32 to vector<16xi32>
        %shift_right_arithmetic3A_194 = arith.shrsi %add3A_191, %shift_right_arithmetic3A_193 : vector<16xi32>
        %and3A_195 = arith.constant 1 : i32
        %and3A_196 = vector.broadcast %and3A_195 : i32 to vector<16xi32>
        %and3A_197 = arith.andi %add3A_191, %and3A_196 : vector<16xi32>
        %mul3A_198 = arith.constant 64 : i32
        %mul3A_199 = vector.broadcast %mul3A_198 : i32 to vector<16xi32>
        %mul3A_200 = arith.muli %and3A_197, %mul3A_199 : vector<16xi32>
        %add3A_201 = arith.addi %scan3A_134, %mul3A_200 : vector<16xi32>
        %gather3A_202 = tpu.vector_load_idx %arg7[%shift_right_arithmetic3A_194, %add3A_201] : memref<32x128xf32, #tpu.memory_space<vmem>>[vector<16xi32>, vector<16xi32>], vector<16xf32>,
        %scatter3A_203 = arith.constant 0 : i32
        %scatter3A_204 = arith.constant 0 : i32
        %scatter3A_205 = arith.constant 0 : i32
        %scatter3A_206 = tpu.memref_slice %arg6[%scatter3A_203, %scatter3A_204, %scatter3A_205] : memref<2x256x128xf32, #tpu.memory_space<vmem>> -> memref<1x256x128xf32, #tpu.memory_space<vmem>>
        %scatter3A_207 = tpu.memref_squeeze %scatter3A_206 : memref<1x256x128xf32, #tpu.memory_space<vmem>> -> memref<256x128xf32, #tpu.memory_space<vmem>>
        tpu.vector_store_idx %scatter3A_207[%add3A_191, %scan3A_133], %gather3A_202 : memref<256x128xf32, #tpu.memory_space<vmem>>[vector<16xi32>, vector<16xi32>], vector<16xf32>,
        %add3A_208 = arith.addi %scan3A_133, %broadcast_in_dim3A_65 : vector<16xi32>
        %add3A_209 = arith.addi %scan3A_134, %broadcast_in_dim3A_65 : vector<16xi32>
        scf.yield %add3A_208, %add3A_209 : vector<16xi32>, vector<16xi32>
      }
      %scan3A_103 = arith.constant 64 : i32
      %dma_start3A = arith.constant 0 : i32
      %dma_start3A_104 = arith.constant 0 : i32
      %dma_start3A_105 = arith.constant 0 : i32
      %dma_start3A_106 = tpu.memref_slice %arg6[%dma_start3A, %dma_start3A_104, %dma_start3A_105] : memref<2x256x128xf32, #tpu.memory_space<vmem>> -> memref<1x64x128xf32, #tpu.memory_space<vmem>>
      %dma_start3A_107 = tpu.memref_squeeze %dma_start3A_106 : memref<1x64x128xf32, #tpu.memory_space<vmem>> -> memref<64x128xf32, #tpu.memory_space<vmem>>
      %dma_start3A_108 = arith.constant 999936 : i32
      %dma_start3A_109 = arith.constant 0 : i32
      %dma_start3A_110 = tpu.memref_slice %arg4[%dma_start3A_108, %dma_start3A_109] : memref<1000000x128xf32, #tpu.memory_space<hbm>> -> memref<64x128xf32, #tpu.memory_space<hbm>>
      %dma_start3A_111 = arith.constant 999936 : i32
      %dma_start3A_112 = arith.constant 0 : i32
      %dma_start3A_113 = tpu.memref_slice %arg4[%dma_start3A_111, %dma_start3A_112] : memref<1000000x128xf32, #tpu.memory_space<hbm>> -> memref<64x128xf32, #tpu.memory_space<hbm>>
      %dma_start3A_114 = arith.constant 0 : i32
      %dma_start3A_115 = arith.constant 0 : i32
      %dma_start3A_116 = tpu.memref_slice %arg6[%dma_start3A, %dma_start3A_114, %dma_start3A_115] : memref<2x256x128xf32, #tpu.memory_space<vmem>> -> memref<1x64x128xf32, #tpu.memory_space<vmem>>
      %dma_start3A_117 = tpu.memref_squeeze %dma_start3A_116 : memref<1x64x128xf32, #tpu.memory_space<vmem>> -> memref<64x128xf32, #tpu.memory_space<vmem>>
      tpu.enqueue_dma source(%dma_start3A_117 : memref<64x128xf32, #tpu.memory_space<vmem>>) target(%dma_start3A_113 : memref<64x128xf32, #tpu.memory_space<hbm>>) target_semaphore(%arg8 : memref<!tpu.dma_semaphore, #tpu.memory_space<semaphore_mem>>)
      %dma_wait3A = arith.constant 0 : i32
      %dma_wait3A_118 = arith.constant 0 : i32
      %dma_wait3A_119 = arith.constant 0 : i32
      %dma_wait3A_120 = tpu.memref_slice %arg6[%dma_wait3A, %dma_wait3A_118, %dma_wait3A_119] : memref<2x256x128xf32, #tpu.memory_space<vmem>> -> memref<1x64x128xf32, #tpu.memory_space<vmem>>
      %dma_wait3A_121 = tpu.memref_squeeze %dma_wait3A_120 : memref<1x64x128xf32, #tpu.memory_space<vmem>> -> memref<64x128xf32, #tpu.memory_space<vmem>>
      %dma_wait3A_122 = arith.constant 999936 : i32
      %dma_wait3A_123 = arith.constant 0 : i32
      %dma_wait3A_124 = tpu.memref_slice %arg4[%dma_wait3A_122, %dma_wait3A_123] : memref<1000000x128xf32, #tpu.memory_space<hbm>> -> memref<64x128xf32, #tpu.memory_space<hbm>>
      %dma_wait3A_125 = arith.constant 999936 : i32
      %dma_wait3A_126 = arith.constant 0 : i32
      %dma_wait3A_127 = tpu.memref_slice %arg4[%dma_wait3A_125, %dma_wait3A_126] : memref<1000000x128xf32, #tpu.memory_space<hbm>> -> memref<64x128xf32, #tpu.memory_space<hbm>>
      %dma_wait3A_128 = arith.constant 0 : i32
      %dma_wait3A_129 = arith.constant 0 : i32
      %dma_wait3A_130 = tpu.memref_slice %arg6[%dma_wait3A, %dma_wait3A_128, %dma_wait3A_129] : memref<2x256x128xf32, #tpu.memory_space<vmem>> -> memref<1x64x128xf32, #tpu.memory_space<vmem>>
      %dma_wait3A_131 = tpu.memref_squeeze %dma_wait3A_130 : memref<1x64x128xf32, #tpu.memory_space<vmem>> -> memref<64x128xf32, #tpu.memory_space<vmem>>
      tpu.wait_dma2 semaphore(%arg8 : memref<!tpu.dma_semaphore, #tpu.memory_space<semaphore_mem>>) src(%dma_wait3A_131 : memref<64x128xf32, #tpu.memory_space<vmem>>) dst(%dma_wait3A_127 : memref<64x128xf32, #tpu.memory_space<hbm>>)
    } else {
    }
    return
  }
}

#map = affine_map<(d0, d1) -> (0, 0)>
#map1 = affine_map<(d0, d1) -> (0, 0, 0)>
module attributes {stable_mosaic.version = 14 : i64} {
  func.func @k(%arg0: i32, %arg1: i32, %arg2: memref<200x4096xi32, #tpu.memory_space<hbm>>, %arg3: memref<1000000x128xf32, #tpu.memory_space<hbm>>, %arg4: memref<200x64x4096xf32, #tpu.memory_space<hbm>>, %arg5: memref<200x128xi32, #tpu.memory_space<vmem>>, %arg6: memref<2x2x128x128xf32, #tpu.memory_space<vmem>>, %arg7: memref<2x2x64x128xf32, #tpu.memory_space<vmem>>, %arg8: memref<!tpu.dma_semaphore, #tpu.memory_space<semaphore_mem>>, %arg9: memref<!tpu.dma_semaphore, #tpu.memory_space<semaphore_mem>>, %arg10: memref<!tpu.dma_semaphore, #tpu.memory_space<semaphore_mem>>, %arg11: memref<!tpu.dma_semaphore, #tpu.memory_space<semaphore_mem>>) attributes {dimension_semantics = [#tpu.dimension_semantics<core_parallel>, #tpu.dimension_semantics<subcore_parallel>], iteration_bounds = array<i64: 2, 16>, scalar_prefetch = 0 : i64, scratch_operands = 7 : i64, tpu.core_type = #tpu.core_type<sc_vector_subcore>, window_params = [{transform_indices = #map}, {transform_indices = #map}, {transform_indices = #map1}]} {
    %mul3A = arith.constant 2 : i32
    %mul3A_0 = arith.muli %arg1, %mul3A : i32
    %add3A = arith.addi %mul3A_0, %arg0 : i32
    %mul3A_1 = arith.constant 128 : i32
    %mul3A_2 = arith.muli %add3A, %mul3A_1 : i32
    %dma_start3A = arith.constant 0 : i32
    %dma_start3A_3 = tpu.memref_slice %arg2[%dma_start3A, %mul3A_2] : memref<200x4096xi32, #tpu.memory_space<hbm>> -> memref<200x128xi32, #tpu.memory_space<hbm>>
    %dma_start3A_4 = arith.constant 0 : i32
    %dma_start3A_5 = tpu.memref_slice %arg2[%dma_start3A_4, %mul3A_2] : memref<200x4096xi32, #tpu.memory_space<hbm>> -> memref<200x128xi32, #tpu.memory_space<hbm>>
    tpu.enqueue_dma source(%dma_start3A_5 : memref<200x128xi32, #tpu.memory_space<hbm>>) target(%arg5 : memref<200x128xi32, #tpu.memory_space<vmem>>) target_semaphore(%arg8 : memref<!tpu.dma_semaphore, #tpu.memory_space<semaphore_mem>>)
    %dma_wait3A = arith.constant 0 : i32
    %dma_wait3A_6 = tpu.memref_slice %arg2[%dma_wait3A, %mul3A_2] : memref<200x4096xi32, #tpu.memory_space<hbm>> -> memref<200x128xi32, #tpu.memory_space<hbm>>
    %dma_wait3A_7 = arith.constant 0 : i32
    %dma_wait3A_8 = tpu.memref_slice %arg2[%dma_wait3A_7, %mul3A_2] : memref<200x4096xi32, #tpu.memory_space<hbm>> -> memref<200x128xi32, #tpu.memory_space<hbm>>
    tpu.wait_dma2 semaphore(%arg8 : memref<!tpu.dma_semaphore, #tpu.memory_space<semaphore_mem>>) src(%dma_wait3A_8 : memref<200x128xi32, #tpu.memory_space<hbm>>) dst(%arg5 : memref<200x128xi32, #tpu.memory_space<vmem>>)
    %iota3A = tpu.iota {dimensions = array<i32: 0>} : vector<16xi32>
    %add3A_9 = arith.constant 0 : i32
    %add3A_10 = vector.broadcast %add3A_9 : i32 to vector<16xi32>
    %add3A_11 = arith.addi %add3A_10, %iota3A : vector<16xi32>
    %iota3A_12 = tpu.iota {dimensions = array<i32: 0>} : vector<16xi32>
    %add3A_13 = arith.constant 16 : i32
    %add3A_14 = vector.broadcast %add3A_13 : i32 to vector<16xi32>
    %add3A_15 = arith.addi %add3A_14, %iota3A_12 : vector<16xi32>
    %iota3A_16 = tpu.iota {dimensions = array<i32: 0>} : vector<16xi32>
    %add3A_17 = arith.constant 32 : i32
    %add3A_18 = vector.broadcast %add3A_17 : i32 to vector<16xi32>
    %add3A_19 = arith.addi %add3A_18, %iota3A_16 : vector<16xi32>
    %iota3A_20 = tpu.iota {dimensions = array<i32: 0>} : vector<16xi32>
    %add3A_21 = arith.constant 48 : i32
    %add3A_22 = vector.broadcast %add3A_21 : i32 to vector<16xi32>
    %add3A_23 = arith.addi %add3A_22, %iota3A_20 : vector<16xi32>
    %iota3A_24 = tpu.iota {dimensions = array<i32: 0>} : vector<16xi32>
    %add3A_25 = arith.constant 64 : i32
    %add3A_26 = vector.broadcast %add3A_25 : i32 to vector<16xi32>
    %add3A_27 = arith.addi %add3A_26, %iota3A_24 : vector<16xi32>
    %iota3A_28 = tpu.iota {dimensions = array<i32: 0>} : vector<16xi32>
    %add3A_29 = arith.constant 80 : i32
    %add3A_30 = vector.broadcast %add3A_29 : i32 to vector<16xi32>
    %add3A_31 = arith.addi %add3A_30, %iota3A_28 : vector<16xi32>
    %iota3A_32 = tpu.iota {dimensions = array<i32: 0>} : vector<16xi32>
    %add3A_33 = arith.constant 96 : i32
    %add3A_34 = vector.broadcast %add3A_33 : i32 to vector<16xi32>
    %add3A_35 = arith.addi %add3A_34, %iota3A_32 : vector<16xi32>
    %iota3A_36 = tpu.iota {dimensions = array<i32: 0>} : vector<16xi32>
    %add3A_37 = arith.constant 112 : i32
    %add3A_38 = vector.broadcast %add3A_37 : i32 to vector<16xi32>
    %add3A_39 = arith.addi %add3A_38, %iota3A_36 : vector<16xi32>
    %broadcast_in_dim3A = arith.constant 1 : i32
    %broadcast_in_dim3A_40 = vector.broadcast %broadcast_in_dim3A : i32 to vector<16xi32>
    %dma_start3A_41 = arith.constant 0 : i32
    %dma_start3A_42 = arith.constant 0 : i32
    %dma_start3A_43 = arith.constant 0 : i32
    %dma_start3A_44 = arith.constant 0 : i32
    %dma_start3A_45 = arith.constant 0 : i32
    %dma_start3A_46 = tpu.memref_slice %arg6[%dma_start3A_42, %dma_start3A_43, %dma_start3A_44, %dma_start3A_45] : memref<2x2x128x128xf32, #tpu.memory_space<vmem>> -> memref<1x1x128x128xf32, #tpu.memory_space<vmem>>
    %dma_start3A_47 = tpu.memref_squeeze %dma_start3A_46 : memref<1x1x128x128xf32, #tpu.memory_space<vmem>> -> memref<128x128xf32, #tpu.memory_space<vmem>>
    %dma_start3A_48 = arith.constant 0 : i32
    %dma_start3A_49 = tpu.memref_slice %arg5[%dma_start3A_41, %dma_start3A_48] : memref<200x128xi32, #tpu.memory_space<vmem>> -> memref<1x128xi32, #tpu.memory_space<vmem>>
    %dma_start3A_50 = tpu.memref_squeeze %dma_start3A_49 : memref<1x128xi32, #tpu.memory_space<vmem>> -> memref<128xi32, #tpu.memory_space<vmem>>
    %dma_start3A_51 = arith.constant 0 : i32
    %dma_start3A_52 = arith.constant 0 : i32
    %dma_start3A_53 = tpu.memref_slice %arg3[%dma_start3A_51, %dma_start3A_52] : memref<1000000x128xf32, #tpu.memory_space<hbm>> -> memref<1000000x128xf32, #tpu.memory_space<hbm>>
    tpu.enqueue_indirect_dma source(%dma_start3A_53 : memref<1000000x128xf32, #tpu.memory_space<hbm>>) target(%dma_start3A_47 : memref<128x128xf32, #tpu.memory_space<vmem>>) offsets(%dma_start3A_50 : memref<128xi32, #tpu.memory_space<vmem>>) semaphore(%arg8 : memref<!tpu.dma_semaphore, #tpu.memory_space<semaphore_mem>>)
    %dma_start3A_54 = arith.constant 1 : i32
    %dma_start3A_55 = arith.constant 0 : i32
    %dma_start3A_56 = arith.constant 1 : i32
    %dma_start3A_57 = arith.constant 0 : i32
    %dma_start3A_58 = arith.constant 0 : i32
    %dma_start3A_59 = tpu.memref_slice %arg6[%dma_start3A_55, %dma_start3A_56, %dma_start3A_57, %dma_start3A_58] : memref<2x2x128x128xf32, #tpu.memory_space<vmem>> -> memref<1x1x128x128xf32, #tpu.memory_space<vmem>>
    %dma_start3A_60 = tpu.memref_squeeze %dma_start3A_59 : memref<1x1x128x128xf32, #tpu.memory_space<vmem>> -> memref<128x128xf32, #tpu.memory_space<vmem>>
    %dma_start3A_61 = arith.constant 0 : i32
    %dma_start3A_62 = tpu.memref_slice %arg5[%dma_start3A_54, %dma_start3A_61] : memref<200x128xi32, #tpu.memory_space<vmem>> -> memref<1x128xi32, #tpu.memory_space<vmem>>
    %dma_start3A_63 = tpu.memref_squeeze %dma_start3A_62 : memref<1x128xi32, #tpu.memory_space<vmem>> -> memref<128xi32, #tpu.memory_space<vmem>>
    %dma_start3A_64 = arith.constant 0 : i32
    %dma_start3A_65 = arith.constant 0 : i32
    %dma_start3A_66 = tpu.memref_slice %arg3[%dma_start3A_64, %dma_start3A_65] : memref<1000000x128xf32, #tpu.memory_space<hbm>> -> memref<1000000x128xf32, #tpu.memory_space<hbm>>
    tpu.enqueue_indirect_dma source(%dma_start3A_66 : memref<1000000x128xf32, #tpu.memory_space<hbm>>) target(%dma_start3A_60 : memref<128x128xf32, #tpu.memory_space<vmem>>) offsets(%dma_start3A_63 : memref<128xi32, #tpu.memory_space<vmem>>) semaphore(%arg8 : memref<!tpu.dma_semaphore, #tpu.memory_space<semaphore_mem>>)
    %scan3A = arith.constant 0 : i32
    %scan3A_67 = arith.constant 0 : i32
    %scan3A_68 = arith.constant 50 : i32
    %scan3A_69 = arith.addi %scan3A_67, %scan3A_68 : i32
    %scan3A_70 = arith.constant 1 : i32
    scf.for %scan3A_136 = %scan3A_67 to %scan3A_69 step %scan3A_70  : i32 {
      %mul3A_137 = arith.constant 2 : i32
      %mul3A_138 = arith.muli %mul3A_137, %scan3A_136 : i32
      %add3A_139 = arith.constant 1 : i32
      %add3A_140 = arith.addi %mul3A_138, %add3A_139 : i32
      %mul3A_141 = arith.constant 2 : i32
      %mul3A_142 = arith.muli %mul3A_141, %add3A_140 : i32
      %add3A_143 = arith.constant 0 : i32
      %add3A_144 = arith.addi %mul3A_142, %add3A_143 : i32
      %dma_start3A_145 = arith.constant 1 : i32
      %dma_start3A_146 = arith.constant 0 : i32
      %dma_start3A_147 = arith.constant 0 : i32
      %dma_start3A_148 = arith.constant 0 : i32
      %dma_start3A_149 = tpu.memref_slice %arg6[%dma_start3A_145, %dma_start3A_146, %dma_start3A_147, %dma_start3A_148] : memref<2x2x128x128xf32, #tpu.memory_space<vmem>> -> memref<1x1x128x128xf32, #tpu.memory_space<vmem>>
      %dma_start3A_150 = tpu.memref_squeeze %dma_start3A_149 : memref<1x1x128x128xf32, #tpu.memory_space<vmem>> -> memref<128x128xf32, #tpu.memory_space<vmem>>
      %dma_start3A_151 = arith.constant 0 : i32
      %dma_start3A_152 = tpu.memref_slice %arg5[%add3A_144, %dma_start3A_151] : memref<200x128xi32, #tpu.memory_space<vmem>> -> memref<1x128xi32, #tpu.memory_space<vmem>>
      %dma_start3A_153 = tpu.memref_squeeze %dma_start3A_152 : memref<1x128xi32, #tpu.memory_space<vmem>> -> memref<128xi32, #tpu.memory_space<vmem>>
      %dma_start3A_154 = arith.constant 0 : i32
      %dma_start3A_155 = arith.constant 0 : i32
      %dma_start3A_156 = tpu.memref_slice %arg3[%dma_start3A_154, %dma_start3A_155] : memref<1000000x128xf32, #tpu.memory_space<hbm>> -> memref<1000000x128xf32, #tpu.memory_space<hbm>>
      tpu.enqueue_indirect_dma source(%dma_start3A_156 : memref<1000000x128xf32, #tpu.memory_space<hbm>>) target(%dma_start3A_150 : memref<128x128xf32, #tpu.memory_space<vmem>>) offsets(%dma_start3A_153 : memref<128xi32, #tpu.memory_space<vmem>>) semaphore(%arg9 : memref<!tpu.dma_semaphore, #tpu.memory_space<semaphore_mem>>)
      %mul3A_157 = arith.constant 2 : i32
      %mul3A_158 = arith.muli %mul3A_157, %add3A_140 : i32
      %add3A_159 = arith.constant 1 : i32
      %add3A_160 = arith.addi %mul3A_158, %add3A_159 : i32
      %dma_start3A_161 = arith.constant 1 : i32
      %dma_start3A_162 = arith.constant 1 : i32
      %dma_start3A_163 = arith.constant 0 : i32
      %dma_start3A_164 = arith.constant 0 : i32
      %dma_start3A_165 = tpu.memref_slice %arg6[%dma_start3A_161, %dma_start3A_162, %dma_start3A_163, %dma_start3A_164] : memref<2x2x128x128xf32, #tpu.memory_space<vmem>> -> memref<1x1x128x128xf32, #tpu.memory_space<vmem>>
      %dma_start3A_166 = tpu.memref_squeeze %dma_start3A_165 : memref<1x1x128x128xf32, #tpu.memory_space<vmem>> -> memref<128x128xf32, #tpu.memory_space<vmem>>
      %dma_start3A_167 = arith.constant 0 : i32
      %dma_start3A_168 = tpu.memref_slice %arg5[%add3A_160, %dma_start3A_167] : memref<200x128xi32, #tpu.memory_space<vmem>> -> memref<1x128xi32, #tpu.memory_space<vmem>>
      %dma_start3A_169 = tpu.memref_squeeze %dma_start3A_168 : memref<1x128xi32, #tpu.memory_space<vmem>> -> memref<128xi32, #tpu.memory_space<vmem>>
      %dma_start3A_170 = arith.constant 0 : i32
      %dma_start3A_171 = arith.constant 0 : i32
      %dma_start3A_172 = tpu.memref_slice %arg3[%dma_start3A_170, %dma_start3A_171] : memref<1000000x128xf32, #tpu.memory_space<hbm>> -> memref<1000000x128xf32, #tpu.memory_space<hbm>>
      tpu.enqueue_indirect_dma source(%dma_start3A_172 : memref<1000000x128xf32, #tpu.memory_space<hbm>>) target(%dma_start3A_166 : memref<128x128xf32, #tpu.memory_space<vmem>>) offsets(%dma_start3A_169 : memref<128xi32, #tpu.memory_space<vmem>>) semaphore(%arg9 : memref<!tpu.dma_semaphore, #tpu.memory_space<semaphore_mem>>)
      %dma_wait3A_173 = arith.constant 0 : i32
      %dma_wait3A_174 = arith.constant 0 : i32
      %dma_wait3A_175 = arith.constant 0 : i32
      %dma_wait3A_176 = arith.constant 0 : i32
      %dma_wait3A_177 = tpu.memref_slice %arg6[%dma_wait3A_173, %dma_wait3A_174, %dma_wait3A_175, %dma_wait3A_176] : memref<2x2x128x128xf32, #tpu.memory_space<vmem>> -> memref<1x1x128x128xf32, #tpu.memory_space<vmem>>
      %dma_wait3A_178 = tpu.memref_squeeze %dma_wait3A_177 : memref<1x1x128x128xf32, #tpu.memory_space<vmem>> -> memref<128x128xf32, #tpu.memory_space<vmem>>
      %dma_wait3A_179 = arith.constant 0 : i32
      %dma_wait3A_180 = arith.constant 0 : i32
      %dma_wait3A_181 = tpu.memref_slice %arg3[%dma_wait3A_179, %dma_wait3A_180] : memref<1000000x128xf32, #tpu.memory_space<hbm>> -> memref<128x128xf32, #tpu.memory_space<hbm>>
      %dma_wait3A_182 = arith.constant 0 : i32
      %dma_wait3A_183 = arith.constant 0 : i32
      %dma_wait3A_184 = tpu.memref_slice %arg6[%dma_wait3A_173, %dma_wait3A_174, %dma_wait3A_182, %dma_wait3A_183] : memref<2x2x128x128xf32, #tpu.memory_space<vmem>> -> memref<1x1x128x128xf32, #tpu.memory_space<vmem>>
      %dma_wait3A_185 = tpu.memref_squeeze %dma_wait3A_184 : memref<1x1x128x128xf32, #tpu.memory_space<vmem>> -> memref<128x128xf32, #tpu.memory_space<vmem>>
      %dma_wait3A_186 = arith.constant 0 : i32
      %dma_wait3A_187 = arith.constant 0 : i32
      %dma_wait3A_188 = tpu.memref_slice %arg3[%dma_wait3A_186, %dma_wait3A_187] : memref<1000000x128xf32, #tpu.memory_space<hbm>> -> memref<128x128xf32, #tpu.memory_space<hbm>>
      tpu.wait_dma2 semaphore(%arg8 : memref<!tpu.dma_semaphore, #tpu.memory_space<semaphore_mem>>) src(%dma_wait3A_188 : memref<128x128xf32, #tpu.memory_space<hbm>>) dst(%dma_wait3A_185 : memref<128x128xf32, #tpu.memory_space<vmem>>)
      %dma_wait3A_189 = arith.constant 0 : i32
      %dma_wait3A_190 = arith.constant 0 : i32
      %dma_wait3A_191 = arith.constant 0 : i32
      %dma_wait3A_192 = arith.constant 0 : i32
      %dma_wait3A_193 = tpu.memref_slice %arg6[%dma_wait3A_189, %dma_wait3A_190, %dma_wait3A_191, %dma_wait3A_192] : memref<2x2x128x128xf32, #tpu.memory_space<vmem>> -> memref<1x1x128x128xf32, #tpu.memory_space<vmem>>
      %dma_wait3A_194 = tpu.memref_squeeze %dma_wait3A_193 : memref<1x1x128x128xf32, #tpu.memory_space<vmem>> -> memref<128x128xf32, #tpu.memory_space<vmem>>
      %dma_wait3A_195 = arith.constant 0 : i32
      %dma_wait3A_196 = arith.constant 0 : i32
      %dma_wait3A_197 = tpu.memref_slice %arg3[%dma_wait3A_195, %dma_wait3A_196] : memref<1000000x128xf32, #tpu.memory_space<hbm>> -> memref<128x128xf32, #tpu.memory_space<hbm>>
      %dma_wait3A_198 = arith.constant 0 : i32
      %dma_wait3A_199 = arith.constant 0 : i32
      %dma_wait3A_200 = tpu.memref_slice %arg6[%dma_wait3A_189, %dma_wait3A_190, %dma_wait3A_198, %dma_wait3A_199] : memref<2x2x128x128xf32, #tpu.memory_space<vmem>> -> memref<1x1x128x128xf32, #tpu.memory_space<vmem>>
      %dma_wait3A_201 = tpu.memref_squeeze %dma_wait3A_200 : memref<1x1x128x128xf32, #tpu.memory_space<vmem>> -> memref<128x128xf32, #tpu.memory_space<vmem>>
      %dma_wait3A_202 = arith.constant 0 : i32
      %dma_wait3A_203 = arith.constant 0 : i32
      %dma_wait3A_204 = tpu.memref_slice %arg3[%dma_wait3A_202, %dma_wait3A_203] : memref<1000000x128xf32, #tpu.memory_space<hbm>> -> memref<128x128xf32, #tpu.memory_space<hbm>>
      tpu.wait_dma2 semaphore(%arg8 : memref<!tpu.dma_semaphore, #tpu.memory_space<semaphore_mem>>) src(%dma_wait3A_204 : memref<128x128xf32, #tpu.memory_space<hbm>>) dst(%dma_wait3A_201 : memref<128x128xf32, #tpu.memory_space<vmem>>)
      %gt3A = arith.constant 0 : i32
      %gt3A_205 = arith.cmpi sgt, %scan3A_136, %gt3A : i32
      %convert_element_type3A = arith.extui %gt3A_205 : i1 to i32
      %cond3A = arith.constant 0 : i32
      %cond3A_206 = arith.cmpi ne, %convert_element_type3A, %cond3A : i32
      scf.if %cond3A_206 {
        %dma_wait3A_544 = arith.constant 0 : i32
        %dma_wait3A_545 = arith.constant 0 : i32
        %dma_wait3A_546 = arith.constant 0 : i32
        %dma_wait3A_547 = arith.constant 0 : i32
        %dma_wait3A_548 = tpu.memref_slice %arg7[%dma_wait3A_544, %dma_wait3A_545, %dma_wait3A_546, %dma_wait3A_547] : memref<2x2x64x128xf32, #tpu.memory_space<vmem>> -> memref<1x1x64x128xf32, #tpu.memory_space<vmem>>
        %dma_wait3A_549 = tpu.memref_squeeze %dma_wait3A_548 : memref<1x1x64x128xf32, #tpu.memory_space<vmem>> -> memref<64x128xf32, #tpu.memory_space<vmem>>
        %dma_wait3A_550 = arith.constant 0 : i32
        %dma_wait3A_551 = arith.constant 0 : i32
        %dma_wait3A_552 = tpu.memref_slice %arg3[%dma_wait3A_550, %dma_wait3A_551] : memref<1000000x128xf32, #tpu.memory_space<hbm>> -> memref<64x128xf32, #tpu.memory_space<hbm>>
        %dma_wait3A_553 = arith.constant 0 : i32
        %dma_wait3A_554 = arith.constant 0 : i32
        %dma_wait3A_555 = tpu.memref_slice %arg7[%dma_wait3A_544, %dma_wait3A_545, %dma_wait3A_553, %dma_wait3A_554] : memref<2x2x64x128xf32, #tpu.memory_space<vmem>> -> memref<1x1x64x128xf32, #tpu.memory_space<vmem>>
        %dma_wait3A_556 = tpu.memref_squeeze %dma_wait3A_555 : memref<1x1x64x128xf32, #tpu.memory_space<vmem>> -> memref<64x128xf32, #tpu.memory_space<vmem>>
        %dma_wait3A_557 = arith.constant 0 : i32
        %dma_wait3A_558 = arith.constant 0 : i32
        %dma_wait3A_559 = tpu.memref_slice %arg3[%dma_wait3A_557, %dma_wait3A_558] : memref<1000000x128xf32, #tpu.memory_space<hbm>> -> memref<64x128xf32, #tpu.memory_space<hbm>>
        tpu.wait_dma2 semaphore(%arg10 : memref<!tpu.dma_semaphore, #tpu.memory_space<semaphore_mem>>) src(%dma_wait3A_559 : memref<64x128xf32, #tpu.memory_space<hbm>>) dst(%dma_wait3A_556 : memref<64x128xf32, #tpu.memory_space<vmem>>)
        %dma_wait3A_560 = arith.constant 0 : i32
        %dma_wait3A_561 = arith.constant 0 : i32
        %dma_wait3A_562 = arith.constant 0 : i32
        %dma_wait3A_563 = arith.constant 0 : i32
        %dma_wait3A_564 = tpu.memref_slice %arg7[%dma_wait3A_560, %dma_wait3A_561, %dma_wait3A_562, %dma_wait3A_563] : memref<2x2x64x128xf32, #tpu.memory_space<vmem>> -> memref<1x1x64x128xf32, #tpu.memory_space<vmem>>
        %dma_wait3A_565 = tpu.memref_squeeze %dma_wait3A_564 : memref<1x1x64x128xf32, #tpu.memory_space<vmem>> -> memref<64x128xf32, #tpu.memory_space<vmem>>
        %dma_wait3A_566 = arith.constant 0 : i32
        %dma_wait3A_567 = arith.constant 0 : i32
        %dma_wait3A_568 = tpu.memref_slice %arg3[%dma_wait3A_566, %dma_wait3A_567] : memref<1000000x128xf32, #tpu.memory_space<hbm>> -> memref<64x128xf32, #tpu.memory_space<hbm>>
        %dma_wait3A_569 = arith.constant 0 : i32
        %dma_wait3A_570 = arith.constant 0 : i32
        %dma_wait3A_571 = tpu.memref_slice %arg7[%dma_wait3A_560, %dma_wait3A_561, %dma_wait3A_569, %dma_wait3A_570] : memref<2x2x64x128xf32, #tpu.memory_space<vmem>> -> memref<1x1x64x128xf32, #tpu.memory_space<vmem>>
        %dma_wait3A_572 = tpu.memref_squeeze %dma_wait3A_571 : memref<1x1x64x128xf32, #tpu.memory_space<vmem>> -> memref<64x128xf32, #tpu.memory_space<vmem>>
        %dma_wait3A_573 = arith.constant 0 : i32
        %dma_wait3A_574 = arith.constant 0 : i32
        %dma_wait3A_575 = tpu.memref_slice %arg3[%dma_wait3A_573, %dma_wait3A_574] : memref<1000000x128xf32, #tpu.memory_space<hbm>> -> memref<64x128xf32, #tpu.memory_space<hbm>>
        tpu.wait_dma2 semaphore(%arg10 : memref<!tpu.dma_semaphore, #tpu.memory_space<semaphore_mem>>) src(%dma_wait3A_575 : memref<64x128xf32, #tpu.memory_space<hbm>>) dst(%dma_wait3A_572 : memref<64x128xf32, #tpu.memory_space<vmem>>)
      } else {
      }
      %mul3A_207 = arith.constant 2 : i32
      %mul3A_208 = arith.muli %mul3A_207, %mul3A_138 : i32
      %add3A_209 = arith.constant 0 : i32
      %add3A_210 = arith.addi %mul3A_208, %add3A_209 : i32
      %get3A = arith.index_cast %add3A_210 : i32 to index
      %get3A_211 = arith.constant 0 : index
      %get3A_212 = tpu.vector_load %arg5[%get3A, %get3A_211] {strides = array<i32>} : memref<200x128xi32, #tpu.memory_space<vmem>>, vector<16xi32>,
      %and3A = arith.constant 15 : i32
      %and3A_213 = vector.broadcast %and3A : i32 to vector<16xi32>
      %and3A_214 = arith.andi %get3A_212, %and3A_213 : vector<16xi32>
      %get3A_215 = arith.index_cast %add3A_210 : i32 to index
      %get3A_216 = arith.constant 16 : index
      %get3A_217 = tpu.vector_load %arg5[%get3A_215, %get3A_216] {strides = array<i32>} : memref<200x128xi32, #tpu.memory_space<vmem>>, vector<16xi32>,
      %and3A_218 = arith.constant 15 : i32
      %and3A_219 = vector.broadcast %and3A_218 : i32 to vector<16xi32>
      %and3A_220 = arith.andi %get3A_217, %and3A_219 : vector<16xi32>
      %get3A_221 = arith.index_cast %add3A_210 : i32 to index
      %get3A_222 = arith.constant 32 : index
      %get3A_223 = tpu.vector_load %arg5[%get3A_221, %get3A_222] {strides = array<i32>} : memref<200x128xi32, #tpu.memory_space<vmem>>, vector<16xi32>,
      %and3A_224 = arith.constant 15 : i32
      %and3A_225 = vector.broadcast %and3A_224 : i32 to vector<16xi32>
      %and3A_226 = arith.andi %get3A_223, %and3A_225 : vector<16xi32>
      %get3A_227 = arith.index_cast %add3A_210 : i32 to index
      %get3A_228 = arith.constant 48 : index
      %get3A_229 = tpu.vector_load %arg5[%get3A_227, %get3A_228] {strides = array<i32>} : memref<200x128xi32, #tpu.memory_space<vmem>>, vector<16xi32>,
      %and3A_230 = arith.constant 15 : i32
      %and3A_231 = vector.broadcast %and3A_230 : i32 to vector<16xi32>
      %and3A_232 = arith.andi %get3A_229, %and3A_231 : vector<16xi32>
      %get3A_233 = arith.index_cast %add3A_210 : i32 to index
      %get3A_234 = arith.constant 64 : index
      %get3A_235 = tpu.vector_load %arg5[%get3A_233, %get3A_234] {strides = array<i32>} : memref<200x128xi32, #tpu.memory_space<vmem>>, vector<16xi32>,
      %and3A_236 = arith.constant 15 : i32
      %and3A_237 = vector.broadcast %and3A_236 : i32 to vector<16xi32>
      %and3A_238 = arith.andi %get3A_235, %and3A_237 : vector<16xi32>
      %get3A_239 = arith.index_cast %add3A_210 : i32 to index
      %get3A_240 = arith.constant 80 : index
      %get3A_241 = tpu.vector_load %arg5[%get3A_239, %get3A_240] {strides = array<i32>} : memref<200x128xi32, #tpu.memory_space<vmem>>, vector<16xi32>,
      %and3A_242 = arith.constant 15 : i32
      %and3A_243 = vector.broadcast %and3A_242 : i32 to vector<16xi32>
      %and3A_244 = arith.andi %get3A_241, %and3A_243 : vector<16xi32>
      %get3A_245 = arith.index_cast %add3A_210 : i32 to index
      %get3A_246 = arith.constant 96 : index
      %get3A_247 = tpu.vector_load %arg5[%get3A_245, %get3A_246] {strides = array<i32>} : memref<200x128xi32, #tpu.memory_space<vmem>>, vector<16xi32>,
      %and3A_248 = arith.constant 15 : i32
      %and3A_249 = vector.broadcast %and3A_248 : i32 to vector<16xi32>
      %and3A_250 = arith.andi %get3A_247, %and3A_249 : vector<16xi32>
      %get3A_251 = arith.index_cast %add3A_210 : i32 to index
      %get3A_252 = arith.constant 112 : index
      %get3A_253 = tpu.vector_load %arg5[%get3A_251, %get3A_252] {strides = array<i32>} : memref<200x128xi32, #tpu.memory_space<vmem>>, vector<16xi32>,
      %and3A_254 = arith.constant 15 : i32
      %and3A_255 = vector.broadcast %and3A_254 : i32 to vector<16xi32>
      %and3A_256 = arith.andi %get3A_253, %and3A_255 : vector<16xi32>
      %scan3A_257 = arith.constant 0 : i32
      %scan3A_258 = arith.constant 64 : i32
      %scan3A_259 = arith.addi %scan3A_257, %scan3A_258 : i32
      %scan3A_260 = arith.constant 1 : i32
      %scan3A_261:8 = scf.for %scan3A_544 = %scan3A_257 to %scan3A_259 step %scan3A_260 iter_args(%scan3A_545 = %and3A_214, %scan3A_546 = %and3A_220, %scan3A_547 = %and3A_226, %scan3A_548 = %and3A_232, %scan3A_549 = %and3A_238, %scan3A_550 = %and3A_244, %scan3A_551 = %and3A_250, %scan3A_552 = %and3A_256) -> (vector<16xi32>, vector<16xi32>, vector<16xi32>, vector<16xi32>, vector<16xi32>, vector<16xi32>, vector<16xi32>, vector<16xi32>)  : i32 {
        %gather3A = arith.constant 0 : i32
        %gather3A_553 = arith.constant 0 : i32
        %gather3A_554 = arith.constant 0 : i32
        %gather3A_555 = arith.constant 0 : i32
        %gather3A_556 = tpu.memref_slice %arg6[%gather3A, %gather3A_553, %gather3A_554, %gather3A_555] : memref<2x2x128x128xf32, #tpu.memory_space<vmem>> -> memref<1x1x128x128xf32, #tpu.memory_space<vmem>>
        %gather3A_557 = tpu.memref_squeeze %gather3A_556 : memref<1x1x128x128xf32, #tpu.memory_space<vmem>> -> memref<128x128xf32, #tpu.memory_space<vmem>>
        %gather3A_558 = tpu.vector_load_idx %gather3A_557[%add3A_11, %scan3A_545] : memref<128x128xf32, #tpu.memory_space<vmem>>[vector<16xi32>, vector<16xi32>], vector<16xf32>,
        %swap3A = arith.constant 0 : i32
        %swap3A_559 = arith.constant 0 : i32
        %swap3A_560 = arith.index_cast %swap3A : i32 to index
        %swap3A_561 = arith.index_cast %swap3A_559 : i32 to index
        %swap3A_562 = arith.index_cast %scan3A_544 : i32 to index
        %swap3A_563 = arith.constant 0 : index
        %swap3A_564 = tpu.vector_load %arg7[%swap3A_560, %swap3A_561, %swap3A_562, %swap3A_563] {strides = array<i32>} : memref<2x2x64x128xf32, #tpu.memory_space<vmem>>, vector<16xf32>,
        tpu.vector_store %arg7[%swap3A_560, %swap3A_561, %swap3A_562, %swap3A_563], %gather3A_558 {strides = array<i32>} : memref<2x2x64x128xf32, #tpu.memory_space<vmem>>, vector<16xf32>,
        %add3A_565 = arith.addi %scan3A_545, %broadcast_in_dim3A_40 : vector<16xi32>
        %gather3A_566 = arith.constant 0 : i32
        %gather3A_567 = arith.constant 0 : i32
        %gather3A_568 = arith.constant 0 : i32
        %gather3A_569 = arith.constant 0 : i32
        %gather3A_570 = tpu.memref_slice %arg6[%gather3A_566, %gather3A_567, %gather3A_568, %gather3A_569] : memref<2x2x128x128xf32, #tpu.memory_space<vmem>> -> memref<1x1x128x128xf32, #tpu.memory_space<vmem>>
        %gather3A_571 = tpu.memref_squeeze %gather3A_570 : memref<1x1x128x128xf32, #tpu.memory_space<vmem>> -> memref<128x128xf32, #tpu.memory_space<vmem>>
        %gather3A_572 = tpu.vector_load_idx %gather3A_571[%add3A_15, %scan3A_546] : memref<128x128xf32, #tpu.memory_space<vmem>>[vector<16xi32>, vector<16xi32>], vector<16xf32>,
        %swap3A_573 = arith.constant 0 : i32
        %swap3A_574 = arith.constant 0 : i32
        %swap3A_575 = arith.index_cast %swap3A_573 : i32 to index
        %swap3A_576 = arith.index_cast %swap3A_574 : i32 to index
        %swap3A_577 = arith.index_cast %scan3A_544 : i32 to index
        %swap3A_578 = arith.constant 16 : index
        %swap3A_579 = tpu.vector_load %arg7[%swap3A_575, %swap3A_576, %swap3A_577, %swap3A_578] {strides = array<i32>} : memref<2x2x64x128xf32, #tpu.memory_space<vmem>>, vector<16xf32>,
        tpu.vector_store %arg7[%swap3A_575, %swap3A_576, %swap3A_577, %swap3A_578], %gather3A_572 {strides = array<i32>} : memref<2x2x64x128xf32, #tpu.memory_space<vmem>>, vector<16xf32>,
        %add3A_580 = arith.addi %scan3A_546, %broadcast_in_dim3A_40 : vector<16xi32>
        %gather3A_581 = arith.constant 0 : i32
        %gather3A_582 = arith.constant 0 : i32
        %gather3A_583 = arith.constant 0 : i32
        %gather3A_584 = arith.constant 0 : i32
        %gather3A_585 = tpu.memref_slice %arg6[%gather3A_581, %gather3A_582, %gather3A_583, %gather3A_584] : memref<2x2x128x128xf32, #tpu.memory_space<vmem>> -> memref<1x1x128x128xf32, #tpu.memory_space<vmem>>
        %gather3A_586 = tpu.memref_squeeze %gather3A_585 : memref<1x1x128x128xf32, #tpu.memory_space<vmem>> -> memref<128x128xf32, #tpu.memory_space<vmem>>
        %gather3A_587 = tpu.vector_load_idx %gather3A_586[%add3A_19, %scan3A_547] : memref<128x128xf32, #tpu.memory_space<vmem>>[vector<16xi32>, vector<16xi32>], vector<16xf32>,
        %swap3A_588 = arith.constant 0 : i32
        %swap3A_589 = arith.constant 0 : i32
        %swap3A_590 = arith.index_cast %swap3A_588 : i32 to index
        %swap3A_591 = arith.index_cast %swap3A_589 : i32 to index
        %swap3A_592 = arith.index_cast %scan3A_544 : i32 to index
        %swap3A_593 = arith.constant 32 : index
        %swap3A_594 = tpu.vector_load %arg7[%swap3A_590, %swap3A_591, %swap3A_592, %swap3A_593] {strides = array<i32>} : memref<2x2x64x128xf32, #tpu.memory_space<vmem>>, vector<16xf32>,
        tpu.vector_store %arg7[%swap3A_590, %swap3A_591, %swap3A_592, %swap3A_593], %gather3A_587 {strides = array<i32>} : memref<2x2x64x128xf32, #tpu.memory_space<vmem>>, vector<16xf32>,
        %add3A_595 = arith.addi %scan3A_547, %broadcast_in_dim3A_40 : vector<16xi32>
        %gather3A_596 = arith.constant 0 : i32
        %gather3A_597 = arith.constant 0 : i32
        %gather3A_598 = arith.constant 0 : i32
        %gather3A_599 = arith.constant 0 : i32
        %gather3A_600 = tpu.memref_slice %arg6[%gather3A_596, %gather3A_597, %gather3A_598, %gather3A_599] : memref<2x2x128x128xf32, #tpu.memory_space<vmem>> -> memref<1x1x128x128xf32, #tpu.memory_space<vmem>>
        %gather3A_601 = tpu.memref_squeeze %gather3A_600 : memref<1x1x128x128xf32, #tpu.memory_space<vmem>> -> memref<128x128xf32, #tpu.memory_space<vmem>>
        %gather3A_602 = tpu.vector_load_idx %gather3A_601[%add3A_23, %scan3A_548] : memref<128x128xf32, #tpu.memory_space<vmem>>[vector<16xi32>, vector<16xi32>], vector<16xf32>,
        %swap3A_603 = arith.constant 0 : i32
        %swap3A_604 = arith.constant 0 : i32
        %swap3A_605 = arith.index_cast %swap3A_603 : i32 to index
        %swap3A_606 = arith.index_cast %swap3A_604 : i32 to index
        %swap3A_607 = arith.index_cast %scan3A_544 : i32 to index
        %swap3A_608 = arith.constant 48 : index
        %swap3A_609 = tpu.vector_load %arg7[%swap3A_605, %swap3A_606, %swap3A_607, %swap3A_608] {strides = array<i32>} : memref<2x2x64x128xf32, #tpu.memory_space<vmem>>, vector<16xf32>,
        tpu.vector_store %arg7[%swap3A_605, %swap3A_606, %swap3A_607, %swap3A_608], %gather3A_602 {strides = array<i32>} : memref<2x2x64x128xf32, #tpu.memory_space<vmem>>, vector<16xf32>,
        %add3A_610 = arith.addi %scan3A_548, %broadcast_in_dim3A_40 : vector<16xi32>
        %gather3A_611 = arith.constant 0 : i32
        %gather3A_612 = arith.constant 0 : i32
        %gather3A_613 = arith.constant 0 : i32
        %gather3A_614 = arith.constant 0 : i32
        %gather3A_615 = tpu.memref_slice %arg6[%gather3A_611, %gather3A_612, %gather3A_613, %gather3A_614] : memref<2x2x128x128xf32, #tpu.memory_space<vmem>> -> memref<1x1x128x128xf32, #tpu.memory_space<vmem>>
        %gather3A_616 = tpu.memref_squeeze %gather3A_615 : memref<1x1x128x128xf32, #tpu.memory_space<vmem>> -> memref<128x128xf32, #tpu.memory_space<vmem>>
        %gather3A_617 = tpu.vector_load_idx %gather3A_616[%add3A_27, %scan3A_549] : memref<128x128xf32, #tpu.memory_space<vmem>>[vector<16xi32>, vector<16xi32>], vector<16xf32>,
        %swap3A_618 = arith.constant 0 : i32
        %swap3A_619 = arith.constant 0 : i32
        %swap3A_620 = arith.index_cast %swap3A_618 : i32 to index
        %swap3A_621 = arith.index_cast %swap3A_619 : i32 to index
        %swap3A_622 = arith.index_cast %scan3A_544 : i32 to index
        %swap3A_623 = arith.constant 64 : index
        %swap3A_624 = tpu.vector_load %arg7[%swap3A_620, %swap3A_621, %swap3A_622, %swap3A_623] {strides = array<i32>} : memref<2x2x64x128xf32, #tpu.memory_space<vmem>>, vector<16xf32>,
        tpu.vector_store %arg7[%swap3A_620, %swap3A_621, %swap3A_622, %swap3A_623], %gather3A_617 {strides = array<i32>} : memref<2x2x64x128xf32, #tpu.memory_space<vmem>>, vector<16xf32>,
        %add3A_625 = arith.addi %scan3A_549, %broadcast_in_dim3A_40 : vector<16xi32>
        %gather3A_626 = arith.constant 0 : i32
        %gather3A_627 = arith.constant 0 : i32
        %gather3A_628 = arith.constant 0 : i32
        %gather3A_629 = arith.constant 0 : i32
        %gather3A_630 = tpu.memref_slice %arg6[%gather3A_626, %gather3A_627, %gather3A_628, %gather3A_629] : memref<2x2x128x128xf32, #tpu.memory_space<vmem>> -> memref<1x1x128x128xf32, #tpu.memory_space<vmem>>
        %gather3A_631 = tpu.memref_squeeze %gather3A_630 : memref<1x1x128x128xf32, #tpu.memory_space<vmem>> -> memref<128x128xf32, #tpu.memory_space<vmem>>
        %gather3A_632 = tpu.vector_load_idx %gather3A_631[%add3A_31, %scan3A_550] : memref<128x128xf32, #tpu.memory_space<vmem>>[vector<16xi32>, vector<16xi32>], vector<16xf32>,
        %swap3A_633 = arith.constant 0 : i32
        %swap3A_634 = arith.constant 0 : i32
        %swap3A_635 = arith.index_cast %swap3A_633 : i32 to index
        %swap3A_636 = arith.index_cast %swap3A_634 : i32 to index
        %swap3A_637 = arith.index_cast %scan3A_544 : i32 to index
        %swap3A_638 = arith.constant 80 : index
        %swap3A_639 = tpu.vector_load %arg7[%swap3A_635, %swap3A_636, %swap3A_637, %swap3A_638] {strides = array<i32>} : memref<2x2x64x128xf32, #tpu.memory_space<vmem>>, vector<16xf32>,
        tpu.vector_store %arg7[%swap3A_635, %swap3A_636, %swap3A_637, %swap3A_638], %gather3A_632 {strides = array<i32>} : memref<2x2x64x128xf32, #tpu.memory_space<vmem>>, vector<16xf32>,
        %add3A_640 = arith.addi %scan3A_550, %broadcast_in_dim3A_40 : vector<16xi32>
        %gather3A_641 = arith.constant 0 : i32
        %gather3A_642 = arith.constant 0 : i32
        %gather3A_643 = arith.constant 0 : i32
        %gather3A_644 = arith.constant 0 : i32
        %gather3A_645 = tpu.memref_slice %arg6[%gather3A_641, %gather3A_642, %gather3A_643, %gather3A_644] : memref<2x2x128x128xf32, #tpu.memory_space<vmem>> -> memref<1x1x128x128xf32, #tpu.memory_space<vmem>>
        %gather3A_646 = tpu.memref_squeeze %gather3A_645 : memref<1x1x128x128xf32, #tpu.memory_space<vmem>> -> memref<128x128xf32, #tpu.memory_space<vmem>>
        %gather3A_647 = tpu.vector_load_idx %gather3A_646[%add3A_35, %scan3A_551] : memref<128x128xf32, #tpu.memory_space<vmem>>[vector<16xi32>, vector<16xi32>], vector<16xf32>,
        %swap3A_648 = arith.constant 0 : i32
        %swap3A_649 = arith.constant 0 : i32
        %swap3A_650 = arith.index_cast %swap3A_648 : i32 to index
        %swap3A_651 = arith.index_cast %swap3A_649 : i32 to index
        %swap3A_652 = arith.index_cast %scan3A_544 : i32 to index
        %swap3A_653 = arith.constant 96 : index
        %swap3A_654 = tpu.vector_load %arg7[%swap3A_650, %swap3A_651, %swap3A_652, %swap3A_653] {strides = array<i32>} : memref<2x2x64x128xf32, #tpu.memory_space<vmem>>, vector<16xf32>,
        tpu.vector_store %arg7[%swap3A_650, %swap3A_651, %swap3A_652, %swap3A_653], %gather3A_647 {strides = array<i32>} : memref<2x2x64x128xf32, #tpu.memory_space<vmem>>, vector<16xf32>,
        %add3A_655 = arith.addi %scan3A_551, %broadcast_in_dim3A_40 : vector<16xi32>
        %gather3A_656 = arith.constant 0 : i32
        %gather3A_657 = arith.constant 0 : i32
        %gather3A_658 = arith.constant 0 : i32
        %gather3A_659 = arith.constant 0 : i32
        %gather3A_660 = tpu.memref_slice %arg6[%gather3A_656, %gather3A_657, %gather3A_658, %gather3A_659] : memref<2x2x128x128xf32, #tpu.memory_space<vmem>> -> memref<1x1x128x128xf32, #tpu.memory_space<vmem>>
        %gather3A_661 = tpu.memref_squeeze %gather3A_660 : memref<1x1x128x128xf32, #tpu.memory_space<vmem>> -> memref<128x128xf32, #tpu.memory_space<vmem>>
        %gather3A_662 = tpu.vector_load_idx %gather3A_661[%add3A_39, %scan3A_552] : memref<128x128xf32, #tpu.memory_space<vmem>>[vector<16xi32>, vector<16xi32>], vector<16xf32>,
        %swap3A_663 = arith.constant 0 : i32
        %swap3A_664 = arith.constant 0 : i32
        %swap3A_665 = arith.index_cast %swap3A_663 : i32 to index
        %swap3A_666 = arith.index_cast %swap3A_664 : i32 to index
        %swap3A_667 = arith.index_cast %scan3A_544 : i32 to index
        %swap3A_668 = arith.constant 112 : index
        %swap3A_669 = tpu.vector_load %arg7[%swap3A_665, %swap3A_666, %swap3A_667, %swap3A_668] {strides = array<i32>} : memref<2x2x64x128xf32, #tpu.memory_space<vmem>>, vector<16xf32>,
        tpu.vector_store %arg7[%swap3A_665, %swap3A_666, %swap3A_667, %swap3A_668], %gather3A_662 {strides = array<i32>} : memref<2x2x64x128xf32, #tpu.memory_space<vmem>>, vector<16xf32>,
        %add3A_670 = arith.addi %scan3A_552, %broadcast_in_dim3A_40 : vector<16xi32>
        scf.yield %add3A_565, %add3A_580, %add3A_595, %add3A_610, %add3A_625, %add3A_640, %add3A_655, %add3A_670 : vector<16xi32>, vector<16xi32>, vector<16xi32>, vector<16xi32>, vector<16xi32>, vector<16xi32>, vector<16xi32>, vector<16xi32>
      }
      %scan3A_262 = arith.constant 64 : i32
      %dma_start3A_263 = arith.constant 0 : i32
      %dma_start3A_264 = arith.constant 0 : i32
      %dma_start3A_265 = arith.constant 0 : i32
      %dma_start3A_266 = arith.constant 0 : i32
      %dma_start3A_267 = tpu.memref_slice %arg7[%dma_start3A_263, %dma_start3A_264, %dma_start3A_265, %dma_start3A_266] : memref<2x2x64x128xf32, #tpu.memory_space<vmem>> -> memref<1x1x64x128xf32, #tpu.memory_space<vmem>>
      %dma_start3A_268 = tpu.memref_squeeze %dma_start3A_267 : memref<1x1x64x128xf32, #tpu.memory_space<vmem>> -> memref<64x128xf32, #tpu.memory_space<vmem>>
      %dma_start3A_269 = arith.constant 0 : i32
      %dma_start3A_270 = tpu.memref_slice %arg4[%add3A_210, %dma_start3A_269, %mul3A_2] : memref<200x64x4096xf32, #tpu.memory_space<hbm>> -> memref<1x64x128xf32, #tpu.memory_space<hbm>>
      %dma_start3A_271 = tpu.memref_squeeze %dma_start3A_270 : memref<1x64x128xf32, #tpu.memory_space<hbm>> -> memref<64x128xf32, #tpu.memory_space<hbm>>
      %dma_start3A_272 = arith.constant 0 : i32
      %dma_start3A_273 = tpu.memref_slice %arg4[%add3A_210, %dma_start3A_272, %mul3A_2] : memref<200x64x4096xf32, #tpu.memory_space<hbm>> -> memref<1x64x128xf32, #tpu.memory_space<hbm>>
      %dma_start3A_274 = tpu.memref_squeeze %dma_start3A_273 : memref<1x64x128xf32, #tpu.memory_space<hbm>> -> memref<64x128xf32, #tpu.memory_space<hbm>>
      %dma_start3A_275 = arith.constant 0 : i32
      %dma_start3A_276 = arith.constant 0 : i32
      %dma_start3A_277 = tpu.memref_slice %arg7[%dma_start3A_263, %dma_start3A_264, %dma_start3A_275, %dma_start3A_276] : memref<2x2x64x128xf32, #tpu.memory_space<vmem>> -> memref<1x1x64x128xf32, #tpu.memory_space<vmem>>
      %dma_start3A_278 = tpu.memref_squeeze %dma_start3A_277 : memref<1x1x64x128xf32, #tpu.memory_space<vmem>> -> memref<64x128xf32, #tpu.memory_space<vmem>>
      tpu.enqueue_dma source(%dma_start3A_278 : memref<64x128xf32, #tpu.memory_space<vmem>>) target(%dma_start3A_274 : memref<64x128xf32, #tpu.memory_space<hbm>>) target_semaphore(%arg10 : memref<!tpu.dma_semaphore, #tpu.memory_space<semaphore_mem>>)
      %mul3A_279 = arith.constant 2 : i32
      %mul3A_280 = arith.muli %mul3A_279, %mul3A_138 : i32
      %add3A_281 = arith.constant 1 : i32
      %add3A_282 = arith.addi %mul3A_280, %add3A_281 : i32
      %get3A_283 = arith.index_cast %add3A_282 : i32 to index
      %get3A_284 = arith.constant 0 : index
      %get3A_285 = tpu.vector_load %arg5[%get3A_283, %get3A_284] {strides = array<i32>} : memref<200x128xi32, #tpu.memory_space<vmem>>, vector<16xi32>,
      %and3A_286 = arith.constant 15 : i32
      %and3A_287 = vector.broadcast %and3A_286 : i32 to vector<16xi32>
      %and3A_288 = arith.andi %get3A_285, %and3A_287 : vector<16xi32>
      %get3A_289 = arith.index_cast %add3A_282 : i32 to index
      %get3A_290 = arith.constant 16 : index
      %get3A_291 = tpu.vector_load %arg5[%get3A_289, %get3A_290] {strides = array<i32>} : memref<200x128xi32, #tpu.memory_space<vmem>>, vector<16xi32>,
      %and3A_292 = arith.constant 15 : i32
      %and3A_293 = vector.broadcast %and3A_292 : i32 to vector<16xi32>
      %and3A_294 = arith.andi %get3A_291, %and3A_293 : vector<16xi32>
      %get3A_295 = arith.index_cast %add3A_282 : i32 to index
      %get3A_296 = arith.constant 32 : index
      %get3A_297 = tpu.vector_load %arg5[%get3A_295, %get3A_296] {strides = array<i32>} : memref<200x128xi32, #tpu.memory_space<vmem>>, vector<16xi32>,
      %and3A_298 = arith.constant 15 : i32
      %and3A_299 = vector.broadcast %and3A_298 : i32 to vector<16xi32>
      %and3A_300 = arith.andi %get3A_297, %and3A_299 : vector<16xi32>
      %get3A_301 = arith.index_cast %add3A_282 : i32 to index
      %get3A_302 = arith.constant 48 : index
      %get3A_303 = tpu.vector_load %arg5[%get3A_301, %get3A_302] {strides = array<i32>} : memref<200x128xi32, #tpu.memory_space<vmem>>, vector<16xi32>,
      %and3A_304 = arith.constant 15 : i32
      %and3A_305 = vector.broadcast %and3A_304 : i32 to vector<16xi32>
      %and3A_306 = arith.andi %get3A_303, %and3A_305 : vector<16xi32>
      %get3A_307 = arith.index_cast %add3A_282 : i32 to index
      %get3A_308 = arith.constant 64 : index
      %get3A_309 = tpu.vector_load %arg5[%get3A_307, %get3A_308] {strides = array<i32>} : memref<200x128xi32, #tpu.memory_space<vmem>>, vector<16xi32>,
      %and3A_310 = arith.constant 15 : i32
      %and3A_311 = vector.broadcast %and3A_310 : i32 to vector<16xi32>
      %and3A_312 = arith.andi %get3A_309, %and3A_311 : vector<16xi32>
      %get3A_313 = arith.index_cast %add3A_282 : i32 to index
      %get3A_314 = arith.constant 80 : index
      %get3A_315 = tpu.vector_load %arg5[%get3A_313, %get3A_314] {strides = array<i32>} : memref<200x128xi32, #tpu.memory_space<vmem>>, vector<16xi32>,
      %and3A_316 = arith.constant 15 : i32
      %and3A_317 = vector.broadcast %and3A_316 : i32 to vector<16xi32>
      %and3A_318 = arith.andi %get3A_315, %and3A_317 : vector<16xi32>
      %get3A_319 = arith.index_cast %add3A_282 : i32 to index
      %get3A_320 = arith.constant 96 : index
      %get3A_321 = tpu.vector_load %arg5[%get3A_319, %get3A_320] {strides = array<i32>} : memref<200x128xi32, #tpu.memory_space<vmem>>, vector<16xi32>,
      %and3A_322 = arith.constant 15 : i32
      %and3A_323 = vector.broadcast %and3A_322 : i32 to vector<16xi32>
      %and3A_324 = arith.andi %get3A_321, %and3A_323 : vector<16xi32>
      %get3A_325 = arith.index_cast %add3A_282 : i32 to index
      %get3A_326 = arith.constant 112 : index
      %get3A_327 = tpu.vector_load %arg5[%get3A_325, %get3A_326] {strides = array<i32>} : memref<200x128xi32, #tpu.memory_space<vmem>>, vector<16xi32>,
      %and3A_328 = arith.constant 15 : i32
      %and3A_329 = vector.broadcast %and3A_328 : i32 to vector<16xi32>
      %and3A_330 = arith.andi %get3A_327, %and3A_329 : vector<16xi32>
      %scan3A_331 = arith.constant 0 : i32
      %scan3A_332 = arith.constant 64 : i32
      %scan3A_333 = arith.addi %scan3A_331, %scan3A_332 : i32
      %scan3A_334 = arith.constant 1 : i32
      %scan3A_335:8 = scf.for %scan3A_544 = %scan3A_331 to %scan3A_333 step %scan3A_334 iter_args(%scan3A_545 = %and3A_288, %scan3A_546 = %and3A_294, %scan3A_547 = %and3A_300, %scan3A_548 = %and3A_306, %scan3A_549 = %and3A_312, %scan3A_550 = %and3A_318, %scan3A_551 = %and3A_324, %scan3A_552 = %and3A_330) -> (vector<16xi32>, vector<16xi32>, vector<16xi32>, vector<16xi32>, vector<16xi32>, vector<16xi32>, vector<16xi32>, vector<16xi32>)  : i32 {
        %gather3A = arith.constant 0 : i32
        %gather3A_553 = arith.constant 1 : i32
        %gather3A_554 = arith.constant 0 : i32
        %gather3A_555 = arith.constant 0 : i32
        %gather3A_556 = tpu.memref_slice %arg6[%gather3A, %gather3A_553, %gather3A_554, %gather3A_555] : memref<2x2x128x128xf32, #tpu.memory_space<vmem>> -> memref<1x1x128x128xf32, #tpu.memory_space<vmem>>
        %gather3A_557 = tpu.memref_squeeze %gather3A_556 : memref<1x1x128x128xf32, #tpu.memory_space<vmem>> -> memref<128x128xf32, #tpu.memory_space<vmem>>
        %gather3A_558 = tpu.vector_load_idx %gather3A_557[%add3A_11, %scan3A_545] : memref<128x128xf32, #tpu.memory_space<vmem>>[vector<16xi32>, vector<16xi32>], vector<16xf32>,
        %swap3A = arith.constant 0 : i32
        %swap3A_559 = arith.constant 1 : i32
        %swap3A_560 = arith.index_cast %swap3A : i32 to index
        %swap3A_561 = arith.index_cast %swap3A_559 : i32 to index
        %swap3A_562 = arith.index_cast %scan3A_544 : i32 to index
        %swap3A_563 = arith.constant 0 : index
        %swap3A_564 = tpu.vector_load %arg7[%swap3A_560, %swap3A_561, %swap3A_562, %swap3A_563] {strides = array<i32>} : memref<2x2x64x128xf32, #tpu.memory_space<vmem>>, vector<16xf32>,
        tpu.vector_store %arg7[%swap3A_560, %swap3A_561, %swap3A_562, %swap3A_563], %gather3A_558 {strides = array<i32>} : memref<2x2x64x128xf32, #tpu.memory_space<vmem>>, vector<16xf32>,
        %add3A_565 = arith.addi %scan3A_545, %broadcast_in_dim3A_40 : vector<16xi32>
        %gather3A_566 = arith.constant 0 : i32
        %gather3A_567 = arith.constant 1 : i32
        %gather3A_568 = arith.constant 0 : i32
        %gather3A_569 = arith.constant 0 : i32
        %gather3A_570 = tpu.memref_slice %arg6[%gather3A_566, %gather3A_567, %gather3A_568, %gather3A_569] : memref<2x2x128x128xf32, #tpu.memory_space<vmem>> -> memref<1x1x128x128xf32, #tpu.memory_space<vmem>>
        %gather3A_571 = tpu.memref_squeeze %gather3A_570 : memref<1x1x128x128xf32, #tpu.memory_space<vmem>> -> memref<128x128xf32, #tpu.memory_space<vmem>>
        %gather3A_572 = tpu.vector_load_idx %gather3A_571[%add3A_15, %scan3A_546] : memref<128x128xf32, #tpu.memory_space<vmem>>[vector<16xi32>, vector<16xi32>], vector<16xf32>,
        %swap3A_573 = arith.constant 0 : i32
        %swap3A_574 = arith.constant 1 : i32
        %swap3A_575 = arith.index_cast %swap3A_573 : i32 to index
        %swap3A_576 = arith.index_cast %swap3A_574 : i32 to index
        %swap3A_577 = arith.index_cast %scan3A_544 : i32 to index
        %swap3A_578 = arith.constant 16 : index
        %swap3A_579 = tpu.vector_load %arg7[%swap3A_575, %swap3A_576, %swap3A_577, %swap3A_578] {strides = array<i32>} : memref<2x2x64x128xf32, #tpu.memory_space<vmem>>, vector<16xf32>,
        tpu.vector_store %arg7[%swap3A_575, %swap3A_576, %swap3A_577, %swap3A_578], %gather3A_572 {strides = array<i32>} : memref<2x2x64x128xf32, #tpu.memory_space<vmem>>, vector<16xf32>,
        %add3A_580 = arith.addi %scan3A_546, %broadcast_in_dim3A_40 : vector<16xi32>
        %gather3A_581 = arith.constant 0 : i32
        %gather3A_582 = arith.constant 1 : i32
        %gather3A_583 = arith.constant 0 : i32
        %gather3A_584 = arith.constant 0 : i32
        %gather3A_585 = tpu.memref_slice %arg6[%gather3A_581, %gather3A_582, %gather3A_583, %gather3A_584] : memref<2x2x128x128xf32, #tpu.memory_space<vmem>> -> memref<1x1x128x128xf32, #tpu.memory_space<vmem>>
        %gather3A_586 = tpu.memref_squeeze %gather3A_585 : memref<1x1x128x128xf32, #tpu.memory_space<vmem>> -> memref<128x128xf32, #tpu.memory_space<vmem>>
        %gather3A_587 = tpu.vector_load_idx %gather3A_586[%add3A_19, %scan3A_547] : memref<128x128xf32, #tpu.memory_space<vmem>>[vector<16xi32>, vector<16xi32>], vector<16xf32>,
        %swap3A_588 = arith.constant 0 : i32
        %swap3A_589 = arith.constant 1 : i32
        %swap3A_590 = arith.index_cast %swap3A_588 : i32 to index
        %swap3A_591 = arith.index_cast %swap3A_589 : i32 to index
        %swap3A_592 = arith.index_cast %scan3A_544 : i32 to index
        %swap3A_593 = arith.constant 32 : index
        %swap3A_594 = tpu.vector_load %arg7[%swap3A_590, %swap3A_591, %swap3A_592, %swap3A_593] {strides = array<i32>} : memref<2x2x64x128xf32, #tpu.memory_space<vmem>>, vector<16xf32>,
        tpu.vector_store %arg7[%swap3A_590, %swap3A_591, %swap3A_592, %swap3A_593], %gather3A_587 {strides = array<i32>} : memref<2x2x64x128xf32, #tpu.memory_space<vmem>>, vector<16xf32>,
        %add3A_595 = arith.addi %scan3A_547, %broadcast_in_dim3A_40 : vector<16xi32>
        %gather3A_596 = arith.constant 0 : i32
        %gather3A_597 = arith.constant 1 : i32
        %gather3A_598 = arith.constant 0 : i32
        %gather3A_599 = arith.constant 0 : i32
        %gather3A_600 = tpu.memref_slice %arg6[%gather3A_596, %gather3A_597, %gather3A_598, %gather3A_599] : memref<2x2x128x128xf32, #tpu.memory_space<vmem>> -> memref<1x1x128x128xf32, #tpu.memory_space<vmem>>
        %gather3A_601 = tpu.memref_squeeze %gather3A_600 : memref<1x1x128x128xf32, #tpu.memory_space<vmem>> -> memref<128x128xf32, #tpu.memory_space<vmem>>
        %gather3A_602 = tpu.vector_load_idx %gather3A_601[%add3A_23, %scan3A_548] : memref<128x128xf32, #tpu.memory_space<vmem>>[vector<16xi32>, vector<16xi32>], vector<16xf32>,
        %swap3A_603 = arith.constant 0 : i32
        %swap3A_604 = arith.constant 1 : i32
        %swap3A_605 = arith.index_cast %swap3A_603 : i32 to index
        %swap3A_606 = arith.index_cast %swap3A_604 : i32 to index
        %swap3A_607 = arith.index_cast %scan3A_544 : i32 to index
        %swap3A_608 = arith.constant 48 : index
        %swap3A_609 = tpu.vector_load %arg7[%swap3A_605, %swap3A_606, %swap3A_607, %swap3A_608] {strides = array<i32>} : memref<2x2x64x128xf32, #tpu.memory_space<vmem>>, vector<16xf32>,
        tpu.vector_store %arg7[%swap3A_605, %swap3A_606, %swap3A_607, %swap3A_608], %gather3A_602 {strides = array<i32>} : memref<2x2x64x128xf32, #tpu.memory_space<vmem>>, vector<16xf32>,
        %add3A_610 = arith.addi %scan3A_548, %broadcast_in_dim3A_40 : vector<16xi32>
        %gather3A_611 = arith.constant 0 : i32
        %gather3A_612 = arith.constant 1 : i32
        %gather3A_613 = arith.constant 0 : i32
        %gather3A_614 = arith.constant 0 : i32
        %gather3A_615 = tpu.memref_slice %arg6[%gather3A_611, %gather3A_612, %gather3A_613, %gather3A_614] : memref<2x2x128x128xf32, #tpu.memory_space<vmem>> -> memref<1x1x128x128xf32, #tpu.memory_space<vmem>>
        %gather3A_616 = tpu.memref_squeeze %gather3A_615 : memref<1x1x128x128xf32, #tpu.memory_space<vmem>> -> memref<128x128xf32, #tpu.memory_space<vmem>>
        %gather3A_617 = tpu.vector_load_idx %gather3A_616[%add3A_27, %scan3A_549] : memref<128x128xf32, #tpu.memory_space<vmem>>[vector<16xi32>, vector<16xi32>], vector<16xf32>,
        %swap3A_618 = arith.constant 0 : i32
        %swap3A_619 = arith.constant 1 : i32
        %swap3A_620 = arith.index_cast %swap3A_618 : i32 to index
        %swap3A_621 = arith.index_cast %swap3A_619 : i32 to index
        %swap3A_622 = arith.index_cast %scan3A_544 : i32 to index
        %swap3A_623 = arith.constant 64 : index
        %swap3A_624 = tpu.vector_load %arg7[%swap3A_620, %swap3A_621, %swap3A_622, %swap3A_623] {strides = array<i32>} : memref<2x2x64x128xf32, #tpu.memory_space<vmem>>, vector<16xf32>,
        tpu.vector_store %arg7[%swap3A_620, %swap3A_621, %swap3A_622, %swap3A_623], %gather3A_617 {strides = array<i32>} : memref<2x2x64x128xf32, #tpu.memory_space<vmem>>, vector<16xf32>,
        %add3A_625 = arith.addi %scan3A_549, %broadcast_in_dim3A_40 : vector<16xi32>
        %gather3A_626 = arith.constant 0 : i32
        %gather3A_627 = arith.constant 1 : i32
        %gather3A_628 = arith.constant 0 : i32
        %gather3A_629 = arith.constant 0 : i32
        %gather3A_630 = tpu.memref_slice %arg6[%gather3A_626, %gather3A_627, %gather3A_628, %gather3A_629] : memref<2x2x128x128xf32, #tpu.memory_space<vmem>> -> memref<1x1x128x128xf32, #tpu.memory_space<vmem>>
        %gather3A_631 = tpu.memref_squeeze %gather3A_630 : memref<1x1x128x128xf32, #tpu.memory_space<vmem>> -> memref<128x128xf32, #tpu.memory_space<vmem>>
        %gather3A_632 = tpu.vector_load_idx %gather3A_631[%add3A_31, %scan3A_550] : memref<128x128xf32, #tpu.memory_space<vmem>>[vector<16xi32>, vector<16xi32>], vector<16xf32>,
        %swap3A_633 = arith.constant 0 : i32
        %swap3A_634 = arith.constant 1 : i32
        %swap3A_635 = arith.index_cast %swap3A_633 : i32 to index
        %swap3A_636 = arith.index_cast %swap3A_634 : i32 to index
        %swap3A_637 = arith.index_cast %scan3A_544 : i32 to index
        %swap3A_638 = arith.constant 80 : index
        %swap3A_639 = tpu.vector_load %arg7[%swap3A_635, %swap3A_636, %swap3A_637, %swap3A_638] {strides = array<i32>} : memref<2x2x64x128xf32, #tpu.memory_space<vmem>>, vector<16xf32>,
        tpu.vector_store %arg7[%swap3A_635, %swap3A_636, %swap3A_637, %swap3A_638], %gather3A_632 {strides = array<i32>} : memref<2x2x64x128xf32, #tpu.memory_space<vmem>>, vector<16xf32>,
        %add3A_640 = arith.addi %scan3A_550, %broadcast_in_dim3A_40 : vector<16xi32>
        %gather3A_641 = arith.constant 0 : i32
        %gather3A_642 = arith.constant 1 : i32
        %gather3A_643 = arith.constant 0 : i32
        %gather3A_644 = arith.constant 0 : i32
        %gather3A_645 = tpu.memref_slice %arg6[%gather3A_641, %gather3A_642, %gather3A_643, %gather3A_644] : memref<2x2x128x128xf32, #tpu.memory_space<vmem>> -> memref<1x1x128x128xf32, #tpu.memory_space<vmem>>
        %gather3A_646 = tpu.memref_squeeze %gather3A_645 : memref<1x1x128x128xf32, #tpu.memory_space<vmem>> -> memref<128x128xf32, #tpu.memory_space<vmem>>
        %gather3A_647 = tpu.vector_load_idx %gather3A_646[%add3A_35, %scan3A_551] : memref<128x128xf32, #tpu.memory_space<vmem>>[vector<16xi32>, vector<16xi32>], vector<16xf32>,
        %swap3A_648 = arith.constant 0 : i32
        %swap3A_649 = arith.constant 1 : i32
        %swap3A_650 = arith.index_cast %swap3A_648 : i32 to index
        %swap3A_651 = arith.index_cast %swap3A_649 : i32 to index
        %swap3A_652 = arith.index_cast %scan3A_544 : i32 to index
        %swap3A_653 = arith.constant 96 : index
        %swap3A_654 = tpu.vector_load %arg7[%swap3A_650, %swap3A_651, %swap3A_652, %swap3A_653] {strides = array<i32>} : memref<2x2x64x128xf32, #tpu.memory_space<vmem>>, vector<16xf32>,
        tpu.vector_store %arg7[%swap3A_650, %swap3A_651, %swap3A_652, %swap3A_653], %gather3A_647 {strides = array<i32>} : memref<2x2x64x128xf32, #tpu.memory_space<vmem>>, vector<16xf32>,
        %add3A_655 = arith.addi %scan3A_551, %broadcast_in_dim3A_40 : vector<16xi32>
        %gather3A_656 = arith.constant 0 : i32
        %gather3A_657 = arith.constant 1 : i32
        %gather3A_658 = arith.constant 0 : i32
        %gather3A_659 = arith.constant 0 : i32
        %gather3A_660 = tpu.memref_slice %arg6[%gather3A_656, %gather3A_657, %gather3A_658, %gather3A_659] : memref<2x2x128x128xf32, #tpu.memory_space<vmem>> -> memref<1x1x128x128xf32, #tpu.memory_space<vmem>>
        %gather3A_661 = tpu.memref_squeeze %gather3A_660 : memref<1x1x128x128xf32, #tpu.memory_space<vmem>> -> memref<128x128xf32, #tpu.memory_space<vmem>>
        %gather3A_662 = tpu.vector_load_idx %gather3A_661[%add3A_39, %scan3A_552] : memref<128x128xf32, #tpu.memory_space<vmem>>[vector<16xi32>, vector<16xi32>], vector<16xf32>,
        %swap3A_663 = arith.constant 0 : i32
        %swap3A_664 = arith.constant 1 : i32
        %swap3A_665 = arith.index_cast %swap3A_663 : i32 to index
        %swap3A_666 = arith.index_cast %swap3A_664 : i32 to index
        %swap3A_667 = arith.index_cast %scan3A_544 : i32 to index
        %swap3A_668 = arith.constant 112 : index
        %swap3A_669 = tpu.vector_load %arg7[%swap3A_665, %swap3A_666, %swap3A_667, %swap3A_668] {strides = array<i32>} : memref<2x2x64x128xf32, #tpu.memory_space<vmem>>, vector<16xf32>,
        tpu.vector_store %arg7[%swap3A_665, %swap3A_666, %swap3A_667, %swap3A_668], %gather3A_662 {strides = array<i32>} : memref<2x2x64x128xf32, #tpu.memory_space<vmem>>, vector<16xf32>,
        %add3A_670 = arith.addi %scan3A_552, %broadcast_in_dim3A_40 : vector<16xi32>
        scf.yield %add3A_565, %add3A_580, %add3A_595, %add3A_610, %add3A_625, %add3A_640, %add3A_655, %add3A_670 : vector<16xi32>, vector<16xi32>, vector<16xi32>, vector<16xi32>, vector<16xi32>, vector<16xi32>, vector<16xi32>, vector<16xi32>
      }
      %scan3A_336 = arith.constant 64 : i32
      %dma_start3A_337 = arith.constant 0 : i32
      %dma_start3A_338 = arith.constant 1 : i32
      %dma_start3A_339 = arith.constant 0 : i32
      %dma_start3A_340 = arith.constant 0 : i32
      %dma_start3A_341 = tpu.memref_slice %arg7[%dma_start3A_337, %dma_start3A_338, %dma_start3A_339, %dma_start3A_340] : memref<2x2x64x128xf32, #tpu.memory_space<vmem>> -> memref<1x1x64x128xf32, #tpu.memory_space<vmem>>
      %dma_start3A_342 = tpu.memref_squeeze %dma_start3A_341 : memref<1x1x64x128xf32, #tpu.memory_space<vmem>> -> memref<64x128xf32, #tpu.memory_space<vmem>>
      %dma_start3A_343 = arith.constant 0 : i32
      %dma_start3A_344 = tpu.memref_slice %arg4[%add3A_282, %dma_start3A_343, %mul3A_2] : memref<200x64x4096xf32, #tpu.memory_space<hbm>> -> memref<1x64x128xf32, #tpu.memory_space<hbm>>
      %dma_start3A_345 = tpu.memref_squeeze %dma_start3A_344 : memref<1x64x128xf32, #tpu.memory_space<hbm>> -> memref<64x128xf32, #tpu.memory_space<hbm>>
      %dma_start3A_346 = arith.constant 0 : i32
      %dma_start3A_347 = tpu.memref_slice %arg4[%add3A_282, %dma_start3A_346, %mul3A_2] : memref<200x64x4096xf32, #tpu.memory_space<hbm>> -> memref<1x64x128xf32, #tpu.memory_space<hbm>>
      %dma_start3A_348 = tpu.memref_squeeze %dma_start3A_347 : memref<1x64x128xf32, #tpu.memory_space<hbm>> -> memref<64x128xf32, #tpu.memory_space<hbm>>
      %dma_start3A_349 = arith.constant 0 : i32
      %dma_start3A_350 = arith.constant 0 : i32
      %dma_start3A_351 = tpu.memref_slice %arg7[%dma_start3A_337, %dma_start3A_338, %dma_start3A_349, %dma_start3A_350] : memref<2x2x64x128xf32, #tpu.memory_space<vmem>> -> memref<1x1x64x128xf32, #tpu.memory_space<vmem>>
      %dma_start3A_352 = tpu.memref_squeeze %dma_start3A_351 : memref<1x1x64x128xf32, #tpu.memory_space<vmem>> -> memref<64x128xf32, #tpu.memory_space<vmem>>
      tpu.enqueue_dma source(%dma_start3A_352 : memref<64x128xf32, #tpu.memory_space<vmem>>) target(%dma_start3A_348 : memref<64x128xf32, #tpu.memory_space<hbm>>) target_semaphore(%arg10 : memref<!tpu.dma_semaphore, #tpu.memory_space<semaphore_mem>>)
      %lt3A = arith.constant 49 : i32
      %lt3A_353 = arith.cmpi slt, %scan3A_136, %lt3A : i32
      %convert_element_type3A_354 = arith.extui %lt3A_353 : i1 to i32
      %cond3A_355 = arith.constant 0 : i32
      %cond3A_356 = arith.cmpi ne, %convert_element_type3A_354, %cond3A_355 : i32
      scf.if %cond3A_356 {
        %add3A_544 = arith.constant 2 : i32
        %add3A_545 = arith.addi %mul3A_138, %add3A_544 : i32
        %mul3A_546 = arith.constant 2 : i32
        %mul3A_547 = arith.muli %mul3A_546, %add3A_545 : i32
        %add3A_548 = arith.constant 0 : i32
        %add3A_549 = arith.addi %mul3A_547, %add3A_548 : i32
        %dma_start3A_550 = arith.constant 0 : i32
        %dma_start3A_551 = arith.constant 0 : i32
        %dma_start3A_552 = arith.constant 0 : i32
        %dma_start3A_553 = arith.constant 0 : i32
        %dma_start3A_554 = tpu.memref_slice %arg6[%dma_start3A_550, %dma_start3A_551, %dma_start3A_552, %dma_start3A_553] : memref<2x2x128x128xf32, #tpu.memory_space<vmem>> -> memref<1x1x128x128xf32, #tpu.memory_space<vmem>>
        %dma_start3A_555 = tpu.memref_squeeze %dma_start3A_554 : memref<1x1x128x128xf32, #tpu.memory_space<vmem>> -> memref<128x128xf32, #tpu.memory_space<vmem>>
        %dma_start3A_556 = arith.constant 0 : i32
        %dma_start3A_557 = tpu.memref_slice %arg5[%add3A_549, %dma_start3A_556] : memref<200x128xi32, #tpu.memory_space<vmem>> -> memref<1x128xi32, #tpu.memory_space<vmem>>
        %dma_start3A_558 = tpu.memref_squeeze %dma_start3A_557 : memref<1x128xi32, #tpu.memory_space<vmem>> -> memref<128xi32, #tpu.memory_space<vmem>>
        %dma_start3A_559 = arith.constant 0 : i32
        %dma_start3A_560 = arith.constant 0 : i32
        %dma_start3A_561 = tpu.memref_slice %arg3[%dma_start3A_559, %dma_start3A_560] : memref<1000000x128xf32, #tpu.memory_space<hbm>> -> memref<1000000x128xf32, #tpu.memory_space<hbm>>
        tpu.enqueue_indirect_dma source(%dma_start3A_561 : memref<1000000x128xf32, #tpu.memory_space<hbm>>) target(%dma_start3A_555 : memref<128x128xf32, #tpu.memory_space<vmem>>) offsets(%dma_start3A_558 : memref<128xi32, #tpu.memory_space<vmem>>) semaphore(%arg8 : memref<!tpu.dma_semaphore, #tpu.memory_space<semaphore_mem>>)
        %mul3A_562 = arith.constant 2 : i32
        %mul3A_563 = arith.muli %mul3A_562, %add3A_545 : i32
        %add3A_564 = arith.constant 1 : i32
        %add3A_565 = arith.addi %mul3A_563, %add3A_564 : i32
        %dma_start3A_566 = arith.constant 0 : i32
        %dma_start3A_567 = arith.constant 1 : i32
        %dma_start3A_568 = arith.constant 0 : i32
        %dma_start3A_569 = arith.constant 0 : i32
        %dma_start3A_570 = tpu.memref_slice %arg6[%dma_start3A_566, %dma_start3A_567, %dma_start3A_568, %dma_start3A_569] : memref<2x2x128x128xf32, #tpu.memory_space<vmem>> -> memref<1x1x128x128xf32, #tpu.memory_space<vmem>>
        %dma_start3A_571 = tpu.memref_squeeze %dma_start3A_570 : memref<1x1x128x128xf32, #tpu.memory_space<vmem>> -> memref<128x128xf32, #tpu.memory_space<vmem>>
        %dma_start3A_572 = arith.constant 0 : i32
        %dma_start3A_573 = tpu.memref_slice %arg5[%add3A_565, %dma_start3A_572] : memref<200x128xi32, #tpu.memory_space<vmem>> -> memref<1x128xi32, #tpu.memory_space<vmem>>
        %dma_start3A_574 = tpu.memref_squeeze %dma_start3A_573 : memref<1x128xi32, #tpu.memory_space<vmem>> -> memref<128xi32, #tpu.memory_space<vmem>>
        %dma_start3A_575 = arith.constant 0 : i32
        %dma_start3A_576 = arith.constant 0 : i32
        %dma_start3A_577 = tpu.memref_slice %arg3[%dma_start3A_575, %dma_start3A_576] : memref<1000000x128xf32, #tpu.memory_space<hbm>> -> memref<1000000x128xf32, #tpu.memory_space<hbm>>
        tpu.enqueue_indirect_dma source(%dma_start3A_577 : memref<1000000x128xf32, #tpu.memory_space<hbm>>) target(%dma_start3A_571 : memref<128x128xf32, #tpu.memory_space<vmem>>) offsets(%dma_start3A_574 : memref<128xi32, #tpu.memory_space<vmem>>) semaphore(%arg8 : memref<!tpu.dma_semaphore, #tpu.memory_space<semaphore_mem>>)
      } else {
      }
      %dma_wait3A_357 = arith.constant 1 : i32
      %dma_wait3A_358 = arith.constant 0 : i32
      %dma_wait3A_359 = arith.constant 0 : i32
      %dma_wait3A_360 = arith.constant 0 : i32
      %dma_wait3A_361 = tpu.memref_slice %arg6[%dma_wait3A_357, %dma_wait3A_358, %dma_wait3A_359, %dma_wait3A_360] : memref<2x2x128x128xf32, #tpu.memory_space<vmem>> -> memref<1x1x128x128xf32, #tpu.memory_space<vmem>>
      %dma_wait3A_362 = tpu.memref_squeeze %dma_wait3A_361 : memref<1x1x128x128xf32, #tpu.memory_space<vmem>> -> memref<128x128xf32, #tpu.memory_space<vmem>>
      %dma_wait3A_363 = arith.constant 0 : i32
      %dma_wait3A_364 = arith.constant 0 : i32
      %dma_wait3A_365 = tpu.memref_slice %arg3[%dma_wait3A_363, %dma_wait3A_364] : memref<1000000x128xf32, #tpu.memory_space<hbm>> -> memref<128x128xf32, #tpu.memory_space<hbm>>
      %dma_wait3A_366 = arith.constant 0 : i32
      %dma_wait3A_367 = arith.constant 0 : i32
      %dma_wait3A_368 = tpu.memref_slice %arg6[%dma_wait3A_357, %dma_wait3A_358, %dma_wait3A_366, %dma_wait3A_367] : memref<2x2x128x128xf32, #tpu.memory_space<vmem>> -> memref<1x1x128x128xf32, #tpu.memory_space<vmem>>
      %dma_wait3A_369 = tpu.memref_squeeze %dma_wait3A_368 : memref<1x1x128x128xf32, #tpu.memory_space<vmem>> -> memref<128x128xf32, #tpu.memory_space<vmem>>
      %dma_wait3A_370 = arith.constant 0 : i32
      %dma_wait3A_371 = arith.constant 0 : i32
      %dma_wait3A_372 = tpu.memref_slice %arg3[%dma_wait3A_370, %dma_wait3A_371] : memref<1000000x128xf32, #tpu.memory_space<hbm>> -> memref<128x128xf32, #tpu.memory_space<hbm>>
      tpu.wait_dma2 semaphore(%arg9 : memref<!tpu.dma_semaphore, #tpu.memory_space<semaphore_mem>>) src(%dma_wait3A_372 : memref<128x128xf32, #tpu.memory_space<hbm>>) dst(%dma_wait3A_369 : memref<128x128xf32, #tpu.memory_space<vmem>>)
      %dma_wait3A_373 = arith.constant 1 : i32
      %dma_wait3A_374 = arith.constant 0 : i32
      %dma_wait3A_375 = arith.constant 0 : i32
      %dma_wait3A_376 = arith.constant 0 : i32
      %dma_wait3A_377 = tpu.memref_slice %arg6[%dma_wait3A_373, %dma_wait3A_374, %dma_wait3A_375, %dma_wait3A_376] : memref<2x2x128x128xf32, #tpu.memory_space<vmem>> -> memref<1x1x128x128xf32, #tpu.memory_space<vmem>>
      %dma_wait3A_378 = tpu.memref_squeeze %dma_wait3A_377 : memref<1x1x128x128xf32, #tpu.memory_space<vmem>> -> memref<128x128xf32, #tpu.memory_space<vmem>>
      %dma_wait3A_379 = arith.constant 0 : i32
      %dma_wait3A_380 = arith.constant 0 : i32
      %dma_wait3A_381 = tpu.memref_slice %arg3[%dma_wait3A_379, %dma_wait3A_380] : memref<1000000x128xf32, #tpu.memory_space<hbm>> -> memref<128x128xf32, #tpu.memory_space<hbm>>
      %dma_wait3A_382 = arith.constant 0 : i32
      %dma_wait3A_383 = arith.constant 0 : i32
      %dma_wait3A_384 = tpu.memref_slice %arg6[%dma_wait3A_373, %dma_wait3A_374, %dma_wait3A_382, %dma_wait3A_383] : memref<2x2x128x128xf32, #tpu.memory_space<vmem>> -> memref<1x1x128x128xf32, #tpu.memory_space<vmem>>
      %dma_wait3A_385 = tpu.memref_squeeze %dma_wait3A_384 : memref<1x1x128x128xf32, #tpu.memory_space<vmem>> -> memref<128x128xf32, #tpu.memory_space<vmem>>
      %dma_wait3A_386 = arith.constant 0 : i32
      %dma_wait3A_387 = arith.constant 0 : i32
      %dma_wait3A_388 = tpu.memref_slice %arg3[%dma_wait3A_386, %dma_wait3A_387] : memref<1000000x128xf32, #tpu.memory_space<hbm>> -> memref<128x128xf32, #tpu.memory_space<hbm>>
      tpu.wait_dma2 semaphore(%arg9 : memref<!tpu.dma_semaphore, #tpu.memory_space<semaphore_mem>>) src(%dma_wait3A_388 : memref<128x128xf32, #tpu.memory_space<hbm>>) dst(%dma_wait3A_385 : memref<128x128xf32, #tpu.memory_space<vmem>>)
      %gt3A_389 = arith.constant 0 : i32
      %gt3A_390 = arith.cmpi sgt, %scan3A_136, %gt3A_389 : i32
      %convert_element_type3A_391 = arith.extui %gt3A_390 : i1 to i32
      %cond3A_392 = arith.constant 0 : i32
      %cond3A_393 = arith.cmpi ne, %convert_element_type3A_391, %cond3A_392 : i32
      scf.if %cond3A_393 {
        %dma_wait3A_544 = arith.constant 1 : i32
        %dma_wait3A_545 = arith.constant 0 : i32
        %dma_wait3A_546 = arith.constant 0 : i32
        %dma_wait3A_547 = arith.constant 0 : i32
        %dma_wait3A_548 = tpu.memref_slice %arg7[%dma_wait3A_544, %dma_wait3A_545, %dma_wait3A_546, %dma_wait3A_547] : memref<2x2x64x128xf32, #tpu.memory_space<vmem>> -> memref<1x1x64x128xf32, #tpu.memory_space<vmem>>
        %dma_wait3A_549 = tpu.memref_squeeze %dma_wait3A_548 : memref<1x1x64x128xf32, #tpu.memory_space<vmem>> -> memref<64x128xf32, #tpu.memory_space<vmem>>
        %dma_wait3A_550 = arith.constant 0 : i32
        %dma_wait3A_551 = arith.constant 0 : i32
        %dma_wait3A_552 = tpu.memref_slice %arg3[%dma_wait3A_550, %dma_wait3A_551] : memref<1000000x128xf32, #tpu.memory_space<hbm>> -> memref<64x128xf32, #tpu.memory_space<hbm>>
        %dma_wait3A_553 = arith.constant 0 : i32
        %dma_wait3A_554 = arith.constant 0 : i32
        %dma_wait3A_555 = tpu.memref_slice %arg7[%dma_wait3A_544, %dma_wait3A_545, %dma_wait3A_553, %dma_wait3A_554] : memref<2x2x64x128xf32, #tpu.memory_space<vmem>> -> memref<1x1x64x128xf32, #tpu.memory_space<vmem>>
        %dma_wait3A_556 = tpu.memref_squeeze %dma_wait3A_555 : memref<1x1x64x128xf32, #tpu.memory_space<vmem>> -> memref<64x128xf32, #tpu.memory_space<vmem>>
        %dma_wait3A_557 = arith.constant 0 : i32
        %dma_wait3A_558 = arith.constant 0 : i32
        %dma_wait3A_559 = tpu.memref_slice %arg3[%dma_wait3A_557, %dma_wait3A_558] : memref<1000000x128xf32, #tpu.memory_space<hbm>> -> memref<64x128xf32, #tpu.memory_space<hbm>>
        tpu.wait_dma2 semaphore(%arg11 : memref<!tpu.dma_semaphore, #tpu.memory_space<semaphore_mem>>) src(%dma_wait3A_559 : memref<64x128xf32, #tpu.memory_space<hbm>>) dst(%dma_wait3A_556 : memref<64x128xf32, #tpu.memory_space<vmem>>)
        %dma_wait3A_560 = arith.constant 1 : i32
        %dma_wait3A_561 = arith.constant 0 : i32
        %dma_wait3A_562 = arith.constant 0 : i32
        %dma_wait3A_563 = arith.constant 0 : i32
        %dma_wait3A_564 = tpu.memref_slice %arg7[%dma_wait3A_560, %dma_wait3A_561, %dma_wait3A_562, %dma_wait3A_563] : memref<2x2x64x128xf32, #tpu.memory_space<vmem>> -> memref<1x1x64x128xf32, #tpu.memory_space<vmem>>
        %dma_wait3A_565 = tpu.memref_squeeze %dma_wait3A_564 : memref<1x1x64x128xf32, #tpu.memory_space<vmem>> -> memref<64x128xf32, #tpu.memory_space<vmem>>
        %dma_wait3A_566 = arith.constant 0 : i32
        %dma_wait3A_567 = arith.constant 0 : i32
        %dma_wait3A_568 = tpu.memref_slice %arg3[%dma_wait3A_566, %dma_wait3A_567] : memref<1000000x128xf32, #tpu.memory_space<hbm>> -> memref<64x128xf32, #tpu.memory_space<hbm>>
        %dma_wait3A_569 = arith.constant 0 : i32
        %dma_wait3A_570 = arith.constant 0 : i32
        %dma_wait3A_571 = tpu.memref_slice %arg7[%dma_wait3A_560, %dma_wait3A_561, %dma_wait3A_569, %dma_wait3A_570] : memref<2x2x64x128xf32, #tpu.memory_space<vmem>> -> memref<1x1x64x128xf32, #tpu.memory_space<vmem>>
        %dma_wait3A_572 = tpu.memref_squeeze %dma_wait3A_571 : memref<1x1x64x128xf32, #tpu.memory_space<vmem>> -> memref<64x128xf32, #tpu.memory_space<vmem>>
        %dma_wait3A_573 = arith.constant 0 : i32
        %dma_wait3A_574 = arith.constant 0 : i32
        %dma_wait3A_575 = tpu.memref_slice %arg3[%dma_wait3A_573, %dma_wait3A_574] : memref<1000000x128xf32, #tpu.memory_space<hbm>> -> memref<64x128xf32, #tpu.memory_space<hbm>>
        tpu.wait_dma2 semaphore(%arg11 : memref<!tpu.dma_semaphore, #tpu.memory_space<semaphore_mem>>) src(%dma_wait3A_575 : memref<64x128xf32, #tpu.memory_space<hbm>>) dst(%dma_wait3A_572 : memref<64x128xf32, #tpu.memory_space<vmem>>)
      } else {
      }
      %add3A_394 = arith.constant 1 : i32
      %add3A_395 = arith.addi %mul3A_138, %add3A_394 : i32
      %mul3A_396 = arith.constant 2 : i32
      %mul3A_397 = arith.muli %mul3A_396, %add3A_395 : i32
      %add3A_398 = arith.constant 0 : i32
      %add3A_399 = arith.addi %mul3A_397, %add3A_398 : i32
      %get3A_400 = arith.index_cast %add3A_399 : i32 to index
      %get3A_401 = arith.constant 0 : index
      %get3A_402 = tpu.vector_load %arg5[%get3A_400, %get3A_401] {strides = array<i32>} : memref<200x128xi32, #tpu.memory_space<vmem>>, vector<16xi32>,
      %and3A_403 = arith.constant 15 : i32
      %and3A_404 = vector.broadcast %and3A_403 : i32 to vector<16xi32>
      %and3A_405 = arith.andi %get3A_402, %and3A_404 : vector<16xi32>
      %get3A_406 = arith.index_cast %add3A_399 : i32 to index
      %get3A_407 = arith.constant 16 : index
      %get3A_408 = tpu.vector_load %arg5[%get3A_406, %get3A_407] {strides = array<i32>} : memref<200x128xi32, #tpu.memory_space<vmem>>, vector<16xi32>,
      %and3A_409 = arith.constant 15 : i32
      %and3A_410 = vector.broadcast %and3A_409 : i32 to vector<16xi32>
      %and3A_411 = arith.andi %get3A_408, %and3A_410 : vector<16xi32>
      %get3A_412 = arith.index_cast %add3A_399 : i32 to index
      %get3A_413 = arith.constant 32 : index
      %get3A_414 = tpu.vector_load %arg5[%get3A_412, %get3A_413] {strides = array<i32>} : memref<200x128xi32, #tpu.memory_space<vmem>>, vector<16xi32>,
      %and3A_415 = arith.constant 15 : i32
      %and3A_416 = vector.broadcast %and3A_415 : i32 to vector<16xi32>
      %and3A_417 = arith.andi %get3A_414, %and3A_416 : vector<16xi32>
      %get3A_418 = arith.index_cast %add3A_399 : i32 to index
      %get3A_419 = arith.constant 48 : index
      %get3A_420 = tpu.vector_load %arg5[%get3A_418, %get3A_419] {strides = array<i32>} : memref<200x128xi32, #tpu.memory_space<vmem>>, vector<16xi32>,
      %and3A_421 = arith.constant 15 : i32
      %and3A_422 = vector.broadcast %and3A_421 : i32 to vector<16xi32>
      %and3A_423 = arith.andi %get3A_420, %and3A_422 : vector<16xi32>
      %get3A_424 = arith.index_cast %add3A_399 : i32 to index
      %get3A_425 = arith.constant 64 : index
      %get3A_426 = tpu.vector_load %arg5[%get3A_424, %get3A_425] {strides = array<i32>} : memref<200x128xi32, #tpu.memory_space<vmem>>, vector<16xi32>,
      %and3A_427 = arith.constant 15 : i32
      %and3A_428 = vector.broadcast %and3A_427 : i32 to vector<16xi32>
      %and3A_429 = arith.andi %get3A_426, %and3A_428 : vector<16xi32>
      %get3A_430 = arith.index_cast %add3A_399 : i32 to index
      %get3A_431 = arith.constant 80 : index
      %get3A_432 = tpu.vector_load %arg5[%get3A_430, %get3A_431] {strides = array<i32>} : memref<200x128xi32, #tpu.memory_space<vmem>>, vector<16xi32>,
      %and3A_433 = arith.constant 15 : i32
      %and3A_434 = vector.broadcast %and3A_433 : i32 to vector<16xi32>
      %and3A_435 = arith.andi %get3A_432, %and3A_434 : vector<16xi32>
      %get3A_436 = arith.index_cast %add3A_399 : i32 to index
      %get3A_437 = arith.constant 96 : index
      %get3A_438 = tpu.vector_load %arg5[%get3A_436, %get3A_437] {strides = array<i32>} : memref<200x128xi32, #tpu.memory_space<vmem>>, vector<16xi32>,
      %and3A_439 = arith.constant 15 : i32
      %and3A_440 = vector.broadcast %and3A_439 : i32 to vector<16xi32>
      %and3A_441 = arith.andi %get3A_438, %and3A_440 : vector<16xi32>
      %get3A_442 = arith.index_cast %add3A_399 : i32 to index
      %get3A_443 = arith.constant 112 : index
      %get3A_444 = tpu.vector_load %arg5[%get3A_442, %get3A_443] {strides = array<i32>} : memref<200x128xi32, #tpu.memory_space<vmem>>, vector<16xi32>,
      %and3A_445 = arith.constant 15 : i32
      %and3A_446 = vector.broadcast %and3A_445 : i32 to vector<16xi32>
      %and3A_447 = arith.andi %get3A_444, %and3A_446 : vector<16xi32>
      %scan3A_448 = arith.constant 0 : i32
      %scan3A_449 = arith.constant 64 : i32
      %scan3A_450 = arith.addi %scan3A_448, %scan3A_449 : i32
      %scan3A_451 = arith.constant 1 : i32
      %scan3A_452:8 = scf.for %scan3A_544 = %scan3A_448 to %scan3A_450 step %scan3A_451 iter_args(%scan3A_545 = %and3A_405, %scan3A_546 = %and3A_411, %scan3A_547 = %and3A_417, %scan3A_548 = %and3A_423, %scan3A_549 = %and3A_429, %scan3A_550 = %and3A_435, %scan3A_551 = %and3A_441, %scan3A_552 = %and3A_447) -> (vector<16xi32>, vector<16xi32>, vector<16xi32>, vector<16xi32>, vector<16xi32>, vector<16xi32>, vector<16xi32>, vector<16xi32>)  : i32 {
        %gather3A = arith.constant 1 : i32
        %gather3A_553 = arith.constant 0 : i32
        %gather3A_554 = arith.constant 0 : i32
        %gather3A_555 = arith.constant 0 : i32
        %gather3A_556 = tpu.memref_slice %arg6[%gather3A, %gather3A_553, %gather3A_554, %gather3A_555] : memref<2x2x128x128xf32, #tpu.memory_space<vmem>> -> memref<1x1x128x128xf32, #tpu.memory_space<vmem>>
        %gather3A_557 = tpu.memref_squeeze %gather3A_556 : memref<1x1x128x128xf32, #tpu.memory_space<vmem>> -> memref<128x128xf32, #tpu.memory_space<vmem>>
        %gather3A_558 = tpu.vector_load_idx %gather3A_557[%add3A_11, %scan3A_545] : memref<128x128xf32, #tpu.memory_space<vmem>>[vector<16xi32>, vector<16xi32>], vector<16xf32>,
        %swap3A = arith.constant 1 : i32
        %swap3A_559 = arith.constant 0 : i32
        %swap3A_560 = arith.index_cast %swap3A : i32 to index
        %swap3A_561 = arith.index_cast %swap3A_559 : i32 to index
        %swap3A_562 = arith.index_cast %scan3A_544 : i32 to index
        %swap3A_563 = arith.constant 0 : index
        %swap3A_564 = tpu.vector_load %arg7[%swap3A_560, %swap3A_561, %swap3A_562, %swap3A_563] {strides = array<i32>} : memref<2x2x64x128xf32, #tpu.memory_space<vmem>>, vector<16xf32>,
        tpu.vector_store %arg7[%swap3A_560, %swap3A_561, %swap3A_562, %swap3A_563], %gather3A_558 {strides = array<i32>} : memref<2x2x64x128xf32, #tpu.memory_space<vmem>>, vector<16xf32>,
        %add3A_565 = arith.addi %scan3A_545, %broadcast_in_dim3A_40 : vector<16xi32>
        %gather3A_566 = arith.constant 1 : i32
        %gather3A_567 = arith.constant 0 : i32
        %gather3A_568 = arith.constant 0 : i32
        %gather3A_569 = arith.constant 0 : i32
        %gather3A_570 = tpu.memref_slice %arg6[%gather3A_566, %gather3A_567, %gather3A_568, %gather3A_569] : memref<2x2x128x128xf32, #tpu.memory_space<vmem>> -> memref<1x1x128x128xf32, #tpu.memory_space<vmem>>
        %gather3A_571 = tpu.memref_squeeze %gather3A_570 : memref<1x1x128x128xf32, #tpu.memory_space<vmem>> -> memref<128x128xf32, #tpu.memory_space<vmem>>
        %gather3A_572 = tpu.vector_load_idx %gather3A_571[%add3A_15, %scan3A_546] : memref<128x128xf32, #tpu.memory_space<vmem>>[vector<16xi32>, vector<16xi32>], vector<16xf32>,
        %swap3A_573 = arith.constant 1 : i32
        %swap3A_574 = arith.constant 0 : i32
        %swap3A_575 = arith.index_cast %swap3A_573 : i32 to index
        %swap3A_576 = arith.index_cast %swap3A_574 : i32 to index
        %swap3A_577 = arith.index_cast %scan3A_544 : i32 to index
        %swap3A_578 = arith.constant 16 : index
        %swap3A_579 = tpu.vector_load %arg7[%swap3A_575, %swap3A_576, %swap3A_577, %swap3A_578] {strides = array<i32>} : memref<2x2x64x128xf32, #tpu.memory_space<vmem>>, vector<16xf32>,
        tpu.vector_store %arg7[%swap3A_575, %swap3A_576, %swap3A_577, %swap3A_578], %gather3A_572 {strides = array<i32>} : memref<2x2x64x128xf32, #tpu.memory_space<vmem>>, vector<16xf32>,
        %add3A_580 = arith.addi %scan3A_546, %broadcast_in_dim3A_40 : vector<16xi32>
        %gather3A_581 = arith.constant 1 : i32
        %gather3A_582 = arith.constant 0 : i32
        %gather3A_583 = arith.constant 0 : i32
        %gather3A_584 = arith.constant 0 : i32
        %gather3A_585 = tpu.memref_slice %arg6[%gather3A_581, %gather3A_582, %gather3A_583, %gather3A_584] : memref<2x2x128x128xf32, #tpu.memory_space<vmem>> -> memref<1x1x128x128xf32, #tpu.memory_space<vmem>>
        %gather3A_586 = tpu.memref_squeeze %gather3A_585 : memref<1x1x128x128xf32, #tpu.memory_space<vmem>> -> memref<128x128xf32, #tpu.memory_space<vmem>>
        %gather3A_587 = tpu.vector_load_idx %gather3A_586[%add3A_19, %scan3A_547] : memref<128x128xf32, #tpu.memory_space<vmem>>[vector<16xi32>, vector<16xi32>], vector<16xf32>,
        %swap3A_588 = arith.constant 1 : i32
        %swap3A_589 = arith.constant 0 : i32
        %swap3A_590 = arith.index_cast %swap3A_588 : i32 to index
        %swap3A_591 = arith.index_cast %swap3A_589 : i32 to index
        %swap3A_592 = arith.index_cast %scan3A_544 : i32 to index
        %swap3A_593 = arith.constant 32 : index
        %swap3A_594 = tpu.vector_load %arg7[%swap3A_590, %swap3A_591, %swap3A_592, %swap3A_593] {strides = array<i32>} : memref<2x2x64x128xf32, #tpu.memory_space<vmem>>, vector<16xf32>,
        tpu.vector_store %arg7[%swap3A_590, %swap3A_591, %swap3A_592, %swap3A_593], %gather3A_587 {strides = array<i32>} : memref<2x2x64x128xf32, #tpu.memory_space<vmem>>, vector<16xf32>,
        %add3A_595 = arith.addi %scan3A_547, %broadcast_in_dim3A_40 : vector<16xi32>
        %gather3A_596 = arith.constant 1 : i32
        %gather3A_597 = arith.constant 0 : i32
        %gather3A_598 = arith.constant 0 : i32
        %gather3A_599 = arith.constant 0 : i32
        %gather3A_600 = tpu.memref_slice %arg6[%gather3A_596, %gather3A_597, %gather3A_598, %gather3A_599] : memref<2x2x128x128xf32, #tpu.memory_space<vmem>> -> memref<1x1x128x128xf32, #tpu.memory_space<vmem>>
        %gather3A_601 = tpu.memref_squeeze %gather3A_600 : memref<1x1x128x128xf32, #tpu.memory_space<vmem>> -> memref<128x128xf32, #tpu.memory_space<vmem>>
        %gather3A_602 = tpu.vector_load_idx %gather3A_601[%add3A_23, %scan3A_548] : memref<128x128xf32, #tpu.memory_space<vmem>>[vector<16xi32>, vector<16xi32>], vector<16xf32>,
        %swap3A_603 = arith.constant 1 : i32
        %swap3A_604 = arith.constant 0 : i32
        %swap3A_605 = arith.index_cast %swap3A_603 : i32 to index
        %swap3A_606 = arith.index_cast %swap3A_604 : i32 to index
        %swap3A_607 = arith.index_cast %scan3A_544 : i32 to index
        %swap3A_608 = arith.constant 48 : index
        %swap3A_609 = tpu.vector_load %arg7[%swap3A_605, %swap3A_606, %swap3A_607, %swap3A_608] {strides = array<i32>} : memref<2x2x64x128xf32, #tpu.memory_space<vmem>>, vector<16xf32>,
        tpu.vector_store %arg7[%swap3A_605, %swap3A_606, %swap3A_607, %swap3A_608], %gather3A_602 {strides = array<i32>} : memref<2x2x64x128xf32, #tpu.memory_space<vmem>>, vector<16xf32>,
        %add3A_610 = arith.addi %scan3A_548, %broadcast_in_dim3A_40 : vector<16xi32>
        %gather3A_611 = arith.constant 1 : i32
        %gather3A_612 = arith.constant 0 : i32
        %gather3A_613 = arith.constant 0 : i32
        %gather3A_614 = arith.constant 0 : i32
        %gather3A_615 = tpu.memref_slice %arg6[%gather3A_611, %gather3A_612, %gather3A_613, %gather3A_614] : memref<2x2x128x128xf32, #tpu.memory_space<vmem>> -> memref<1x1x128x128xf32, #tpu.memory_space<vmem>>
        %gather3A_616 = tpu.memref_squeeze %gather3A_615 : memref<1x1x128x128xf32, #tpu.memory_space<vmem>> -> memref<128x128xf32, #tpu.memory_space<vmem>>
        %gather3A_617 = tpu.vector_load_idx %gather3A_616[%add3A_27, %scan3A_549] : memref<128x128xf32, #tpu.memory_space<vmem>>[vector<16xi32>, vector<16xi32>], vector<16xf32>,
        %swap3A_618 = arith.constant 1 : i32
        %swap3A_619 = arith.constant 0 : i32
        %swap3A_620 = arith.index_cast %swap3A_618 : i32 to index
        %swap3A_621 = arith.index_cast %swap3A_619 : i32 to index
        %swap3A_622 = arith.index_cast %scan3A_544 : i32 to index
        %swap3A_623 = arith.constant 64 : index
        %swap3A_624 = tpu.vector_load %arg7[%swap3A_620, %swap3A_621, %swap3A_622, %swap3A_623] {strides = array<i32>} : memref<2x2x64x128xf32, #tpu.memory_space<vmem>>, vector<16xf32>,
        tpu.vector_store %arg7[%swap3A_620, %swap3A_621, %swap3A_622, %swap3A_623], %gather3A_617 {strides = array<i32>} : memref<2x2x64x128xf32, #tpu.memory_space<vmem>>, vector<16xf32>,
        %add3A_625 = arith.addi %scan3A_549, %broadcast_in_dim3A_40 : vector<16xi32>
        %gather3A_626 = arith.constant 1 : i32
        %gather3A_627 = arith.constant 0 : i32
        %gather3A_628 = arith.constant 0 : i32
        %gather3A_629 = arith.constant 0 : i32
        %gather3A_630 = tpu.memref_slice %arg6[%gather3A_626, %gather3A_627, %gather3A_628, %gather3A_629] : memref<2x2x128x128xf32, #tpu.memory_space<vmem>> -> memref<1x1x128x128xf32, #tpu.memory_space<vmem>>
        %gather3A_631 = tpu.memref_squeeze %gather3A_630 : memref<1x1x128x128xf32, #tpu.memory_space<vmem>> -> memref<128x128xf32, #tpu.memory_space<vmem>>
        %gather3A_632 = tpu.vector_load_idx %gather3A_631[%add3A_31, %scan3A_550] : memref<128x128xf32, #tpu.memory_space<vmem>>[vector<16xi32>, vector<16xi32>], vector<16xf32>,
        %swap3A_633 = arith.constant 1 : i32
        %swap3A_634 = arith.constant 0 : i32
        %swap3A_635 = arith.index_cast %swap3A_633 : i32 to index
        %swap3A_636 = arith.index_cast %swap3A_634 : i32 to index
        %swap3A_637 = arith.index_cast %scan3A_544 : i32 to index
        %swap3A_638 = arith.constant 80 : index
        %swap3A_639 = tpu.vector_load %arg7[%swap3A_635, %swap3A_636, %swap3A_637, %swap3A_638] {strides = array<i32>} : memref<2x2x64x128xf32, #tpu.memory_space<vmem>>, vector<16xf32>,
        tpu.vector_store %arg7[%swap3A_635, %swap3A_636, %swap3A_637, %swap3A_638], %gather3A_632 {strides = array<i32>} : memref<2x2x64x128xf32, #tpu.memory_space<vmem>>, vector<16xf32>,
        %add3A_640 = arith.addi %scan3A_550, %broadcast_in_dim3A_40 : vector<16xi32>
        %gather3A_641 = arith.constant 1 : i32
        %gather3A_642 = arith.constant 0 : i32
        %gather3A_643 = arith.constant 0 : i32
        %gather3A_644 = arith.constant 0 : i32
        %gather3A_645 = tpu.memref_slice %arg6[%gather3A_641, %gather3A_642, %gather3A_643, %gather3A_644] : memref<2x2x128x128xf32, #tpu.memory_space<vmem>> -> memref<1x1x128x128xf32, #tpu.memory_space<vmem>>
        %gather3A_646 = tpu.memref_squeeze %gather3A_645 : memref<1x1x128x128xf32, #tpu.memory_space<vmem>> -> memref<128x128xf32, #tpu.memory_space<vmem>>
        %gather3A_647 = tpu.vector_load_idx %gather3A_646[%add3A_35, %scan3A_551] : memref<128x128xf32, #tpu.memory_space<vmem>>[vector<16xi32>, vector<16xi32>], vector<16xf32>,
        %swap3A_648 = arith.constant 1 : i32
        %swap3A_649 = arith.constant 0 : i32
        %swap3A_650 = arith.index_cast %swap3A_648 : i32 to index
        %swap3A_651 = arith.index_cast %swap3A_649 : i32 to index
        %swap3A_652 = arith.index_cast %scan3A_544 : i32 to index
        %swap3A_653 = arith.constant 96 : index
        %swap3A_654 = tpu.vector_load %arg7[%swap3A_650, %swap3A_651, %swap3A_652, %swap3A_653] {strides = array<i32>} : memref<2x2x64x128xf32, #tpu.memory_space<vmem>>, vector<16xf32>,
        tpu.vector_store %arg7[%swap3A_650, %swap3A_651, %swap3A_652, %swap3A_653], %gather3A_647 {strides = array<i32>} : memref<2x2x64x128xf32, #tpu.memory_space<vmem>>, vector<16xf32>,
        %add3A_655 = arith.addi %scan3A_551, %broadcast_in_dim3A_40 : vector<16xi32>
        %gather3A_656 = arith.constant 1 : i32
        %gather3A_657 = arith.constant 0 : i32
        %gather3A_658 = arith.constant 0 : i32
        %gather3A_659 = arith.constant 0 : i32
        %gather3A_660 = tpu.memref_slice %arg6[%gather3A_656, %gather3A_657, %gather3A_658, %gather3A_659] : memref<2x2x128x128xf32, #tpu.memory_space<vmem>> -> memref<1x1x128x128xf32, #tpu.memory_space<vmem>>
        %gather3A_661 = tpu.memref_squeeze %gather3A_660 : memref<1x1x128x128xf32, #tpu.memory_space<vmem>> -> memref<128x128xf32, #tpu.memory_space<vmem>>
        %gather3A_662 = tpu.vector_load_idx %gather3A_661[%add3A_39, %scan3A_552] : memref<128x128xf32, #tpu.memory_space<vmem>>[vector<16xi32>, vector<16xi32>], vector<16xf32>,
        %swap3A_663 = arith.constant 1 : i32
        %swap3A_664 = arith.constant 0 : i32
        %swap3A_665 = arith.index_cast %swap3A_663 : i32 to index
        %swap3A_666 = arith.index_cast %swap3A_664 : i32 to index
        %swap3A_667 = arith.index_cast %scan3A_544 : i32 to index
        %swap3A_668 = arith.constant 112 : index
        %swap3A_669 = tpu.vector_load %arg7[%swap3A_665, %swap3A_666, %swap3A_667, %swap3A_668] {strides = array<i32>} : memref<2x2x64x128xf32, #tpu.memory_space<vmem>>, vector<16xf32>,
        tpu.vector_store %arg7[%swap3A_665, %swap3A_666, %swap3A_667, %swap3A_668], %gather3A_662 {strides = array<i32>} : memref<2x2x64x128xf32, #tpu.memory_space<vmem>>, vector<16xf32>,
        %add3A_670 = arith.addi %scan3A_552, %broadcast_in_dim3A_40 : vector<16xi32>
        scf.yield %add3A_565, %add3A_580, %add3A_595, %add3A_610, %add3A_625, %add3A_640, %add3A_655, %add3A_670 : vector<16xi32>, vector<16xi32>, vector<16xi32>, vector<16xi32>, vector<16xi32>, vector<16xi32>, vector<16xi32>, vector<16xi32>
      }
      %scan3A_453 = arith.constant 64 : i32
      %dma_start3A_454 = arith.constant 1 : i32
      %dma_start3A_455 = arith.constant 0 : i32
      %dma_start3A_456 = arith.constant 0 : i32
      %dma_start3A_457 = arith.constant 0 : i32
      %dma_start3A_458 = tpu.memref_slice %arg7[%dma_start3A_454, %dma_start3A_455, %dma_start3A_456, %dma_start3A_457] : memref<2x2x64x128xf32, #tpu.memory_space<vmem>> -> memref<1x1x64x128xf32, #tpu.memory_space<vmem>>
      %dma_start3A_459 = tpu.memref_squeeze %dma_start3A_458 : memref<1x1x64x128xf32, #tpu.memory_space<vmem>> -> memref<64x128xf32, #tpu.memory_space<vmem>>
      %dma_start3A_460 = arith.constant 0 : i32
      %dma_start3A_461 = tpu.memref_slice %arg4[%add3A_399, %dma_start3A_460, %mul3A_2] : memref<200x64x4096xf32, #tpu.memory_space<hbm>> -> memref<1x64x128xf32, #tpu.memory_space<hbm>>
      %dma_start3A_462 = tpu.memref_squeeze %dma_start3A_461 : memref<1x64x128xf32, #tpu.memory_space<hbm>> -> memref<64x128xf32, #tpu.memory_space<hbm>>
      %dma_start3A_463 = arith.constant 0 : i32
      %dma_start3A_464 = tpu.memref_slice %arg4[%add3A_399, %dma_start3A_463, %mul3A_2] : memref<200x64x4096xf32, #tpu.memory_space<hbm>> -> memref<1x64x128xf32, #tpu.memory_space<hbm>>
      %dma_start3A_465 = tpu.memref_squeeze %dma_start3A_464 : memref<1x64x128xf32, #tpu.memory_space<hbm>> -> memref<64x128xf32, #tpu.memory_space<hbm>>
      %dma_start3A_466 = arith.constant 0 : i32
      %dma_start3A_467 = arith.constant 0 : i32
      %dma_start3A_468 = tpu.memref_slice %arg7[%dma_start3A_454, %dma_start3A_455, %dma_start3A_466, %dma_start3A_467] : memref<2x2x64x128xf32, #tpu.memory_space<vmem>> -> memref<1x1x64x128xf32, #tpu.memory_space<vmem>>
      %dma_start3A_469 = tpu.memref_squeeze %dma_start3A_468 : memref<1x1x64x128xf32, #tpu.memory_space<vmem>> -> memref<64x128xf32, #tpu.memory_space<vmem>>
      tpu.enqueue_dma source(%dma_start3A_469 : memref<64x128xf32, #tpu.memory_space<vmem>>) target(%dma_start3A_465 : memref<64x128xf32, #tpu.memory_space<hbm>>) target_semaphore(%arg11 : memref<!tpu.dma_semaphore, #tpu.memory_space<semaphore_mem>>)
      %mul3A_470 = arith.constant 2 : i32
      %mul3A_471 = arith.muli %mul3A_470, %add3A_395 : i32
      %add3A_472 = arith.constant 1 : i32
      %add3A_473 = arith.addi %mul3A_471, %add3A_472 : i32
      %get3A_474 = arith.index_cast %add3A_473 : i32 to index
      %get3A_475 = arith.constant 0 : index
      %get3A_476 = tpu.vector_load %arg5[%get3A_474, %get3A_475] {strides = array<i32>} : memref<200x128xi32, #tpu.memory_space<vmem>>, vector<16xi32>,
      %and3A_477 = arith.constant 15 : i32
      %and3A_478 = vector.broadcast %and3A_477 : i32 to vector<16xi32>
      %and3A_479 = arith.andi %get3A_476, %and3A_478 : vector<16xi32>
      %get3A_480 = arith.index_cast %add3A_473 : i32 to index
      %get3A_481 = arith.constant 16 : index
      %get3A_482 = tpu.vector_load %arg5[%get3A_480, %get3A_481] {strides = array<i32>} : memref<200x128xi32, #tpu.memory_space<vmem>>, vector<16xi32>,
      %and3A_483 = arith.constant 15 : i32
      %and3A_484 = vector.broadcast %and3A_483 : i32 to vector<16xi32>
      %and3A_485 = arith.andi %get3A_482, %and3A_484 : vector<16xi32>
      %get3A_486 = arith.index_cast %add3A_473 : i32 to index
      %get3A_487 = arith.constant 32 : index
      %get3A_488 = tpu.vector_load %arg5[%get3A_486, %get3A_487] {strides = array<i32>} : memref<200x128xi32, #tpu.memory_space<vmem>>, vector<16xi32>,
      %and3A_489 = arith.constant 15 : i32
      %and3A_490 = vector.broadcast %and3A_489 : i32 to vector<16xi32>
      %and3A_491 = arith.andi %get3A_488, %and3A_490 : vector<16xi32>
      %get3A_492 = arith.index_cast %add3A_473 : i32 to index
      %get3A_493 = arith.constant 48 : index
      %get3A_494 = tpu.vector_load %arg5[%get3A_492, %get3A_493] {strides = array<i32>} : memref<200x128xi32, #tpu.memory_space<vmem>>, vector<16xi32>,
      %and3A_495 = arith.constant 15 : i32
      %and3A_496 = vector.broadcast %and3A_495 : i32 to vector<16xi32>
      %and3A_497 = arith.andi %get3A_494, %and3A_496 : vector<16xi32>
      %get3A_498 = arith.index_cast %add3A_473 : i32 to index
      %get3A_499 = arith.constant 64 : index
      %get3A_500 = tpu.vector_load %arg5[%get3A_498, %get3A_499] {strides = array<i32>} : memref<200x128xi32, #tpu.memory_space<vmem>>, vector<16xi32>,
      %and3A_501 = arith.constant 15 : i32
      %and3A_502 = vector.broadcast %and3A_501 : i32 to vector<16xi32>
      %and3A_503 = arith.andi %get3A_500, %and3A_502 : vector<16xi32>
      %get3A_504 = arith.index_cast %add3A_473 : i32 to index
      %get3A_505 = arith.constant 80 : index
      %get3A_506 = tpu.vector_load %arg5[%get3A_504, %get3A_505] {strides = array<i32>} : memref<200x128xi32, #tpu.memory_space<vmem>>, vector<16xi32>,
      %and3A_507 = arith.constant 15 : i32
      %and3A_508 = vector.broadcast %and3A_507 : i32 to vector<16xi32>
      %and3A_509 = arith.andi %get3A_506, %and3A_508 : vector<16xi32>
      %get3A_510 = arith.index_cast %add3A_473 : i32 to index
      %get3A_511 = arith.constant 96 : index
      %get3A_512 = tpu.vector_load %arg5[%get3A_510, %get3A_511] {strides = array<i32>} : memref<200x128xi32, #tpu.memory_space<vmem>>, vector<16xi32>,
      %and3A_513 = arith.constant 15 : i32
      %and3A_514 = vector.broadcast %and3A_513 : i32 to vector<16xi32>
      %and3A_515 = arith.andi %get3A_512, %and3A_514 : vector<16xi32>
      %get3A_516 = arith.index_cast %add3A_473 : i32 to index
      %get3A_517 = arith.constant 112 : index
      %get3A_518 = tpu.vector_load %arg5[%get3A_516, %get3A_517] {strides = array<i32>} : memref<200x128xi32, #tpu.memory_space<vmem>>, vector<16xi32>,
      %and3A_519 = arith.constant 15 : i32
      %and3A_520 = vector.broadcast %and3A_519 : i32 to vector<16xi32>
      %and3A_521 = arith.andi %get3A_518, %and3A_520 : vector<16xi32>
      %scan3A_522 = arith.constant 0 : i32
      %scan3A_523 = arith.constant 64 : i32
      %scan3A_524 = arith.addi %scan3A_522, %scan3A_523 : i32
      %scan3A_525 = arith.constant 1 : i32
      %scan3A_526:8 = scf.for %scan3A_544 = %scan3A_522 to %scan3A_524 step %scan3A_525 iter_args(%scan3A_545 = %and3A_479, %scan3A_546 = %and3A_485, %scan3A_547 = %and3A_491, %scan3A_548 = %and3A_497, %scan3A_549 = %and3A_503, %scan3A_550 = %and3A_509, %scan3A_551 = %and3A_515, %scan3A_552 = %and3A_521) -> (vector<16xi32>, vector<16xi32>, vector<16xi32>, vector<16xi32>, vector<16xi32>, vector<16xi32>, vector<16xi32>, vector<16xi32>)  : i32 {
        %gather3A = arith.constant 1 : i32
        %gather3A_553 = arith.constant 1 : i32
        %gather3A_554 = arith.constant 0 : i32
        %gather3A_555 = arith.constant 0 : i32
        %gather3A_556 = tpu.memref_slice %arg6[%gather3A, %gather3A_553, %gather3A_554, %gather3A_555] : memref<2x2x128x128xf32, #tpu.memory_space<vmem>> -> memref<1x1x128x128xf32, #tpu.memory_space<vmem>>
        %gather3A_557 = tpu.memref_squeeze %gather3A_556 : memref<1x1x128x128xf32, #tpu.memory_space<vmem>> -> memref<128x128xf32, #tpu.memory_space<vmem>>
        %gather3A_558 = tpu.vector_load_idx %gather3A_557[%add3A_11, %scan3A_545] : memref<128x128xf32, #tpu.memory_space<vmem>>[vector<16xi32>, vector<16xi32>], vector<16xf32>,
        %swap3A = arith.constant 1 : i32
        %swap3A_559 = arith.constant 1 : i32
        %swap3A_560 = arith.index_cast %swap3A : i32 to index
        %swap3A_561 = arith.index_cast %swap3A_559 : i32 to index
        %swap3A_562 = arith.index_cast %scan3A_544 : i32 to index
        %swap3A_563 = arith.constant 0 : index
        %swap3A_564 = tpu.vector_load %arg7[%swap3A_560, %swap3A_561, %swap3A_562, %swap3A_563] {strides = array<i32>} : memref<2x2x64x128xf32, #tpu.memory_space<vmem>>, vector<16xf32>,
        tpu.vector_store %arg7[%swap3A_560, %swap3A_561, %swap3A_562, %swap3A_563], %gather3A_558 {strides = array<i32>} : memref<2x2x64x128xf32, #tpu.memory_space<vmem>>, vector<16xf32>,
        %add3A_565 = arith.addi %scan3A_545, %broadcast_in_dim3A_40 : vector<16xi32>
        %gather3A_566 = arith.constant 1 : i32
        %gather3A_567 = arith.constant 1 : i32
        %gather3A_568 = arith.constant 0 : i32
        %gather3A_569 = arith.constant 0 : i32
        %gather3A_570 = tpu.memref_slice %arg6[%gather3A_566, %gather3A_567, %gather3A_568, %gather3A_569] : memref<2x2x128x128xf32, #tpu.memory_space<vmem>> -> memref<1x1x128x128xf32, #tpu.memory_space<vmem>>
        %gather3A_571 = tpu.memref_squeeze %gather3A_570 : memref<1x1x128x128xf32, #tpu.memory_space<vmem>> -> memref<128x128xf32, #tpu.memory_space<vmem>>
        %gather3A_572 = tpu.vector_load_idx %gather3A_571[%add3A_15, %scan3A_546] : memref<128x128xf32, #tpu.memory_space<vmem>>[vector<16xi32>, vector<16xi32>], vector<16xf32>,
        %swap3A_573 = arith.constant 1 : i32
        %swap3A_574 = arith.constant 1 : i32
        %swap3A_575 = arith.index_cast %swap3A_573 : i32 to index
        %swap3A_576 = arith.index_cast %swap3A_574 : i32 to index
        %swap3A_577 = arith.index_cast %scan3A_544 : i32 to index
        %swap3A_578 = arith.constant 16 : index
        %swap3A_579 = tpu.vector_load %arg7[%swap3A_575, %swap3A_576, %swap3A_577, %swap3A_578] {strides = array<i32>} : memref<2x2x64x128xf32, #tpu.memory_space<vmem>>, vector<16xf32>,
        tpu.vector_store %arg7[%swap3A_575, %swap3A_576, %swap3A_577, %swap3A_578], %gather3A_572 {strides = array<i32>} : memref<2x2x64x128xf32, #tpu.memory_space<vmem>>, vector<16xf32>,
        %add3A_580 = arith.addi %scan3A_546, %broadcast_in_dim3A_40 : vector<16xi32>
        %gather3A_581 = arith.constant 1 : i32
        %gather3A_582 = arith.constant 1 : i32
        %gather3A_583 = arith.constant 0 : i32
        %gather3A_584 = arith.constant 0 : i32
        %gather3A_585 = tpu.memref_slice %arg6[%gather3A_581, %gather3A_582, %gather3A_583, %gather3A_584] : memref<2x2x128x128xf32, #tpu.memory_space<vmem>> -> memref<1x1x128x128xf32, #tpu.memory_space<vmem>>
        %gather3A_586 = tpu.memref_squeeze %gather3A_585 : memref<1x1x128x128xf32, #tpu.memory_space<vmem>> -> memref<128x128xf32, #tpu.memory_space<vmem>>
        %gather3A_587 = tpu.vector_load_idx %gather3A_586[%add3A_19, %scan3A_547] : memref<128x128xf32, #tpu.memory_space<vmem>>[vector<16xi32>, vector<16xi32>], vector<16xf32>,
        %swap3A_588 = arith.constant 1 : i32
        %swap3A_589 = arith.constant 1 : i32
        %swap3A_590 = arith.index_cast %swap3A_588 : i32 to index
        %swap3A_591 = arith.index_cast %swap3A_589 : i32 to index
        %swap3A_592 = arith.index_cast %scan3A_544 : i32 to index
        %swap3A_593 = arith.constant 32 : index
        %swap3A_594 = tpu.vector_load %arg7[%swap3A_590, %swap3A_591, %swap3A_592, %swap3A_593] {strides = array<i32>} : memref<2x2x64x128xf32, #tpu.memory_space<vmem>>, vector<16xf32>,
        tpu.vector_store %arg7[%swap3A_590, %swap3A_591, %swap3A_592, %swap3A_593], %gather3A_587 {strides = array<i32>} : memref<2x2x64x128xf32, #tpu.memory_space<vmem>>, vector<16xf32>,
        %add3A_595 = arith.addi %scan3A_547, %broadcast_in_dim3A_40 : vector<16xi32>
        %gather3A_596 = arith.constant 1 : i32
        %gather3A_597 = arith.constant 1 : i32
        %gather3A_598 = arith.constant 0 : i32
        %gather3A_599 = arith.constant 0 : i32
        %gather3A_600 = tpu.memref_slice %arg6[%gather3A_596, %gather3A_597, %gather3A_598, %gather3A_599] : memref<2x2x128x128xf32, #tpu.memory_space<vmem>> -> memref<1x1x128x128xf32, #tpu.memory_space<vmem>>
        %gather3A_601 = tpu.memref_squeeze %gather3A_600 : memref<1x1x128x128xf32, #tpu.memory_space<vmem>> -> memref<128x128xf32, #tpu.memory_space<vmem>>
        %gather3A_602 = tpu.vector_load_idx %gather3A_601[%add3A_23, %scan3A_548] : memref<128x128xf32, #tpu.memory_space<vmem>>[vector<16xi32>, vector<16xi32>], vector<16xf32>,
        %swap3A_603 = arith.constant 1 : i32
        %swap3A_604 = arith.constant 1 : i32
        %swap3A_605 = arith.index_cast %swap3A_603 : i32 to index
        %swap3A_606 = arith.index_cast %swap3A_604 : i32 to index
        %swap3A_607 = arith.index_cast %scan3A_544 : i32 to index
        %swap3A_608 = arith.constant 48 : index
        %swap3A_609 = tpu.vector_load %arg7[%swap3A_605, %swap3A_606, %swap3A_607, %swap3A_608] {strides = array<i32>} : memref<2x2x64x128xf32, #tpu.memory_space<vmem>>, vector<16xf32>,
        tpu.vector_store %arg7[%swap3A_605, %swap3A_606, %swap3A_607, %swap3A_608], %gather3A_602 {strides = array<i32>} : memref<2x2x64x128xf32, #tpu.memory_space<vmem>>, vector<16xf32>,
        %add3A_610 = arith.addi %scan3A_548, %broadcast_in_dim3A_40 : vector<16xi32>
        %gather3A_611 = arith.constant 1 : i32
        %gather3A_612 = arith.constant 1 : i32
        %gather3A_613 = arith.constant 0 : i32
        %gather3A_614 = arith.constant 0 : i32
        %gather3A_615 = tpu.memref_slice %arg6[%gather3A_611, %gather3A_612, %gather3A_613, %gather3A_614] : memref<2x2x128x128xf32, #tpu.memory_space<vmem>> -> memref<1x1x128x128xf32, #tpu.memory_space<vmem>>
        %gather3A_616 = tpu.memref_squeeze %gather3A_615 : memref<1x1x128x128xf32, #tpu.memory_space<vmem>> -> memref<128x128xf32, #tpu.memory_space<vmem>>
        %gather3A_617 = tpu.vector_load_idx %gather3A_616[%add3A_27, %scan3A_549] : memref<128x128xf32, #tpu.memory_space<vmem>>[vector<16xi32>, vector<16xi32>], vector<16xf32>,
        %swap3A_618 = arith.constant 1 : i32
        %swap3A_619 = arith.constant 1 : i32
        %swap3A_620 = arith.index_cast %swap3A_618 : i32 to index
        %swap3A_621 = arith.index_cast %swap3A_619 : i32 to index
        %swap3A_622 = arith.index_cast %scan3A_544 : i32 to index
        %swap3A_623 = arith.constant 64 : index
        %swap3A_624 = tpu.vector_load %arg7[%swap3A_620, %swap3A_621, %swap3A_622, %swap3A_623] {strides = array<i32>} : memref<2x2x64x128xf32, #tpu.memory_space<vmem>>, vector<16xf32>,
        tpu.vector_store %arg7[%swap3A_620, %swap3A_621, %swap3A_622, %swap3A_623], %gather3A_617 {strides = array<i32>} : memref<2x2x64x128xf32, #tpu.memory_space<vmem>>, vector<16xf32>,
        %add3A_625 = arith.addi %scan3A_549, %broadcast_in_dim3A_40 : vector<16xi32>
        %gather3A_626 = arith.constant 1 : i32
        %gather3A_627 = arith.constant 1 : i32
        %gather3A_628 = arith.constant 0 : i32
        %gather3A_629 = arith.constant 0 : i32
        %gather3A_630 = tpu.memref_slice %arg6[%gather3A_626, %gather3A_627, %gather3A_628, %gather3A_629] : memref<2x2x128x128xf32, #tpu.memory_space<vmem>> -> memref<1x1x128x128xf32, #tpu.memory_space<vmem>>
        %gather3A_631 = tpu.memref_squeeze %gather3A_630 : memref<1x1x128x128xf32, #tpu.memory_space<vmem>> -> memref<128x128xf32, #tpu.memory_space<vmem>>
        %gather3A_632 = tpu.vector_load_idx %gather3A_631[%add3A_31, %scan3A_550] : memref<128x128xf32, #tpu.memory_space<vmem>>[vector<16xi32>, vector<16xi32>], vector<16xf32>,
        %swap3A_633 = arith.constant 1 : i32
        %swap3A_634 = arith.constant 1 : i32
        %swap3A_635 = arith.index_cast %swap3A_633 : i32 to index
        %swap3A_636 = arith.index_cast %swap3A_634 : i32 to index
        %swap3A_637 = arith.index_cast %scan3A_544 : i32 to index
        %swap3A_638 = arith.constant 80 : index
        %swap3A_639 = tpu.vector_load %arg7[%swap3A_635, %swap3A_636, %swap3A_637, %swap3A_638] {strides = array<i32>} : memref<2x2x64x128xf32, #tpu.memory_space<vmem>>, vector<16xf32>,
        tpu.vector_store %arg7[%swap3A_635, %swap3A_636, %swap3A_637, %swap3A_638], %gather3A_632 {strides = array<i32>} : memref<2x2x64x128xf32, #tpu.memory_space<vmem>>, vector<16xf32>,
        %add3A_640 = arith.addi %scan3A_550, %broadcast_in_dim3A_40 : vector<16xi32>
        %gather3A_641 = arith.constant 1 : i32
        %gather3A_642 = arith.constant 1 : i32
        %gather3A_643 = arith.constant 0 : i32
        %gather3A_644 = arith.constant 0 : i32
        %gather3A_645 = tpu.memref_slice %arg6[%gather3A_641, %gather3A_642, %gather3A_643, %gather3A_644] : memref<2x2x128x128xf32, #tpu.memory_space<vmem>> -> memref<1x1x128x128xf32, #tpu.memory_space<vmem>>
        %gather3A_646 = tpu.memref_squeeze %gather3A_645 : memref<1x1x128x128xf32, #tpu.memory_space<vmem>> -> memref<128x128xf32, #tpu.memory_space<vmem>>
        %gather3A_647 = tpu.vector_load_idx %gather3A_646[%add3A_35, %scan3A_551] : memref<128x128xf32, #tpu.memory_space<vmem>>[vector<16xi32>, vector<16xi32>], vector<16xf32>,
        %swap3A_648 = arith.constant 1 : i32
        %swap3A_649 = arith.constant 1 : i32
        %swap3A_650 = arith.index_cast %swap3A_648 : i32 to index
        %swap3A_651 = arith.index_cast %swap3A_649 : i32 to index
        %swap3A_652 = arith.index_cast %scan3A_544 : i32 to index
        %swap3A_653 = arith.constant 96 : index
        %swap3A_654 = tpu.vector_load %arg7[%swap3A_650, %swap3A_651, %swap3A_652, %swap3A_653] {strides = array<i32>} : memref<2x2x64x128xf32, #tpu.memory_space<vmem>>, vector<16xf32>,
        tpu.vector_store %arg7[%swap3A_650, %swap3A_651, %swap3A_652, %swap3A_653], %gather3A_647 {strides = array<i32>} : memref<2x2x64x128xf32, #tpu.memory_space<vmem>>, vector<16xf32>,
        %add3A_655 = arith.addi %scan3A_551, %broadcast_in_dim3A_40 : vector<16xi32>
        %gather3A_656 = arith.constant 1 : i32
        %gather3A_657 = arith.constant 1 : i32
        %gather3A_658 = arith.constant 0 : i32
        %gather3A_659 = arith.constant 0 : i32
        %gather3A_660 = tpu.memref_slice %arg6[%gather3A_656, %gather3A_657, %gather3A_658, %gather3A_659] : memref<2x2x128x128xf32, #tpu.memory_space<vmem>> -> memref<1x1x128x128xf32, #tpu.memory_space<vmem>>
        %gather3A_661 = tpu.memref_squeeze %gather3A_660 : memref<1x1x128x128xf32, #tpu.memory_space<vmem>> -> memref<128x128xf32, #tpu.memory_space<vmem>>
        %gather3A_662 = tpu.vector_load_idx %gather3A_661[%add3A_39, %scan3A_552] : memref<128x128xf32, #tpu.memory_space<vmem>>[vector<16xi32>, vector<16xi32>], vector<16xf32>,
        %swap3A_663 = arith.constant 1 : i32
        %swap3A_664 = arith.constant 1 : i32
        %swap3A_665 = arith.index_cast %swap3A_663 : i32 to index
        %swap3A_666 = arith.index_cast %swap3A_664 : i32 to index
        %swap3A_667 = arith.index_cast %scan3A_544 : i32 to index
        %swap3A_668 = arith.constant 112 : index
        %swap3A_669 = tpu.vector_load %arg7[%swap3A_665, %swap3A_666, %swap3A_667, %swap3A_668] {strides = array<i32>} : memref<2x2x64x128xf32, #tpu.memory_space<vmem>>, vector<16xf32>,
        tpu.vector_store %arg7[%swap3A_665, %swap3A_666, %swap3A_667, %swap3A_668], %gather3A_662 {strides = array<i32>} : memref<2x2x64x128xf32, #tpu.memory_space<vmem>>, vector<16xf32>,
        %add3A_670 = arith.addi %scan3A_552, %broadcast_in_dim3A_40 : vector<16xi32>
        scf.yield %add3A_565, %add3A_580, %add3A_595, %add3A_610, %add3A_625, %add3A_640, %add3A_655, %add3A_670 : vector<16xi32>, vector<16xi32>, vector<16xi32>, vector<16xi32>, vector<16xi32>, vector<16xi32>, vector<16xi32>, vector<16xi32>
      }
      %scan3A_527 = arith.constant 64 : i32
      %dma_start3A_528 = arith.constant 1 : i32
      %dma_start3A_529 = arith.constant 1 : i32
      %dma_start3A_530 = arith.constant 0 : i32
      %dma_start3A_531 = arith.constant 0 : i32
      %dma_start3A_532 = tpu.memref_slice %arg7[%dma_start3A_528, %dma_start3A_529, %dma_start3A_530, %dma_start3A_531] : memref<2x2x64x128xf32, #tpu.memory_space<vmem>> -> memref<1x1x64x128xf32, #tpu.memory_space<vmem>>
      %dma_start3A_533 = tpu.memref_squeeze %dma_start3A_532 : memref<1x1x64x128xf32, #tpu.memory_space<vmem>> -> memref<64x128xf32, #tpu.memory_space<vmem>>
      %dma_start3A_534 = arith.constant 0 : i32
      %dma_start3A_535 = tpu.memref_slice %arg4[%add3A_473, %dma_start3A_534, %mul3A_2] : memref<200x64x4096xf32, #tpu.memory_space<hbm>> -> memref<1x64x128xf32, #tpu.memory_space<hbm>>
      %dma_start3A_536 = tpu.memref_squeeze %dma_start3A_535 : memref<1x64x128xf32, #tpu.memory_space<hbm>> -> memref<64x128xf32, #tpu.memory_space<hbm>>
      %dma_start3A_537 = arith.constant 0 : i32
      %dma_start3A_538 = tpu.memref_slice %arg4[%add3A_473, %dma_start3A_537, %mul3A_2] : memref<200x64x4096xf32, #tpu.memory_space<hbm>> -> memref<1x64x128xf32, #tpu.memory_space<hbm>>
      %dma_start3A_539 = tpu.memref_squeeze %dma_start3A_538 : memref<1x64x128xf32, #tpu.memory_space<hbm>> -> memref<64x128xf32, #tpu.memory_space<hbm>>
      %dma_start3A_540 = arith.constant 0 : i32
      %dma_start3A_541 = arith.constant 0 : i32
      %dma_start3A_542 = tpu.memref_slice %arg7[%dma_start3A_528, %dma_start3A_529, %dma_start3A_540, %dma_start3A_541] : memref<2x2x64x128xf32, #tpu.memory_space<vmem>> -> memref<1x1x64x128xf32, #tpu.memory_space<vmem>>
      %dma_start3A_543 = tpu.memref_squeeze %dma_start3A_542 : memref<1x1x64x128xf32, #tpu.memory_space<vmem>> -> memref<64x128xf32, #tpu.memory_space<vmem>>
      tpu.enqueue_dma source(%dma_start3A_543 : memref<64x128xf32, #tpu.memory_space<vmem>>) target(%dma_start3A_539 : memref<64x128xf32, #tpu.memory_space<hbm>>) target_semaphore(%arg11 : memref<!tpu.dma_semaphore, #tpu.memory_space<semaphore_mem>>)
    }
    %scan3A_71 = arith.constant 50 : i32
    %dma_wait3A_72 = arith.constant 0 : i32
    %dma_wait3A_73 = arith.constant 0 : i32
    %dma_wait3A_74 = arith.constant 0 : i32
    %dma_wait3A_75 = arith.constant 0 : i32
    %dma_wait3A_76 = tpu.memref_slice %arg7[%dma_wait3A_72, %dma_wait3A_73, %dma_wait3A_74, %dma_wait3A_75] : memref<2x2x64x128xf32, #tpu.memory_space<vmem>> -> memref<1x1x64x128xf32, #tpu.memory_space<vmem>>
    %dma_wait3A_77 = tpu.memref_squeeze %dma_wait3A_76 : memref<1x1x64x128xf32, #tpu.memory_space<vmem>> -> memref<64x128xf32, #tpu.memory_space<vmem>>
    %dma_wait3A_78 = arith.constant 0 : i32
    %dma_wait3A_79 = arith.constant 0 : i32
    %dma_wait3A_80 = tpu.memref_slice %arg3[%dma_wait3A_78, %dma_wait3A_79] : memref<1000000x128xf32, #tpu.memory_space<hbm>> -> memref<64x128xf32, #tpu.memory_space<hbm>>
    %dma_wait3A_81 = arith.constant 0 : i32
    %dma_wait3A_82 = arith.constant 0 : i32
    %dma_wait3A_83 = tpu.memref_slice %arg7[%dma_wait3A_72, %dma_wait3A_73, %dma_wait3A_81, %dma_wait3A_82] : memref<2x2x64x128xf32, #tpu.memory_space<vmem>> -> memref<1x1x64x128xf32, #tpu.memory_space<vmem>>
    %dma_wait3A_84 = tpu.memref_squeeze %dma_wait3A_83 : memref<1x1x64x128xf32, #tpu.memory_space<vmem>> -> memref<64x128xf32, #tpu.memory_space<vmem>>
    %dma_wait3A_85 = arith.constant 0 : i32
    %dma_wait3A_86 = arith.constant 0 : i32
    %dma_wait3A_87 = tpu.memref_slice %arg3[%dma_wait3A_85, %dma_wait3A_86] : memref<1000000x128xf32, #tpu.memory_space<hbm>> -> memref<64x128xf32, #tpu.memory_space<hbm>>
    tpu.wait_dma2 semaphore(%arg10 : memref<!tpu.dma_semaphore, #tpu.memory_space<semaphore_mem>>) src(%dma_wait3A_87 : memref<64x128xf32, #tpu.memory_space<hbm>>) dst(%dma_wait3A_84 : memref<64x128xf32, #tpu.memory_space<vmem>>)
    %dma_wait3A_88 = arith.constant 0 : i32
    %dma_wait3A_89 = arith.constant 0 : i32
    %dma_wait3A_90 = arith.constant 0 : i32
    %dma_wait3A_91 = arith.constant 0 : i32
    %dma_wait3A_92 = tpu.memref_slice %arg7[%dma_wait3A_88, %dma_wait3A_89, %dma_wait3A_90, %dma_wait3A_91] : memref<2x2x64x128xf32, #tpu.memory_space<vmem>> -> memref<1x1x64x128xf32, #tpu.memory_space<vmem>>
    %dma_wait3A_93 = tpu.memref_squeeze %dma_wait3A_92 : memref<1x1x64x128xf32, #tpu.memory_space<vmem>> -> memref<64x128xf32, #tpu.memory_space<vmem>>
    %dma_wait3A_94 = arith.constant 0 : i32
    %dma_wait3A_95 = arith.constant 0 : i32
    %dma_wait3A_96 = tpu.memref_slice %arg3[%dma_wait3A_94, %dma_wait3A_95] : memref<1000000x128xf32, #tpu.memory_space<hbm>> -> memref<64x128xf32, #tpu.memory_space<hbm>>
    %dma_wait3A_97 = arith.constant 0 : i32
    %dma_wait3A_98 = arith.constant 0 : i32
    %dma_wait3A_99 = tpu.memref_slice %arg7[%dma_wait3A_88, %dma_wait3A_89, %dma_wait3A_97, %dma_wait3A_98] : memref<2x2x64x128xf32, #tpu.memory_space<vmem>> -> memref<1x1x64x128xf32, #tpu.memory_space<vmem>>
    %dma_wait3A_100 = tpu.memref_squeeze %dma_wait3A_99 : memref<1x1x64x128xf32, #tpu.memory_space<vmem>> -> memref<64x128xf32, #tpu.memory_space<vmem>>
    %dma_wait3A_101 = arith.constant 0 : i32
    %dma_wait3A_102 = arith.constant 0 : i32
    %dma_wait3A_103 = tpu.memref_slice %arg3[%dma_wait3A_101, %dma_wait3A_102] : memref<1000000x128xf32, #tpu.memory_space<hbm>> -> memref<64x128xf32, #tpu.memory_space<hbm>>
    tpu.wait_dma2 semaphore(%arg10 : memref<!tpu.dma_semaphore, #tpu.memory_space<semaphore_mem>>) src(%dma_wait3A_103 : memref<64x128xf32, #tpu.memory_space<hbm>>) dst(%dma_wait3A_100 : memref<64x128xf32, #tpu.memory_space<vmem>>)
    %dma_wait3A_104 = arith.constant 1 : i32
    %dma_wait3A_105 = arith.constant 0 : i32
    %dma_wait3A_106 = arith.constant 0 : i32
    %dma_wait3A_107 = arith.constant 0 : i32
    %dma_wait3A_108 = tpu.memref_slice %arg7[%dma_wait3A_104, %dma_wait3A_105, %dma_wait3A_106, %dma_wait3A_107] : memref<2x2x64x128xf32, #tpu.memory_space<vmem>> -> memref<1x1x64x128xf32, #tpu.memory_space<vmem>>
    %dma_wait3A_109 = tpu.memref_squeeze %dma_wait3A_108 : memref<1x1x64x128xf32, #tpu.memory_space<vmem>> -> memref<64x128xf32, #tpu.memory_space<vmem>>
    %dma_wait3A_110 = arith.constant 0 : i32
    %dma_wait3A_111 = arith.constant 0 : i32
    %dma_wait3A_112 = tpu.memref_slice %arg3[%dma_wait3A_110, %dma_wait3A_111] : memref<1000000x128xf32, #tpu.memory_space<hbm>> -> memref<64x128xf32, #tpu.memory_space<hbm>>
    %dma_wait3A_113 = arith.constant 0 : i32
    %dma_wait3A_114 = arith.constant 0 : i32
    %dma_wait3A_115 = tpu.memref_slice %arg7[%dma_wait3A_104, %dma_wait3A_105, %dma_wait3A_113, %dma_wait3A_114] : memref<2x2x64x128xf32, #tpu.memory_space<vmem>> -> memref<1x1x64x128xf32, #tpu.memory_space<vmem>>
    %dma_wait3A_116 = tpu.memref_squeeze %dma_wait3A_115 : memref<1x1x64x128xf32, #tpu.memory_space<vmem>> -> memref<64x128xf32, #tpu.memory_space<vmem>>
    %dma_wait3A_117 = arith.constant 0 : i32
    %dma_wait3A_118 = arith.constant 0 : i32
    %dma_wait3A_119 = tpu.memref_slice %arg3[%dma_wait3A_117, %dma_wait3A_118] : memref<1000000x128xf32, #tpu.memory_space<hbm>> -> memref<64x128xf32, #tpu.memory_space<hbm>>
    tpu.wait_dma2 semaphore(%arg11 : memref<!tpu.dma_semaphore, #tpu.memory_space<semaphore_mem>>) src(%dma_wait3A_119 : memref<64x128xf32, #tpu.memory_space<hbm>>) dst(%dma_wait3A_116 : memref<64x128xf32, #tpu.memory_space<vmem>>)
    %dma_wait3A_120 = arith.constant 1 : i32
    %dma_wait3A_121 = arith.constant 0 : i32
    %dma_wait3A_122 = arith.constant 0 : i32
    %dma_wait3A_123 = arith.constant 0 : i32
    %dma_wait3A_124 = tpu.memref_slice %arg7[%dma_wait3A_120, %dma_wait3A_121, %dma_wait3A_122, %dma_wait3A_123] : memref<2x2x64x128xf32, #tpu.memory_space<vmem>> -> memref<1x1x64x128xf32, #tpu.memory_space<vmem>>
    %dma_wait3A_125 = tpu.memref_squeeze %dma_wait3A_124 : memref<1x1x64x128xf32, #tpu.memory_space<vmem>> -> memref<64x128xf32, #tpu.memory_space<vmem>>
    %dma_wait3A_126 = arith.constant 0 : i32
    %dma_wait3A_127 = arith.constant 0 : i32
    %dma_wait3A_128 = tpu.memref_slice %arg3[%dma_wait3A_126, %dma_wait3A_127] : memref<1000000x128xf32, #tpu.memory_space<hbm>> -> memref<64x128xf32, #tpu.memory_space<hbm>>
    %dma_wait3A_129 = arith.constant 0 : i32
    %dma_wait3A_130 = arith.constant 0 : i32
    %dma_wait3A_131 = tpu.memref_slice %arg7[%dma_wait3A_120, %dma_wait3A_121, %dma_wait3A_129, %dma_wait3A_130] : memref<2x2x64x128xf32, #tpu.memory_space<vmem>> -> memref<1x1x64x128xf32, #tpu.memory_space<vmem>>
    %dma_wait3A_132 = tpu.memref_squeeze %dma_wait3A_131 : memref<1x1x64x128xf32, #tpu.memory_space<vmem>> -> memref<64x128xf32, #tpu.memory_space<vmem>>
    %dma_wait3A_133 = arith.constant 0 : i32
    %dma_wait3A_134 = arith.constant 0 : i32
    %dma_wait3A_135 = tpu.memref_slice %arg3[%dma_wait3A_133, %dma_wait3A_134] : memref<1000000x128xf32, #tpu.memory_space<hbm>> -> memref<64x128xf32, #tpu.memory_space<hbm>>
    tpu.wait_dma2 semaphore(%arg11 : memref<!tpu.dma_semaphore, #tpu.memory_space<semaphore_mem>>) src(%dma_wait3A_135 : memref<64x128xf32, #tpu.memory_space<hbm>>) dst(%dma_wait3A_132 : memref<64x128xf32, #tpu.memory_space<vmem>>)
    return
  }
}

</mosaic_0001>

<sc_bundles>
// kernel: _embedding.4.cloned.1.call-start
scs
__scs_entry_jumppad:
0x0: {  	(pc) =	sbr.rel $0x88, $3  }
0x1: {  	(tag) =	ssettag $0x0;
	lr =	simm.s32 $0x1  }
0x2: {  	[smem:$0x3F9F] =	sst lr;
	_ =	strace $0xD0000000  }
0x3: {  	_ = 	snop  }
0x4: {  	_ = 	snop  }
0x5: {  	_ = 	snop  }
0x6: {  	_ = 	snop  }
0x7: {  	_ = 	snop  }
__scs_overlays_trampoline_lowered:
0x8: {  	[smem:$0x3FAE] =	sst s0  }
0x9: {  	[smem:$0x3FAF] =	sst s1  }
0xa: {  	[smem:$0x3FB0] =	sst s2  }
0xb: {  	[smem:$0x3FB1] =	sst s3  }
0xc: {  	[smem:$0x3FB2] =	sst s4  }
0xd: {  	[smem:$0x3FB3] =	sst s5  }
0xe: {  	[smem:$0x3FB4] =	sst s6  }
0xf: {  	[smem:$0x3FB5] =	sst s7  }
0x10: {  	[smem:$0x3FB6] =	sst s8  }
0x11: {  	[smem:$0x3FB7] =	sst s9;
	s0 =	simm.s32 @!p0 $0x0  }
0x12: {  	s1 =	sld [smem:$0x3F9D];
	s0 =	simm.s32 @p0 $0x1  }
0x13: {  	[smem:$0x3FB8] =	sst s0;
	s0 =	simm.s32 @!p1 $0x0  }
0x14: {  	s2 =	sld [smem:$0x3F9C];
	s0 =	simm.s32 @p1 $0x1  }
0x15: {  	[smem:$0x3FB9] =	sst s0;
	s0 =	simm.s32 @!p2 $0x0  }
0x16: {  	s3 =	sld [smem:$0x3FDB];
	s0 =	simm.s32 @p2 $0x1  }
0x17: {  	s4 =	simm.s32 $0x1BF5;
	[smem:$0x3FBB] =	sst s0  }
0x18: {  	s0 =	sld [smem:$0x3F9E];
	_ =	swait.ge [sflag:s4], $0x0  }
0x19: {  	s7 =	sld [smem:$0x3F9F]  }
0x1a: {  	s8 =	sadd.s32 $0xFFFFE003, lr  }
0x1b: {  	s9 =	sadd.s32 $0xFFFFFEF7, lr;
	s5 =	simm.s32 $0xFFFFFFFF;
	p2 =	slt.u32 s8, $0xFFFFF086  }
0x1c: {  	p1 =	slt.u32 s9, $0xF7A;
	s5 =	simm.s32 @!p2 $0x0  }
0x1d: {  	s5 =	simm.s32 @p1 $0x1;
	p0 =	seq.s32 s7, s2  }
0x1e: {  	s7 =	smul.u32 @!p0 $0xF7A, s2;
	p2 =	seq.s32 @!p0 s5, $0x0  }
0x1f: {  	s9 =	smul.u32 $0xF7A, s1;
	s8 =	simm.s32 @!p0 $0x1BF5;
	p2 =	por !p2, p0  }
0x20: {  	[sflag:s8] =	ssyncset.s32 @!p0 $0xFFFFF086;
	s6 =	sadd.s32 @!p0 s3, s7;
	s7 =	simm.s32 @!p0 $0x108  }
0x21: {  	s3 =	sadd.s32 s3, s9;
	s6 =	sadd.s32 @!p0 $0x88, s6;
	s7 =	simm.s32 @p2 $0x1082  }
0x22: {  	[simem:s7], [sflag:s8] =	dma.local @!p0 [hbm:s6], $0xF7A  }
0x23: {  	s9 =	sor.u32 $0xD0000000, s2;
	s6 =	simm.s32 $0x108;
	_ =	swait.ge @!p0 [sflag:s8], $0x0  }
0x24: {  	s3 =	sadd.s32 $0x88, s3;
	s6 =	simm.s32 @!p1 $0x1082;
	[sflag:s4] =	ssyncset.s32 $0xFFFFF086  }
0x25: {  	[simem:s6], [sflag:s4] =	dma.local [hbm:s3], $0xF7A  }
0x26: {  	[smem:$0x3F9F] =	sst s1;
	(tag) =	ssettag s2;
	_ =	strace s9  }
0x27: {  	s1 =	sld [smem:$0x3FAF]  }
0x28: {  	s2 =	sld [smem:$0x3FB0]  }
0x29: {  	s4 =	sld [smem:$0x3FB2]  }
0x2a: {  	p0 =	seq.s32 s5, $0x0;
	s5 =	sld [smem:$0x3FB3]  }
0x2b: {  	s6 =	sld [smem:$0x3FB4]  }
0x2c: {  	s7 =	sld [smem:$0x3FB5]  }
0x2d: {  	s3 =	simm.s32 $0x108;
	s8 =	sld [smem:$0x3FB6]  }
0x2e: {  	s3 =	simm.s32 @!p0 $0x1082;
	s9 =	sld [smem:$0x3FB7]  }
0x2f: {  	lr =	sadd.s32 s0, s3;
	s0 =	sld [smem:$0x3FAE]  }
0x30: {  	s3 =	sld [smem:$0x3FB1]  }
0x31: {  	[smem:$0x3FBA] =	sst s10  }
0x32: {  	s10 =	sld [smem:$0x3FB8];
	_ =	sdelay $0x3  }
0x33: {  	p0 =	seq.s32 s10, $0x1;
	s10 =	sld [smem:$0x3FBA];
	_ =	sdelay $0x3  }
0x34: {  	[smem:$0x3FBA] =	sst s10  }
0x35: {  	s10 =	sld [smem:$0x3FB9];
	_ =	sdelay $0x3  }
0x36: {  	p1 =	seq.s32 s10, $0x1;
	s10 =	sld [smem:$0x3FBA];
	_ =	sdelay $0x3  }
0x37: {  	[smem:$0x3FBA] =	sst s10  }
0x38: {  	s10 =	sld [smem:$0x3FBB]  }
0x39: {  	_ = 	snop;
	(pc) =	sbr.ind lr, $3  }
0x3a: {  	_ = 	snop  }
0x3b: {  	_ = 	snop  }
0x3c: {  	p2 =	seq.s32 s10, $0x1;
	s10 =	sld [smem:$0x3FBA]  }
0x3d: {  	_ =	shalt  }
0x3e: {  	_ =	shalt  }
0x3f: {  	_ =	shalt  }
0x40: {  	_ =	shalt  }
0x41: {  	_ =	shalt  }
0x42: {  	_ =	shalt  }
0x43: {  	_ =	shalt  }
0x44: {  	_ =	shalt  }
0x45: {  	_ =	shalt  }
0x46: {  	_ =	shalt  }
0x47: {  	_ =	shalt  }
0x48: {  	_ =	shalt  }
0x49: {  	_ =	shalt  }
0x4a: {  	_ =	shalt  }
0x4b: {  	_ =	shalt  }
0x4c: {  	_ =	shalt  }
0x4d: {  	_ =	shalt  }
0x4e: {  	_ =	shalt  }
0x4f: {  	_ =	shalt  }
0x50: {  	_ =	shalt  }
0x51: {  	_ =	shalt  }
0x52: {  	_ =	shalt  }
0x53: {  	_ =	shalt  }
0x54: {  	_ =	shalt  }
0x55: {  	_ =	shalt  }
0x56: {  	_ =	shalt  }
0x57: {  	_ =	shalt  }
0x58: {  	_ =	shalt  }
0x59: {  	_ =	shalt  }
0x5a: {  	_ =	shalt  }
0x5b: {  	_ =	shalt  }
0x5c: {  	_ =	shalt  }
0x5d: {  	_ =	shalt  }
0x5e: {  	_ =	shalt  }
0x5f: {  	_ =	shalt  }
0x60: {  	_ =	shalt  }
0x61: {  	_ =	shalt  }
0x62: {  	_ =	shalt  }
0x63: {  	_ =	shalt  }
0x64: {  	_ =	shalt  }
0x65: {  	_ =	shalt  }
0x66: {  	_ =	shalt  }
0x67: {  	_ =	shalt  }
0x68: {  	_ =	shalt  }
0x69: {  	_ =	shalt  }
0x6a: {  	_ =	shalt  }
0x6b: {  	_ =	shalt  }
0x6c: {  	_ =	shalt  }
0x6d: {  	_ =	shalt  }
0x6e: {  	_ =	shalt  }
0x6f: {  	_ =	shalt  }
0x70: {  	_ =	shalt  }
0x71: {  	_ =	shalt  }
0x72: {  	_ =	shalt  }
0x73: {  	_ =	shalt  }
0x74: {  	_ =	shalt  }
0x75: {  	_ =	shalt  }
0x76: {  	_ =	shalt  }
0x77: {  	_ =	shalt  }
0x78: {  	_ =	shalt  }
0x79: {  	_ =	shalt  }
0x7a: {  	_ =	shalt  }
0x7b: {  	_ =	shalt  }
0x7c: {  	_ =	shalt  }
0x7d: {  	_ =	shalt  }
0x7e: {  	_ =	shalt  }
0x7f: {  	_ =	shalt  }
0x80: {  	_ =	shalt  }
0x81: {  	_ =	shalt  }
0x82: {  	_ =	shalt  }
0x83: {  	_ =	shalt  }
0x84: {  	_ =	shalt  }
0x85: {  	_ =	shalt  }
0x86: {  	_ =	shalt  }
0x87: {  	_ =	shalt  }
.Lfunc_end0:
.L_simem_size_0:
called_computation_lowered:
.L_overlay_start_0:
0x88: {  	s2 =	sld [smem:$0x3FD9]  }
0x89: {  	s3 =	sld [smem:$0x3FFE];
	_ =	sdelay $0x1  }
0x8a: {  	s1 =	srdreg.scid  }
0x8b: {  	s0 =	sand.u32 $0x1, s1  }
0x8c: {  	s17 =	sshll.u32 s0, $0xA;
	s2 =	sadd.s32 s3, s2  }
0x8d: {  	s2 =	sadd.s32 s2, s17  }
0x8e: {  	[smem:$0x3FC6] =	sst s2  }
0x8f: {  	_ = 	snop  }
0x90: {  	s2 =	sld [smem:$0x3FC8]  }
0x91: {  	s18 =	sld [smem:$0x3FD0];
	(tm) =	ssettm $0x1  }
0x92: {  	s4 =	sld [smem:$0x3FFB];
	_ =	sdelay $0x3  }
0x93: {  	_ =	strace s4  }
0x94: {  	s4 =	sld [smem:$0x3FFC];
	_ =	sdelay $0x3  }
0x95: {  	_ =	strace s4  }
0x96: {  	s4 =	sld [smem:$0x3FFD];
	_ =	sdelay $0x3  }
0x97: {  	_ =	strace s4  }
0x98: {  	_ =	strace $0x8FFFFFFF  }
0x99: {  	s19 =	sld [smem:$0x3FDB];
	_ =	sdelay $0x1  }
0x9a: {  	s5 =	simm.s32 $_scs_section_size  }
0x9b: {  	s6 =	simm.s32 $_size__tile_overlayer_lowered;
	s7 =	simm.s32 $_tile_overlayer_lowered  }
0x9c: {  	s22 =	simm.s32 $0x1BFF;
	s21 =	sshll.u32 s7, $0x1;
	s4 =	sadd.s32 s5, s19  }
0x9d: {  	s8 =	simm.s32 $0x0;
	s20 =	sshll.u32 s6, $0x1;
	s6 =	sadd.s32 s21, s4  }
0x9e: {  	[timem:s8], [sflag:s22] =	dma.local [hbm:s6], s20  }
0x9f: {  	_ =	swait.ge [sflag:s22], s20  }
0xa0: {  	s5 =	ssub.s32 $0x0, s20;
	[sflag:s22] =	ssyncset.done $0x0  }
0xa1: {  	[sflag:s22] =	ssyncadd.s32 s5;
	_ =	sdelay $0x1  }
0xa2: {  	s23 =	simm.s32 $0x1B8B  }
0xa3: {  	_ =	swait.ge [sflag:s23], $0x1  }
0xa4: {  	[sflag:s23] =	ssyncset.done $0x0  }
0xa5: {  	s25 =	simm.s32 $0x1B8E;
	s24 =	sld [smem:$0x3FFE];
	[sflag:s23] =	ssyncadd.s32 $0xFFFFFFFF  }
0xa6: {  	s26 =	simm.s32 $execute0_lowered;
	[smem:$0x3FD2] =	sst s25  }
0xa7: {  	s6 =	sshll.u32 s26, $0x1;
	_ =	strace $0x80000046;
	[dreg:$0x1] =	wrdreg $0xFFFFFFFF  }
0xa8: {  	s28 =	simm.s32 $_size_execute0_lowered;
	s4 =	sadd.s32 s4, s6;
	[dreg:$0x0] =	wrdreg $0x0  }
0xa9: {  	s6 =	sshll.u32 s28, $0x1;
	[dreg:$0x2] =	wrdreg s4  }
0xaa: {  	[dreg:$0x3] =	wrdreg s6  }
0xab: {  	[dreg:$0x4] =	wrdreg $0xC0  }
0xac: {  	_ =	task [dreg:s8], $0x5FFFF  }
0xad: {  	[dreg:$0x1] =	wrdreg $0xFFFFFFFF  }
0xae: {  	[dreg:$0x0] =	wrdreg $0x60  }
0xaf: {  	[dreg:$0x2] =	wrdreg s2  }
0xb0: {  	[dreg:$0x3] =	wrdreg s18  }
0xb1: {  	[dreg:$0x4] =	wrdreg s24  }
0xb2: {  	[dreg:$0x5] =	wrdreg $0x9  }
0xb3: {  	_ =	task.clear_ibuf [dreg:s8], $0x6FFFF;
	_ =	strace $0x90000046  }
0xb4: {  	s29 =	simm.s32 $0x9;
	_ =	strace $0x80000048  }
0xb5: {  	_ =	swait.ge [sflag:s29], $0x1  }
0xb6: {  	[sflag:s29] =	ssyncadd.s32 $0xFFFFFFFF  }
0xb7: {  	_ =	strace $0x90000048  }
0xb8: {  	_ =	sfence  }
0xb9: {  	s30 =	sld [smem:$0x0];
	_ =	sdelay $0x2  }
0xba: {  	s31 =	sshll.u32 s1, $0xD;
	s1 =	sshrl.u32 s1, $0x2  }
0xbb: {  	s3 =	sand.u32 $0x4000, s31;
	s1 =	sadd.s32 s1, s30  }
0xbc: {  	s0 =	sor.u32 s3, s0;
	s1 =	sshll.u32 s1, $0x11  }
0xbd: {  	s0 =	sor.u32 s1, s0  }
0xbe: {  	s0 =	sadd.s32 $0x8F2B, s0  }
0xbf: {  	[sflag:s0] =	ssyncadd.remote.s32 $0x1  }
0xc0: {  	_ =	sfence.sel $0xFFFF  }
0xc1: {  	[dreg:$0x0] =	wrdreg $0xFFFFFFFF;
	(pc) =	sbr.abs _section_cstart, $3  }
0xc2: {  	[dreg:$0x1] =	wrdreg $0xFFFFFFFF  }
0xc3: {  	_ =	task.clear_ibuf [dreg:s8], $0x2FFFF;
	_ =	strace $0x9FFFFFFF  }
0xc4: {  	(tm) =	ssettm $0x7FFFFFFF  }
0xc5: {  	_ =	shalt  }
tec
execute0_lowered:
.L_overlay_start_1:
0x0: {  	(tag) =	ssettag $0x1  }
0x1: {  	s1 =	rddreg [dreg:$0x0]  }
0x2: {  	s2 =	rddreg [dreg:$0x1]  }
0x3: {  	s8 =	rddreg [dreg:$0x2]  }
0x4: {  	s0 =	rddreg [dreg:$0x3]  }
0x5: {  	v17 =	vlaneseq.u32;
	s4 =	srdreg.scid;
	s14 =	stileid.u32;
	s3 =	simm.s32 $0x0  }
0x6: {  	s11 =	simm.s32 $0x7A1400;
	s12 =	simm.s32 $0x8000;
	s13 =	simm.s32 $0x10000;
	v0 =	vmul.u32 $0x80, v17;
	v15 =	vshrl.u32 v17, $0x1;
	v16 =	vand.u32 $0x1, v17  }
0x7: {  	s15 =	simm.s32 $0x1;
	s16 =	simm.s32 $0x0;
	s4 =	sand.u32 $0x1, s4;
	v17 =	vmul.u32 $0x40, v17;
	v20 =	vmul.u32 $0x80, v15;
	v16 =	vmul.u32 $0x40, v16  }
0x8: {  	s5 =	sshll.u32 s14, $0x1;
	[smem:$0x7FF] =	sst s3;
	p0 =	sne.s32 s14, $0x0;
	v1 =	vor.u32 $0x800, v0;
	v2 =	vor.u32 $0x1000, v0;
	v3 =	vor.u32 $0x1800, v0  }
.Ltmp0:
0x9: {  	s14 =	simm.s32 $0x18000;
	s6 =	ssub.s32 $0x2, s4;
	v4 =	vor.u32 $0x2000, v0;
	v5 =	vor.u32 $0x2800, v0;
	v6 =	vor.u32 $0x3000, v0;
	(pc) =	sbr.rel .LBB2_1-.Ltmp0, $4  }
0xa: {  	s4 =	sor.u32 s4, s5;
	_ =	strace $0x80000047;
	s5 =	sadd.s32 $0x800, s8;
	v7 =	vor.u32 $0x3800, v0;
	v8 =	vor.u32 $0x4000, v0;
	v9 =	vor.u32 $0x4800, v0  }
0xb: {  	s8 =	sadd.s32 $0xF42800, s8;
	s7 =	sshrl.u32 s6, $0x1;
	s9 =	sshll.u32 s4, $0x8;
	v10 =	vor.u32 $0x5000, v0;
	v11 =	vor.u32 $0x5800, v0;
	v12 =	vor.u32 $0x6000, v0  }
0xc: {  	v13 =	vor.u32 $0x6800, v0;
	v14 =	vor.u32 $0x7000, v0;
	v15 =	vor.u32 $0x7800, v0;
	p1 =	sne.s32 s4, $0x1F;
	s10 =	ssub.s32 s6, s7;
	s6 =	sadd.s32 s1, s9  }
0xd: {  	s7 =	sor.u32 $0x40, s4;
	v18 =	vor.u32 $0x400, v20;
	v19 =	vor.u32 $0x800, v20;
	v20 =	vor.u32 $0xC00, v20;
	s9 =	smax.u32 s10, $0x1;
	s10 =	simm.s32 $0x800  }
.LBB2_15:
0xe: {  	s16 =	sadd.s32 $0x1, s16  }
0xf: {  	p2 =	sne.s32 s16, s9  }
.Ltmp1:
0x10: {  	_ = 	snop;
	(pc) =	sbr.rel @!p2 .LBB2_16-.Ltmp1, $1  }
0x11: {  	_ =	sdelay $0x3  }
.LBB2_1:
.Ltmp2:
0x12: {  	(pc) =	sbr.rel .LBB2_2-.Ltmp2, $3  }
0x13: {  	_ =	sdelay $0x1  }
0x14: {  	[tilespmem:s3], [sflag:$0x1] =	stream.strided.gather [hbm4b:s6+s10], $0x4000, s11, s10, $0x38;
	[tilespmem:$0x19000] =	vst v63  }
0x15: {  	s17 =	simm.s32 $0x0  }
.LBB2_10:
0x16: {  	s17 =	sadd.s32 $0x1, s17  }
0x17: {  	p2 =	sne.s32 s17, $0x3E  }
.Ltmp3:
0x18: {  	_ = 	snop;
	(pc) =	sbr.rel @!p2 .LBB2_11-.Ltmp3, $1  }
0x19: {  	_ =	sdelay $0x3  }
.LBB2_2:
0x1a: {  	s19 =	sshll.u32 s17, $0x6  }
0x1b: {  	s20 =	sor.u32 s4, s19  }
0x1c: {  	p3 =	sgt.u32 s20, $0xF41;
	s18 =	sor.u32 $0x20, s20  }
0x1d: {  	s21 =	simm.s32 @!p3 $0x1;
	p2 =	sgt.u32 s18, $0xF41  }
0x1e: {  	p4 =	seq.s32 s17, $0x0;
	_ =	swait.ge @!p3 [sflag:s21], $0x4000;
	s22 =	sshll.u32 @!p2 s18, $0x8  }
0x1f: {  	s23 =	simm.s32 @!p2 $0x7A1400;
	s24 =	simm.s32 @!p2 $0x4000;
	[sflag:s21] =	ssyncset.done @!p3 $0x0  }
0x20: {  	[sflag:s21] =	ssyncadd.s32 @!p3 $0xFFFFC000;
	s21 =	sadd.s32 @!p2 s1, s22;
	s22 =	simm.s32 @!p2 $0x800  }
0x21: {  	[tilespmem:s24], [sflag:$0x2] =	stream.strided.gather @!p2 [hbm4b:s21+s22], $0x4000, s23, s22, $0x38;
	[tilespmem:$0x19000] =	vst v63  }
0x22: {  	s21 =	simm.s32 @!p4 $0x3  }
0x23: {  	_ =	swait.ge @!p4 [sflag:s21], $0x8000  }
.Ltmp4:
0x24: {  	[sflag:s21] =	ssyncset.done @!p4 $0x0;
	(pc) =	sbr.rel @p3 .LBB2_6-.Ltmp4, $4  }
0x25: {  	[sflag:s21] =	ssyncadd.s32 @!p4 $0xFFFF8000;
	s21 =	simm.s32 @!p4 $0x4  }
0x26: {  	_ =	swait.ge @!p4 [sflag:s21], $0x8000  }
0x27: {  	[sflag:s21] =	ssyncset.done @!p4 $0x0  }
0x28: {  	[sflag:s21] =	ssyncadd.s32 @!p4 $0xFFFF8000  }
0x29: {  	s21 =	simm.s32 $0x0  }
0x2a: {  	s22 =	sand.u32 $0x3800, s21;
	s21 =	sand.u32 $0x380, s21  }
0x2b: {  	v21 =	vlaneseq.u32;
	s22 =	sor.u32 s21, s22  }
0x2c: {  	v23 =	vadd.s32 v0, v21;
	v22 =	vld [tilespmem:s22+$0x0];
	_ =	sdelay $0x4  }
0x2d: {  	[tilespmem:v23+s12+$0x0] =	vst.idx.msk $0xffff, v22  }
0x2e: {  	v23 =	vadd.s32 v1, v21;
	v22 =	vld [tilespmem:s22+$0x10];
	_ =	sdelay $0x4  }
0x2f: {  	[tilespmem:v23+s12+$0x0] =	vst.idx.msk $0xffff, v22  }
0x30: {  	v23 =	vadd.s32 v2, v21;
	v22 =	vld [tilespmem:s22+$0x20];
	_ =	sdelay $0x4  }
0x31: {  	[tilespmem:v23+s12+$0x0] =	vst.idx.msk $0xffff, v22  }
0x32: {  	v23 =	vadd.s32 v3, v21;
	v22 =	vld [tilespmem:s22+$0x30];
	_ =	sdelay $0x4  }
0x33: {  	[tilespmem:v23+s12+$0x0] =	vst.idx.msk $0xffff, v22  }
0x34: {  	v23 =	vadd.s32 v4, v21;
	v22 =	vld [tilespmem:s22+$0x40];
	_ =	sdelay $0x4  }
0x35: {  	[tilespmem:v23+s12+$0x0] =	vst.idx.msk $0xffff, v22  }
0x36: {  	v23 =	vadd.s32 v5, v21;
	v22 =	vld [tilespmem:s22+$0x50];
	_ =	sdelay $0x4  }
0x37: {  	[tilespmem:v23+s12+$0x0] =	vst.idx.msk $0xffff, v22  }
0x38: {  	v23 =	vadd.s32 v6, v21;
	v22 =	vld [tilespmem:s22+$0x60];
	_ =	sdelay $0x4  }
0x39: {  	[tilespmem:v23+s12+$0x0] =	vst.idx.msk $0xffff, v22  }
0x3a: {  	v23 =	vadd.s32 v7, v21;
	v22 =	vld [tilespmem:s22+$0x70];
	_ =	sdelay $0x4  }
0x3b: {  	[tilespmem:v23+s12+$0x0] =	vst.idx.msk $0xffff, v22  }
0x3c: {  	v23 =	vadd.s32 v8, v21;
	v22 =	vld [tilespmem:s22+$0x400];
	_ =	sdelay $0x4  }
0x3d: {  	[tilespmem:v23+s12+$0x0] =	vst.idx.msk $0xffff, v22  }
0x3e: {  	v23 =	vadd.s32 v9, v21;
	v22 =	vld [tilespmem:s22+$0x410];
	_ =	sdelay $0x4  }
0x3f: {  	[tilespmem:v23+s12+$0x0] =	vst.idx.msk $0xffff, v22  }
0x40: {  	v23 =	vadd.s32 v10, v21;
	v22 =	vld [tilespmem:s22+$0x420];
	_ =	sdelay $0x4  }
0x41: {  	[tilespmem:v23+s12+$0x0] =	vst.idx.msk $0xffff, v22  }
0x42: {  	v23 =	vadd.s32 v11, v21;
	v22 =	vld [tilespmem:s22+$0x430];
	_ =	sdelay $0x4  }
0x43: {  	[tilespmem:v23+s12+$0x0] =	vst.idx.msk $0xffff, v22  }
0x44: {  	v23 =	vadd.s32 v12, v21;
	v22 =	vld [tilespmem:s22+$0x440];
	_ =	sdelay $0x4  }
0x45: {  	[tilespmem:v23+s12+$0x0] =	vst.idx.msk $0xffff, v22  }
0x46: {  	v23 =	vadd.s32 v13, v21;
	v22 =	vld [tilespmem:s22+$0x450];
	_ =	sdelay $0x4  }
0x47: {  	[tilespmem:v23+s12+$0x0] =	vst.idx.msk $0xffff, v22  }
0x48: {  	v23 =	vadd.s32 v14, v21;
	v22 =	vld [tilespmem:s22+$0x460];
	_ =	sdelay $0x4  }
0x49: {  	[tilespmem:v23+s12+$0x0] =	vst.idx.msk $0xffff, v22  }
0x4a: {  	v23 =	vadd.s32 v15, v21;
	v22 =	vld [tilespmem:s22+$0x470];
	_ =	sdelay $0x2  }
0x4b: {  	s23 =	simm.s32 $0x100;
	s21 =	simm.s32 $0x80  }
0x4c: {  	s23 =	sand.u32 $0x3800, s23;
	s24 =	sand.u32 $0x380, s21;
	s22 =	simm.s32 $0x200  }
.LBB2_4:
0x4d: {  	p3 =	sne.s32 s22, $0x3F00;
	s23 =	sor.u32 s24, s23;
	[tilespmem:v23+s12+$0x0] =	vst.idx.msk $0xffff, v22;
	v21 =	vadd.s32 $0x1, v21  }
0x4e: {  	v22 =	vld [tilespmem:s23+$0x0];
	v23 =	vadd.s32 v0, v21;
	_ =	sdelay $0x4  }
0x4f: {  	[tilespmem:v23+s12+$0x0] =	vst.idx.msk $0xffff, v22  }
0x50: {  	v23 =	vadd.s32 v1, v21;
	v22 =	vld [tilespmem:s23+$0x10];
	_ =	sdelay $0x4  }
0x51: {  	[tilespmem:v23+s12+$0x0] =	vst.idx.msk $0xffff, v22  }
0x52: {  	v23 =	vadd.s32 v2, v21;
	v22 =	vld [tilespmem:s23+$0x20];
	_ =	sdelay $0x4  }
0x53: {  	[tilespmem:v23+s12+$0x0] =	vst.idx.msk $0xffff, v22  }
0x54: {  	v23 =	vadd.s32 v3, v21;
	v22 =	vld [tilespmem:s23+$0x30];
	_ =	sdelay $0x4  }
0x55: {  	[tilespmem:v23+s12+$0x0] =	vst.idx.msk $0xffff, v22  }
0x56: {  	v23 =	vadd.s32 v4, v21;
	v22 =	vld [tilespmem:s23+$0x40];
	_ =	sdelay $0x4  }
0x57: {  	[tilespmem:v23+s12+$0x0] =	vst.idx.msk $0xffff, v22  }
0x58: {  	v23 =	vadd.s32 v5, v21;
	v22 =	vld [tilespmem:s23+$0x50];
	_ =	sdelay $0x4  }
0x59: {  	[tilespmem:v23+s12+$0x0] =	vst.idx.msk $0xffff, v22  }
0x5a: {  	v23 =	vadd.s32 v6, v21;
	v22 =	vld [tilespmem:s23+$0x60];
	_ =	sdelay $0x4  }
0x5b: {  	[tilespmem:v23+s12+$0x0] =	vst.idx.msk $0xffff, v22  }
0x5c: {  	v23 =	vadd.s32 v7, v21;
	v22 =	vld [tilespmem:s23+$0x70];
	_ =	sdelay $0x4  }
0x5d: {  	[tilespmem:v23+s12+$0x0] =	vst.idx.msk $0xffff, v22  }
0x5e: {  	v23 =	vadd.s32 v8, v21;
	v22 =	vld [tilespmem:s23+$0x400];
	_ =	sdelay $0x4  }
0x5f: {  	[tilespmem:v23+s12+$0x0] =	vst.idx.msk $0xffff, v22  }
0x60: {  	v23 =	vadd.s32 v9, v21;
	v22 =	vld [tilespmem:s23+$0x410];
	_ =	sdelay $0x4  }
0x61: {  	[tilespmem:v23+s12+$0x0] =	vst.idx.msk $0xffff, v22  }
0x62: {  	v23 =	vadd.s32 v10, v21;
	v22 =	vld [tilespmem:s23+$0x420];
	_ =	sdelay $0x4  }
0x63: {  	[tilespmem:v23+s12+$0x0] =	vst.idx.msk $0xffff, v22  }
0x64: {  	v23 =	vadd.s32 v11, v21;
	v22 =	vld [tilespmem:s23+$0x430];
	_ =	sdelay $0x4  }
0x65: {  	[tilespmem:v23+s12+$0x0] =	vst.idx.msk $0xffff, v22  }
0x66: {  	v23 =	vadd.s32 v12, v21;
	v22 =	vld [tilespmem:s23+$0x440];
	_ =	sdelay $0x4  }
0x67: {  	[tilespmem:v23+s12+$0x0] =	vst.idx.msk $0xffff, v22  }
0x68: {  	v23 =	vadd.s32 v13, v21;
	v22 =	vld [tilespmem:s23+$0x450];
	_ =	sdelay $0x4  }
0x69: {  	[tilespmem:v23+s12+$0x0] =	vst.idx.msk $0xffff, v22  }
0x6a: {  	v23 =	vadd.s32 v14, v21;
	v22 =	vld [tilespmem:s23+$0x460];
	_ =	sdelay $0x4  }
0x6b: {  	[tilespmem:v23+s12+$0x0] =	vst.idx.msk $0xffff, v22  }
.Ltmp5:
0x6c: {  	v23 =	vadd.s32 v15, v21;
	v22 =	vld [tilespmem:s23+$0x470];
	(pc) =	sbr.rel @p3 .LBB2_4-.Ltmp5, $3  }
0x6d: {  	_ =	sdelay $0x1  }
0x6e: {  	s21 =	sadd.s32 $0x80, s21  }
0x6f: {  	s24 =	sand.u32 $0x380, s21;
	s23 =	sand.u32 $0x3800, s22;
	s22 =	sadd.s32 $0x100, s22  }
0x70: {  	_ =	sdelay $0x3  }
0x71: {  	s21 =	sor.u32 s24, s23;
	[tilespmem:v23+s12+$0x0] =	vst.idx.msk $0xffff, v22;
	v21 =	vadd.s32 $0x1, v21  }
0x72: {  	v22 =	vld [tilespmem:s21+$0x0];
	v23 =	vadd.s32 v0, v21;
	_ =	sdelay $0x4  }
0x73: {  	[tilespmem:v23+s12+$0x0] =	vst.idx.msk $0xffff, v22  }
0x74: {  	v23 =	vadd.s32 v1, v21;
	v22 =	vld [tilespmem:s21+$0x10];
	_ =	sdelay $0x4  }
0x75: {  	[tilespmem:v23+s12+$0x0] =	vst.idx.msk $0xffff, v22  }
0x76: {  	v23 =	vadd.s32 v2, v21;
	v22 =	vld [tilespmem:s21+$0x20];
	_ =	sdelay $0x4  }
0x77: {  	[tilespmem:v23+s12+$0x0] =	vst.idx.msk $0xffff, v22  }
0x78: {  	v23 =	vadd.s32 v3, v21;
	v22 =	vld [tilespmem:s21+$0x30];
	_ =	sdelay $0x4  }
0x79: {  	[tilespmem:v23+s12+$0x0] =	vst.idx.msk $0xffff, v22  }
0x7a: {  	v23 =	vadd.s32 v4, v21;
	v22 =	vld [tilespmem:s21+$0x40];
	_ =	sdelay $0x4  }
0x7b: {  	[tilespmem:v23+s12+$0x0] =	vst.idx.msk $0xffff, v22  }
0x7c: {  	v23 =	vadd.s32 v5, v21;
	v22 =	vld [tilespmem:s21+$0x50];
	_ =	sdelay $0x4  }
0x7d: {  	[tilespmem:v23+s12+$0x0] =	vst.idx.msk $0xffff, v22  }
0x7e: {  	v23 =	vadd.s32 v6, v21;
	v22 =	vld [tilespmem:s21+$0x60];
	_ =	sdelay $0x4  }
0x7f: {  	[tilespmem:v23+s12+$0x0] =	vst.idx.msk $0xffff, v22  }
0x80: {  	v23 =	vadd.s32 v7, v21;
	v22 =	vld [tilespmem:s21+$0x70];
	_ =	sdelay $0x4  }
0x81: {  	[tilespmem:v23+s12+$0x0] =	vst.idx.msk $0xffff, v22  }
0x82: {  	v23 =	vadd.s32 v8, v21;
	v22 =	vld [tilespmem:s21+$0x400];
	_ =	sdelay $0x4  }
0x83: {  	[tilespmem:v23+s12+$0x0] =	vst.idx.msk $0xffff, v22  }
0x84: {  	v23 =	vadd.s32 v9, v21;
	v22 =	vld [tilespmem:s21+$0x410];
	_ =	sdelay $0x4  }
0x85: {  	[tilespmem:v23+s12+$0x0] =	vst.idx.msk $0xffff, v22  }
0x86: {  	v23 =	vadd.s32 v10, v21;
	v22 =	vld [tilespmem:s21+$0x420];
	_ =	sdelay $0x4  }
0x87: {  	[tilespmem:v23+s12+$0x0] =	vst.idx.msk $0xffff, v22  }
0x88: {  	v23 =	vadd.s32 v11, v21;
	v22 =	vld [tilespmem:s21+$0x430];
	_ =	sdelay $0x4  }
0x89: {  	[tilespmem:v23+s12+$0x0] =	vst.idx.msk $0xffff, v22  }
0x8a: {  	v23 =	vadd.s32 v12, v21;
	v22 =	vld [tilespmem:s21+$0x440];
	_ =	sdelay $0x4  }
0x8b: {  	[tilespmem:v23+s12+$0x0] =	vst.idx.msk $0xffff, v22  }
0x8c: {  	v23 =	vadd.s32 v13, v21;
	v22 =	vld [tilespmem:s21+$0x450];
	_ =	sdelay $0x4  }
0x8d: {  	[tilespmem:v23+s12+$0x0] =	vst.idx.msk $0xffff, v22  }
0x8e: {  	v23 =	vadd.s32 v14, v21;
	v22 =	vld [tilespmem:s21+$0x460];
	_ =	sdelay $0x4  }
0x8f: {  	[tilespmem:v23+s12+$0x0] =	vst.idx.msk $0xffff, v22  }
0x90: {  	v21 =	vadd.s32 v15, v21;
	v22 =	vld [tilespmem:s21+$0x470];
	_ =	sdelay $0x3  }
0x91: {  	s20 =	sshll.u32 s20, $0xC  }
0x92: {  	s20 =	sadd.s32 s5, s20;
	[tilespmem:v21+s12+$0x0] =	vst.idx.msk $0xffff, v22  }
0x93: {  	[hbm4b:s20+s3] =	stream.linear.scatter [tilespmem:s12], [sflag:$0x3], $0x8000, $0x38;
	[tilespmem:$0x19000] =	vst v63  }
0x94: {  	s20 =	simm.s32 @!p2 $0x2  }
0x95: {  	_ =	swait.ge @!p2 [sflag:s20], $0x4000  }
0x96: {  	[sflag:s20] =	ssyncset.done @!p2 $0x0  }
0x97: {  	[sflag:s20] =	ssyncadd.s32 @!p2 $0xFFFFC000  }
.LBB2_6:
.Ltmp6:
0x98: {  	s19 =	sadd.s32 s7, s19;
	(pc) =	sbr.rel @p2 .LBB2_10-.Ltmp6, $4  }
0x99: {  	p3 =	sgt.u32 s19, $0xF41  }
0x9a: {  	s19 =	sshll.u32 @!p3 s19, $0x8;
	s20 =	simm.s32 @!p3 $0x800  }
0x9b: {  	s21 =	simm.s32 @!p3 $0x7A1400;
	s22 =	simm.s32 @!p3 $0x0;
	s19 =	sadd.s32 @!p3 s1, s19  }
0x9c: {  	[tilespmem:s22], [sflag:$0x1] =	stream.strided.gather @!p3 [hbm4b:s19+s20], $0x4000, s21, s20, $0x38;
	[tilespmem:$0x19000] =	vst v63  }
0x9d: {  	s19 =	simm.s32 $0x0  }
0x9e: {  	s20 =	sand.u32 $0x3800, s19;
	s19 =	sand.u32 $0x380, s19  }
0x9f: {  	v21 =	vlaneseq.u32;
	s20 =	sor.u32 s19, s20  }
0xa0: {  	v23 =	vadd.s32 v0, v21;
	v22 =	vld [tilespmem:s20+$0x4000];
	_ =	sdelay $0x4  }
0xa1: {  	[tilespmem:v23+s13+$0x0] =	vst.idx.msk $0xffff, v22  }
0xa2: {  	v23 =	vadd.s32 v1, v21;
	v22 =	vld [tilespmem:s20+$0x4010];
	_ =	sdelay $0x4  }
0xa3: {  	[tilespmem:v23+s13+$0x0] =	vst.idx.msk $0xffff, v22  }
0xa4: {  	v23 =	vadd.s32 v2, v21;
	v22 =	vld [tilespmem:s20+$0x4020];
	_ =	sdelay $0x4  }
0xa5: {  	[tilespmem:v23+s13+$0x0] =	vst.idx.msk $0xffff, v22  }
0xa6: {  	v23 =	vadd.s32 v3, v21;
	v22 =	vld [tilespmem:s20+$0x4030];
	_ =	sdelay $0x4  }
0xa7: {  	[tilespmem:v23+s13+$0x0] =	vst.idx.msk $0xffff, v22  }
0xa8: {  	v23 =	vadd.s32 v4, v21;
	v22 =	vld [tilespmem:s20+$0x4040];
	_ =	sdelay $0x4  }
0xa9: {  	[tilespmem:v23+s13+$0x0] =	vst.idx.msk $0xffff, v22  }
0xaa: {  	v23 =	vadd.s32 v5, v21;
	v22 =	vld [tilespmem:s20+$0x4050];
	_ =	sdelay $0x4  }
0xab: {  	[tilespmem:v23+s13+$0x0] =	vst.idx.msk $0xffff, v22  }
0xac: {  	v23 =	vadd.s32 v6, v21;
	v22 =	vld [tilespmem:s20+$0x4060];
	_ =	sdelay $0x4  }
0xad: {  	[tilespmem:v23+s13+$0x0] =	vst.idx.msk $0xffff, v22  }
0xae: {  	v23 =	vadd.s32 v7, v21;
	v22 =	vld [tilespmem:s20+$0x4070];
	_ =	sdelay $0x4  }
0xaf: {  	[tilespmem:v23+s13+$0x0] =	vst.idx.msk $0xffff, v22  }
0xb0: {  	v23 =	vadd.s32 v8, v21;
	v22 =	vld [tilespmem:s20+$0x4400];
	_ =	sdelay $0x4  }
0xb1: {  	[tilespmem:v23+s13+$0x0] =	vst.idx.msk $0xffff, v22  }
0xb2: {  	v23 =	vadd.s32 v9, v21;
	v22 =	vld [tilespmem:s20+$0x4410];
	_ =	sdelay $0x4  }
0xb3: {  	[tilespmem:v23+s13+$0x0] =	vst.idx.msk $0xffff, v22  }
0xb4: {  	v23 =	vadd.s32 v10, v21;
	v22 =	vld [tilespmem:s20+$0x4420];
	_ =	sdelay $0x4  }
0xb5: {  	[tilespmem:v23+s13+$0x0] =	vst.idx.msk $0xffff, v22  }
0xb6: {  	v23 =	vadd.s32 v11, v21;
	v22 =	vld [tilespmem:s20+$0x4430];
	_ =	sdelay $0x4  }
0xb7: {  	[tilespmem:v23+s13+$0x0] =	vst.idx.msk $0xffff, v22  }
0xb8: {  	v23 =	vadd.s32 v12, v21;
	v22 =	vld [tilespmem:s20+$0x4440];
	_ =	sdelay $0x4  }
0xb9: {  	[tilespmem:v23+s13+$0x0] =	vst.idx.msk $0xffff, v22  }
0xba: {  	v23 =	vadd.s32 v13, v21;
	v22 =	vld [tilespmem:s20+$0x4450];
	_ =	sdelay $0x4  }
0xbb: {  	[tilespmem:v23+s13+$0x0] =	vst.idx.msk $0xffff, v22  }
0xbc: {  	v23 =	vadd.s32 v14, v21;
	v22 =	vld [tilespmem:s20+$0x4460];
	_ =	sdelay $0x4  }
0xbd: {  	[tilespmem:v23+s13+$0x0] =	vst.idx.msk $0xffff, v22  }
0xbe: {  	v23 =	vadd.s32 v15, v21;
	v22 =	vld [tilespmem:s20+$0x4470];
	_ =	sdelay $0x2  }
0xbf: {  	s21 =	simm.s32 $0x100;
	s19 =	simm.s32 $0x80  }
0xc0: {  	s21 =	sand.u32 $0x3800, s21;
	s22 =	sand.u32 $0x380, s19;
	s20 =	simm.s32 $0x200  }
.LBB2_8:
0xc1: {  	p2 =	sne.s32 s20, $0x3F00;
	s21 =	sor.u32 s22, s21;
	[tilespmem:v23+s13+$0x0] =	vst.idx.msk $0xffff, v22;
	v21 =	vadd.s32 $0x1, v21  }
0xc2: {  	v22 =	vld [tilespmem:s21+$0x4000];
	v23 =	vadd.s32 v0, v21;
	_ =	sdelay $0x4  }
0xc3: {  	[tilespmem:v23+s13+$0x0] =	vst.idx.msk $0xffff, v22  }
0xc4: {  	v23 =	vadd.s32 v1, v21;
	v22 =	vld [tilespmem:s21+$0x4010];
	_ =	sdelay $0x4  }
0xc5: {  	[tilespmem:v23+s13+$0x0] =	vst.idx.msk $0xffff, v22  }
0xc6: {  	v23 =	vadd.s32 v2, v21;
	v22 =	vld [tilespmem:s21+$0x4020];
	_ =	sdelay $0x4  }
0xc7: {  	[tilespmem:v23+s13+$0x0] =	vst.idx.msk $0xffff, v22  }
0xc8: {  	v23 =	vadd.s32 v3, v21;
	v22 =	vld [tilespmem:s21+$0x4030];
	_ =	sdelay $0x4  }
0xc9: {  	[tilespmem:v23+s13+$0x0] =	vst.idx.msk $0xffff, v22  }
0xca: {  	v23 =	vadd.s32 v4, v21;
	v22 =	vld [tilespmem:s21+$0x4040];
	_ =	sdelay $0x4  }
0xcb: {  	[tilespmem:v23+s13+$0x0] =	vst.idx.msk $0xffff, v22  }
0xcc: {  	v23 =	vadd.s32 v5, v21;
	v22 =	vld [tilespmem:s21+$0x4050];
	_ =	sdelay $0x4  }
0xcd: {  	[tilespmem:v23+s13+$0x0] =	vst.idx.msk $0xffff, v22  }
0xce: {  	v23 =	vadd.s32 v6, v21;
	v22 =	vld [tilespmem:s21+$0x4060];
	_ =	sdelay $0x4  }
0xcf: {  	[tilespmem:v23+s13+$0x0] =	vst.idx.msk $0xffff, v22  }
0xd0: {  	v23 =	vadd.s32 v7, v21;
	v22 =	vld [tilespmem:s21+$0x4070];
	_ =	sdelay $0x4  }
0xd1: {  	[tilespmem:v23+s13+$0x0] =	vst.idx.msk $0xffff, v22  }
0xd2: {  	v23 =	vadd.s32 v8, v21;
	v22 =	vld [tilespmem:s21+$0x4400];
	_ =	sdelay $0x4  }
0xd3: {  	[tilespmem:v23+s13+$0x0] =	vst.idx.msk $0xffff, v22  }
0xd4: {  	v23 =	vadd.s32 v9, v21;
	v22 =	vld [tilespmem:s21+$0x4410];
	_ =	sdelay $0x4  }
0xd5: {  	[tilespmem:v23+s13+$0x0] =	vst.idx.msk $0xffff, v22  }
0xd6: {  	v23 =	vadd.s32 v10, v21;
	v22 =	vld [tilespmem:s21+$0x4420];
	_ =	sdelay $0x4  }
0xd7: {  	[tilespmem:v23+s13+$0x0] =	vst.idx.msk $0xffff, v22  }
0xd8: {  	v23 =	vadd.s32 v11, v21;
	v22 =	vld [tilespmem:s21+$0x4430];
	_ =	sdelay $0x4  }
0xd9: {  	[tilespmem:v23+s13+$0x0] =	vst.idx.msk $0xffff, v22  }
0xda: {  	v23 =	vadd.s32 v12, v21;
	v22 =	vld [tilespmem:s21+$0x4440];
	_ =	sdelay $0x4  }
0xdb: {  	[tilespmem:v23+s13+$0x0] =	vst.idx.msk $0xffff, v22  }
0xdc: {  	v23 =	vadd.s32 v13, v21;
	v22 =	vld [tilespmem:s21+$0x4450];
	_ =	sdelay $0x4  }
0xdd: {  	[tilespmem:v23+s13+$0x0] =	vst.idx.msk $0xffff, v22  }
0xde: {  	v23 =	vadd.s32 v14, v21;
	v22 =	vld [tilespmem:s21+$0x4460];
	_ =	sdelay $0x4  }
0xdf: {  	[tilespmem:v23+s13+$0x0] =	vst.idx.msk $0xffff, v22  }
.Ltmp7:
0xe0: {  	v23 =	vadd.s32 v15, v21;
	v22 =	vld [tilespmem:s21+$0x4470];
	(pc) =	sbr.rel @p2 .LBB2_8-.Ltmp7, $3  }
0xe1: {  	_ =	sdelay $0x1  }
0xe2: {  	s19 =	sadd.s32 $0x80, s19  }
0xe3: {  	s22 =	sand.u32 $0x380, s19;
	s21 =	sand.u32 $0x3800, s20;
	s20 =	sadd.s32 $0x100, s20  }
0xe4: {  	_ =	sdelay $0x3  }
0xe5: {  	s19 =	sor.u32 s22, s21;
	[tilespmem:v23+s13+$0x0] =	vst.idx.msk $0xffff, v22;
	v21 =	vadd.s32 $0x1, v21  }
0xe6: {  	v22 =	vld [tilespmem:s19+$0x4000];
	v23 =	vadd.s32 v0, v21;
	_ =	sdelay $0x4  }
0xe7: {  	[tilespmem:v23+s13+$0x0] =	vst.idx.msk $0xffff, v22  }
0xe8: {  	v23 =	vadd.s32 v1, v21;
	v22 =	vld [tilespmem:s19+$0x4010];
	_ =	sdelay $0x4  }
0xe9: {  	[tilespmem:v23+s13+$0x0] =	vst.idx.msk $0xffff, v22  }
0xea: {  	v23 =	vadd.s32 v2, v21;
	v22 =	vld [tilespmem:s19+$0x4020];
	_ =	sdelay $0x4  }
0xeb: {  	[tilespmem:v23+s13+$0x0] =	vst.idx.msk $0xffff, v22  }
0xec: {  	v23 =	vadd.s32 v3, v21;
	v22 =	vld [tilespmem:s19+$0x4030];
	_ =	sdelay $0x4  }
0xed: {  	[tilespmem:v23+s13+$0x0] =	vst.idx.msk $0xffff, v22  }
0xee: {  	v23 =	vadd.s32 v4, v21;
	v22 =	vld [tilespmem:s19+$0x4040];
	_ =	sdelay $0x4  }
0xef: {  	[tilespmem:v23+s13+$0x0] =	vst.idx.msk $0xffff, v22  }
0xf0: {  	v23 =	vadd.s32 v5, v21;
	v22 =	vld [tilespmem:s19+$0x4050];
	_ =	sdelay $0x4  }
0xf1: {  	[tilespmem:v23+s13+$0x0] =	vst.idx.msk $0xffff, v22  }
0xf2: {  	v23 =	vadd.s32 v6, v21;
	v22 =	vld [tilespmem:s19+$0x4060];
	_ =	sdelay $0x4  }
0xf3: {  	[tilespmem:v23+s13+$0x0] =	vst.idx.msk $0xffff, v22  }
0xf4: {  	v23 =	vadd.s32 v7, v21;
	v22 =	vld [tilespmem:s19+$0x4070];
	_ =	sdelay $0x4  }
0xf5: {  	[tilespmem:v23+s13+$0x0] =	vst.idx.msk $0xffff, v22  }
0xf6: {  	v23 =	vadd.s32 v8, v21;
	v22 =	vld [tilespmem:s19+$0x4400];
	_ =	sdelay $0x4  }
0xf7: {  	[tilespmem:v23+s13+$0x0] =	vst.idx.msk $0xffff, v22  }
0xf8: {  	v23 =	vadd.s32 v9, v21;
	v22 =	vld [tilespmem:s19+$0x4410];
	_ =	sdelay $0x4  }
0xf9: {  	[tilespmem:v23+s13+$0x0] =	vst.idx.msk $0xffff, v22  }
0xfa: {  	v23 =	vadd.s32 v10, v21;
	v22 =	vld [tilespmem:s19+$0x4420];
	_ =	sdelay $0x4  }
0xfb: {  	[tilespmem:v23+s13+$0x0] =	vst.idx.msk $0xffff, v22  }
0xfc: {  	v23 =	vadd.s32 v11, v21;
	v22 =	vld [tilespmem:s19+$0x4430];
	_ =	sdelay $0x4  }
0xfd: {  	[tilespmem:v23+s13+$0x0] =	vst.idx.msk $0xffff, v22  }
0xfe: {  	v23 =	vadd.s32 v12, v21;
	v22 =	vld [tilespmem:s19+$0x4440];
	_ =	sdelay $0x4  }
0xff: {  	[tilespmem:v23+s13+$0x0] =	vst.idx.msk $0xffff, v22  }
0x100: {  	v23 =	vadd.s32 v13, v21;
	v22 =	vld [tilespmem:s19+$0x4450];
	_ =	sdelay $0x4  }
0x101: {  	[tilespmem:v23+s13+$0x0] =	vst.idx.msk $0xffff, v22  }
0x102: {  	v23 =	vadd.s32 v14, v21;
	v22 =	vld [tilespmem:s19+$0x4460];
	_ =	sdelay $0x4  }
0x103: {  	[tilespmem:v23+s13+$0x0] =	vst.idx.msk $0xffff, v22  }
0x104: {  	v21 =	vadd.s32 v15, v21;
	v22 =	vld [tilespmem:s19+$0x4470];
	_ =	sdelay $0x1  }
.Ltmp8:
0x105: {  	_ = 	snop;
	(pc) =	sbr.rel .LBB2_10-.Ltmp8, $4  }
0x106: {  	_ = 	snop  }
0x107: {  	s18 =	sshll.u32 s18, $0xC  }
0x108: {  	s18 =	sadd.s32 s5, s18;
	[tilespmem:v21+s13+$0x0] =	vst.idx.msk $0xffff, v22  }
0x109: {  	[hbm4b:s18+s3] =	stream.linear.scatter [tilespmem:s13], [sflag:$0x4], $0x8000, $0x38;
	[tilespmem:$0x19000] =	vst v63  }
.LBB2_11:
.Ltmp9:
0x10a: {  	(pc) =	sbr.rel @p1 .LBB2_15-.Ltmp9, $4  }
0x10b: {  	s17 =	simm.s32 @!p0 $0x3  }
0x10c: {  	_ =	swait.ge @!p0 [sflag:s17], $0x8000  }
0x10d: {  	[sflag:s17] =	ssyncset.done @!p0 $0x0  }
0x10e: {  	[sflag:s17] =	ssyncadd.s32 @!p0 $0xFFFF8000  }
0x10f: {  	v22 =	vimm.s32 $0x0  }
0x110: {  	v23 =	vadd.s32 v17, v22  }
0x111: {  	[tilespmem:s14], [sflag:$0x1] =	stream.linear.gather [hbm4b:s2+s3], $0x1000, $0x38;
	[tilespmem:$0x19000] =	vst v63  }
0x112: {  	_ =	swait.ge [sflag:s15], $0x1000  }
0x113: {  	[sflag:s15] =	ssyncset.done $0x0  }
0x114: {  	v21 =	vlaneseq.u32;
	[sflag:s15] =	ssyncadd.s32 $0xFFFFF000  }
0x115: {  	v24 =	vadd.s32 v16, v22;
	v25 =	vadd.s32 v0, v21;
	v23 =	vld.idx.msk [tilespmem:v23+s14+$0x0], $0xffff  }
0x116: {  	v26 =	vadd.s32 v18, v24;
	_ =	sdelay $0x3  }
0x117: {  	[tilespmem:v25+s12+$0x0] =	vst.idx.msk $0xffff, v23  }
0x118: {  	v25 =	vadd.s32 v1, v21;
	v23 =	vld.idx.msk [tilespmem:v26+s14+$0x0], $0xffff  }
0x119: {  	v26 =	vadd.s32 v19, v24;
	_ =	sdelay $0x3  }
0x11a: {  	[tilespmem:v25+s12+$0x0] =	vst.idx.msk $0xffff, v23  }
0x11b: {  	v25 =	vadd.s32 v2, v21;
	v23 =	vld.idx.msk [tilespmem:v26+s14+$0x0], $0xffff  }
0x11c: {  	v24 =	vadd.s32 v20, v24;
	_ =	sdelay $0x3  }
0x11d: {  	[tilespmem:v25+s12+$0x0] =	vst.idx.msk $0xffff, v23  }
0x11e: {  	v22 =	vadd.s32 $0x1, v22;
	v23 =	vld.idx.msk [tilespmem:v24+s14+$0x0], $0xffff;
	v24 =	vadd.s32 v3, v21  }
0x11f: {  	s17 =	simm.s32 $0x3E;
	v25 =	vadd.s32 v17, v22  }
.LBB2_13:
0x120: {  	p2 =	sne.s32 s17, $0x1;
	_ =	sdelay $0x2  }
0x121: {  	[tilespmem:v24+s12+$0x0] =	vst.idx.msk $0xffff, v23  }
0x122: {  	v21 =	vadd.s32 $0x1, v21;
	v23 =	vld.idx.msk [tilespmem:v25+s14+$0x0], $0xffff  }
0x123: {  	v24 =	vadd.s32 v16, v22;
	v25 =	vadd.s32 v0, v21  }
0x124: {  	v26 =	vadd.s32 v18, v24;
	_ =	sdelay $0x3  }
0x125: {  	[tilespmem:v25+s12+$0x0] =	vst.idx.msk $0xffff, v23  }
0x126: {  	v23 =	vld.idx.msk [tilespmem:v26+s14+$0x0], $0xffff  }
0x127: {  	v25 =	vadd.s32 v1, v21  }
0x128: {  	v26 =	vadd.s32 v19, v24;
	_ =	sdelay $0x3  }
0x129: {  	[tilespmem:v25+s12+$0x0] =	vst.idx.msk $0xffff, v23  }
0x12a: {  	v23 =	vld.idx.msk [tilespmem:v26+s14+$0x0], $0xffff  }
0x12b: {  	v25 =	vadd.s32 v2, v21  }
0x12c: {  	v24 =	vadd.s32 v20, v24;
	_ =	sdelay $0x2  }
.Ltmp10:
0x12d: {  	(pc) =	sbr.rel @p2 .LBB2_13-.Ltmp10, $4  }
0x12e: {  	[tilespmem:v25+s12+$0x0] =	vst.idx.msk $0xffff, v23  }
0x12f: {  	v23 =	vld.idx.msk [tilespmem:v24+s14+$0x0], $0xffff  }
0x130: {  	v22 =	vadd.s32 $0x1, v22;
	v24 =	vadd.s32 v3, v21  }
0x131: {  	s17 =	sadd.s32 $0xFFFFFFFF, s17;
	v25 =	vadd.s32 v17, v22  }
0x132: {  	_ =	sdelay $0x3  }
0x133: {  	v21 =	vadd.s32 $0x1, v21;
	[tilespmem:v24+s12+$0x0] =	vst.idx.msk $0xffff, v23  }
0x134: {  	v22 =	vadd.s32 v16, v22;
	v59 =	vadd.s32 v0, v21;
	v23 =	vld.idx.msk [tilespmem:v25+s14+$0x0], $0xffff  }
0x135: {  	v60 =	vadd.s32 v18, v22;
	_ =	sdelay $0x3  }
0x136: {  	[tilespmem:v59+s12+$0x0] =	vst.idx.msk $0xffff, v23  }
0x137: {  	v61 =	vadd.s32 v1, v21;
	v23 =	vld.idx.msk [tilespmem:v60+s14+$0x0], $0xffff  }
0x138: {  	v62 =	vadd.s32 v19, v22;
	_ =	sdelay $0x3  }
0x139: {  	[tilespmem:v61+s12+$0x0] =	vst.idx.msk $0xffff, v23  }
0x13a: {  	v63 =	vadd.s32 v2, v21;
	v23 =	vld.idx.msk [tilespmem:v62+s14+$0x0], $0xffff  }
0x13b: {  	v22 =	vadd.s32 v20, v22;
	_ =	sdelay $0x3  }
0x13c: {  	[tilespmem:v63+s12+$0x0] =	vst.idx.msk $0xffff, v23  }
0x13d: {  	v21 =	vadd.s32 v3, v21;
	v22 =	vld.idx.msk [tilespmem:v22+s14+$0x0], $0xffff;
	_ =	sdelay $0x4  }
.Ltmp11:
0x13e: {  	[tilespmem:v21+s12+$0x0] =	vst.idx.msk $0xffff, v22;
	(pc) =	sbr.rel .LBB2_15-.Ltmp11, $4  }
0x13f: {  	[hbm4b:s8+s3] =	stream.linear.scatter [tilespmem:s12], [sflag:$0x1], $0x2000, $0x38;
	[tilespmem:$0x19000] =	vst v63  }
0x140: {  	_ =	swait.ge [sflag:s15], $0x2000  }
0x141: {  	[sflag:s15] =	ssyncset.done $0x0  }
0x142: {  	[sflag:s15] =	ssyncadd.s32 $0xFFFFE000  }
.LBB2_16:
0x143: {  	_ =	sfence.sel $0x180000  }
0x144: {  	[bflag:$0x0] =	sbarrier.arrive $0xFFFF  }
0x145: {  	_ =	strace $0x90000047  }
0x146: {  	s0 =	sadd.s32 @!p0 $0x100000, s0;
	[bflag:$0x2] =	sbarrier.arrive $0xFFFF  }
0x147: {  	[sflag:s0] =	ssyncadd.tile.s32 @!p0 $0x1;
	_ =	shalt  }
.Lfunc_end2:
_tile_overlayer_lowered:
.L_overlay_start_2:
0x148: {  	(tag) =	ssettag $0x2  }
0x149: {  	s0 =	rddreg [dreg:$0x0];
	s2 =	stileid.u32  }
0x14a: {  	s1 =	rddreg [dreg:$0x1];
	p0 =	sne.s32 s2, $0x0  }
0x14b: {  	s3 =	rddreg [dreg:$0x2];
	[bflag:$0x3] =	sbarrier.arrive $0xFFFF;
	s2 =	simm.s32 @!p0 $0x1C05  }
0x14c: {  	[timem:s3], [sflag:s2] =	dma.local @!p0 [hbm:s0], s1  }
0x14d: {  	s0 =	simm.s32 @!p0 $0x5  }
0x14e: {  	_ =	swait.ge @!p0 [sflag:s0], s1  }
0x14f: {  	s1 =	ssub.s32 @!p0 $0x0, s1;
	[sflag:s0] =	ssyncset.done @!p0 $0x0  }
0x150: {  	[sflag:s0] =	ssyncadd.s32 @!p0 s1  }
0x151: {  	[bflag:$0x3] =	sbarrier.arrive $0xFFFF  }
0x152: {  	_ =	shalt  }

// kernel: _embedding.7.cloned.1.call-start
scs
__scs_entry_jumppad:
0x0: {  	(pc) =	sbr.rel $0x88, $3  }
0x1: {  	(tag) =	ssettag $0x0;
	lr =	simm.s32 $0x1  }
0x2: {  	[smem:$0x3F9F] =	sst lr;
	_ =	strace $0xD0000000  }
0x3: {  	_ = 	snop  }
0x4: {  	_ = 	snop  }
0x5: {  	_ = 	snop  }
0x6: {  	_ = 	snop  }
0x7: {  	_ = 	snop  }
__scs_overlays_trampoline_lowered:
0x8: {  	[smem:$0x3FAE] =	sst s0  }
0x9: {  	[smem:$0x3FAF] =	sst s1  }
0xa: {  	[smem:$0x3FB0] =	sst s2  }
0xb: {  	[smem:$0x3FB1] =	sst s3  }
0xc: {  	[smem:$0x3FB2] =	sst s4  }
0xd: {  	[smem:$0x3FB3] =	sst s5  }
0xe: {  	[smem:$0x3FB4] =	sst s6  }
0xf: {  	[smem:$0x3FB5] =	sst s7  }
0x10: {  	[smem:$0x3FB6] =	sst s8  }
0x11: {  	[smem:$0x3FB7] =	sst s9;
	s0 =	simm.s32 @!p0 $0x0  }
0x12: {  	s1 =	sld [smem:$0x3F9D];
	s0 =	simm.s32 @p0 $0x1  }
0x13: {  	[smem:$0x3FB8] =	sst s0;
	s0 =	simm.s32 @!p1 $0x0  }
0x14: {  	s2 =	sld [smem:$0x3F9C];
	s0 =	simm.s32 @p1 $0x1  }
0x15: {  	[smem:$0x3FB9] =	sst s0;
	s0 =	simm.s32 @!p2 $0x0  }
0x16: {  	s3 =	sld [smem:$0x3FDB];
	s0 =	simm.s32 @p2 $0x1  }
0x17: {  	s4 =	simm.s32 $0x1BF5;
	[smem:$0x3FBB] =	sst s0  }
0x18: {  	s0 =	sld [smem:$0x3F9E];
	_ =	swait.ge [sflag:s4], $0x0  }
0x19: {  	s7 =	sld [smem:$0x3F9F]  }
0x1a: {  	s8 =	sadd.s32 $0xFFFFE003, lr  }
0x1b: {  	s9 =	sadd.s32 $0xFFFFFEF7, lr;
	s5 =	simm.s32 $0xFFFFFFFF;
	p2 =	slt.u32 s8, $0xFFFFF086  }
0x1c: {  	p1 =	slt.u32 s9, $0xF7A;
	s5 =	simm.s32 @!p2 $0x0  }
0x1d: {  	s5 =	simm.s32 @p1 $0x1;
	p0 =	seq.s32 s7, s2  }
0x1e: {  	s7 =	smul.u32 @!p0 $0xF7A, s2;
	p2 =	seq.s32 @!p0 s5, $0x0  }
0x1f: {  	s9 =	smul.u32 $0xF7A, s1;
	s8 =	simm.s32 @!p0 $0x1BF5;
	p2 =	por !p2, p0  }
0x20: {  	[sflag:s8] =	ssyncset.s32 @!p0 $0xFFFFF086;
	s6 =	sadd.s32 @!p0 s3, s7;
	s7 =	simm.s32 @!p0 $0x108  }
0x21: {  	s3 =	sadd.s32 s3, s9;
	s6 =	sadd.s32 @!p0 $0x88, s6;
	s7 =	simm.s32 @p2 $0x1082  }
0x22: {  	[simem:s7], [sflag:s8] =	dma.local @!p0 [hbm:s6], $0xF7A  }
0x23: {  	s9 =	sor.u32 $0xD0000000, s2;
	s6 =	simm.s32 $0x108;
	_ =	swait.ge @!p0 [sflag:s8], $0x0  }
0x24: {  	s3 =	sadd.s32 $0x88, s3;
	s6 =	simm.s32 @!p1 $0x1082;
	[sflag:s4] =	ssyncset.s32 $0xFFFFF086  }
0x25: {  	[simem:s6], [sflag:s4] =	dma.local [hbm:s3], $0xF7A  }
0x26: {  	[smem:$0x3F9F] =	sst s1;
	(tag) =	ssettag s2;
	_ =	strace s9  }
0x27: {  	s1 =	sld [smem:$0x3FAF]  }
0x28: {  	s2 =	sld [smem:$0x3FB0]  }
0x29: {  	s4 =	sld [smem:$0x3FB2]  }
0x2a: {  	p0 =	seq.s32 s5, $0x0;
	s5 =	sld [smem:$0x3FB3]  }
0x2b: {  	s6 =	sld [smem:$0x3FB4]  }
0x2c: {  	s7 =	sld [smem:$0x3FB5]  }
0x2d: {  	s3 =	simm.s32 $0x108;
	s8 =	sld [smem:$0x3FB6]  }
0x2e: {  	s3 =	simm.s32 @!p0 $0x1082;
	s9 =	sld [smem:$0x3FB7]  }
0x2f: {  	lr =	sadd.s32 s0, s3;
	s0 =	sld [smem:$0x3FAE]  }
0x30: {  	s3 =	sld [smem:$0x3FB1]  }
0x31: {  	[smem:$0x3FBA] =	sst s10  }
0x32: {  	s10 =	sld [smem:$0x3FB8];
	_ =	sdelay $0x3  }
0x33: {  	p0 =	seq.s32 s10, $0x1;
	s10 =	sld [smem:$0x3FBA];
	_ =	sdelay $0x3  }
0x34: {  	[smem:$0x3FBA] =	sst s10  }
0x35: {  	s10 =	sld [smem:$0x3FB9];
	_ =	sdelay $0x3  }
0x36: {  	p1 =	seq.s32 s10, $0x1;
	s10 =	sld [smem:$0x3FBA];
	_ =	sdelay $0x3  }
0x37: {  	[smem:$0x3FBA] =	sst s10  }
0x38: {  	s10 =	sld [smem:$0x3FBB]  }
0x39: {  	_ = 	snop;
	(pc) =	sbr.ind lr, $3  }
0x3a: {  	_ = 	snop  }
0x3b: {  	_ = 	snop  }
0x3c: {  	p2 =	seq.s32 s10, $0x1;
	s10 =	sld [smem:$0x3FBA]  }
0x3d: {  	_ =	shalt  }
0x3e: {  	_ =	shalt  }
0x3f: {  	_ =	shalt  }
0x40: {  	_ =	shalt  }
0x41: {  	_ =	shalt  }
0x42: {  	_ =	shalt  }
0x43: {  	_ =	shalt  }
0x44: {  	_ =	shalt  }
0x45: {  	_ =	shalt  }
0x46: {  	_ =	shalt  }
0x47: {  	_ =	shalt  }
0x48: {  	_ =	shalt  }
0x49: {  	_ =	shalt  }
0x4a: {  	_ =	shalt  }
0x4b: {  	_ =	shalt  }
0x4c: {  	_ =	shalt  }
0x4d: {  	_ =	shalt  }
0x4e: {  	_ =	shalt  }
0x4f: {  	_ =	shalt  }
0x50: {  	_ =	shalt  }
0x51: {  	_ =	shalt  }
0x52: {  	_ =	shalt  }
0x53: {  	_ =	shalt  }
0x54: {  	_ =	shalt  }
0x55: {  	_ =	shalt  }
0x56: {  	_ =	shalt  }
0x57: {  	_ =	shalt  }
0x58: {  	_ =	shalt  }
0x59: {  	_ =	shalt  }
0x5a: {  	_ =	shalt  }
0x5b: {  	_ =	shalt  }
0x5c: {  	_ =	shalt  }
0x5d: {  	_ =	shalt  }
0x5e: {  	_ =	shalt  }
0x5f: {  	_ =	shalt  }
0x60: {  	_ =	shalt  }
0x61: {  	_ =	shalt  }
0x62: {  	_ =	shalt  }
0x63: {  	_ =	shalt  }
0x64: {  	_ =	shalt  }
0x65: {  	_ =	shalt  }
0x66: {  	_ =	shalt  }
0x67: {  	_ =	shalt  }
0x68: {  	_ =	shalt  }
0x69: {  	_ =	shalt  }
0x6a: {  	_ =	shalt  }
0x6b: {  	_ =	shalt  }
0x6c: {  	_ =	shalt  }
0x6d: {  	_ =	shalt  }
0x6e: {  	_ =	shalt  }
0x6f: {  	_ =	shalt  }
0x70: {  	_ =	shalt  }
0x71: {  	_ =	shalt  }
0x72: {  	_ =	shalt  }
0x73: {  	_ =	shalt  }
0x74: {  	_ =	shalt  }
0x75: {  	_ =	shalt  }
0x76: {  	_ =	shalt  }
0x77: {  	_ =	shalt  }
0x78: {  	_ =	shalt  }
0x79: {  	_ =	shalt  }
0x7a: {  	_ =	shalt  }
0x7b: {  	_ =	shalt  }
0x7c: {  	_ =	shalt  }
0x7d: {  	_ =	shalt  }
0x7e: {  	_ =	shalt  }
0x7f: {  	_ =	shalt  }
0x80: {  	_ =	shalt  }
0x81: {  	_ =	shalt  }
0x82: {  	_ =	shalt  }
0x83: {  	_ =	shalt  }
0x84: {  	_ =	shalt  }
0x85: {  	_ =	shalt  }
0x86: {  	_ =	shalt  }
0x87: {  	_ =	shalt  }
.Lfunc_end0:
.L_simem_size_0:
called_computation.1_lowered:
.L_overlay_start_0:
0x88: {  	s2 =	sld [smem:$0x3FD9]  }
0x89: {  	s3 =	sld [smem:$0x3FFE];
	_ =	sdelay $0x1  }
0x8a: {  	s1 =	srdreg.scid  }
0x8b: {  	s0 =	sand.u32 $0x1, s1  }
0x8c: {  	s17 =	sshll.u32 s0, $0xA;
	s2 =	sadd.s32 s3, s2  }
0x8d: {  	s2 =	sadd.s32 s2, s17  }
0x8e: {  	[smem:$0x3FC6] =	sst s2  }
0x8f: {  	_ = 	snop  }
0x90: {  	s2 =	sld [smem:$0x3FC9]  }
0x91: {  	s18 =	sld [smem:$0x3FD0];
	(tm) =	ssettm $0x1  }
0x92: {  	s4 =	sld [smem:$0x3FFB];
	_ =	sdelay $0x3  }
0x93: {  	_ =	strace s4  }
0x94: {  	s4 =	sld [smem:$0x3FFC];
	_ =	sdelay $0x3  }
0x95: {  	_ =	strace s4  }
0x96: {  	s4 =	sld [smem:$0x3FFD];
	_ =	sdelay $0x3  }
0x97: {  	_ =	strace s4  }
0x98: {  	_ =	strace $0x8FFFFFFF  }
0x99: {  	s19 =	sld [smem:$0x3FDB];
	_ =	sdelay $0x1  }
0x9a: {  	s5 =	simm.s32 $_scs_section_size  }
0x9b: {  	s6 =	simm.s32 $_size__tile_overlayer_lowered;
	s7 =	simm.s32 $_tile_overlayer_lowered  }
0x9c: {  	s22 =	simm.s32 $0x1BFF;
	s21 =	sshll.u32 s7, $0x1;
	s4 =	sadd.s32 s5, s19  }
0x9d: {  	s8 =	simm.s32 $0x0;
	s20 =	sshll.u32 s6, $0x1;
	s6 =	sadd.s32 s21, s4  }
0x9e: {  	[timem:s8], [sflag:s22] =	dma.local [hbm:s6], s20  }
0x9f: {  	_ =	swait.ge [sflag:s22], s20  }
0xa0: {  	s5 =	ssub.s32 $0x0, s20;
	[sflag:s22] =	ssyncset.done $0x0  }
0xa1: {  	[sflag:s22] =	ssyncadd.s32 s5;
	_ =	sdelay $0x1  }
0xa2: {  	s23 =	simm.s32 $0x1B8B  }
0xa3: {  	_ =	swait.ge [sflag:s23], $0x1  }
0xa4: {  	[sflag:s23] =	ssyncset.done $0x0  }
0xa5: {  	s25 =	simm.s32 $0x1B8E;
	s24 =	sld [smem:$0x3FFE];
	[sflag:s23] =	ssyncadd.s32 $0xFFFFFFFF  }
0xa6: {  	s26 =	simm.s32 $execute0_lowered;
	[smem:$0x3FD2] =	sst s25  }
0xa7: {  	s6 =	sshll.u32 s26, $0x1;
	_ =	strace $0x80000049;
	[dreg:$0x1] =	wrdreg $0xFFFFFFFF  }
0xa8: {  	s28 =	simm.s32 $_size_execute0_lowered;
	s4 =	sadd.s32 s4, s6;
	[dreg:$0x0] =	wrdreg $0x0  }
0xa9: {  	s6 =	sshll.u32 s28, $0x1;
	[dreg:$0x2] =	wrdreg s4  }
0xaa: {  	[dreg:$0x3] =	wrdreg s6  }
0xab: {  	[dreg:$0x4] =	wrdreg $0xC0  }
0xac: {  	_ =	task [dreg:s8], $0x5FFFF  }
0xad: {  	[dreg:$0x1] =	wrdreg $0xFFFFFFFF  }
0xae: {  	[dreg:$0x0] =	wrdreg $0x60  }
0xaf: {  	[dreg:$0x2] =	wrdreg s2  }
0xb0: {  	[dreg:$0x3] =	wrdreg s24  }
0xb1: {  	[dreg:$0x4] =	wrdreg s18  }
0xb2: {  	[dreg:$0x5] =	wrdreg $0x9  }
0xb3: {  	_ =	task.clear_ibuf [dreg:s8], $0x6FFFF;
	_ =	strace $0x90000049  }
0xb4: {  	s29 =	simm.s32 $0x9;
	_ =	strace $0x8000004B  }
0xb5: {  	_ =	swait.ge [sflag:s29], $0x1  }
0xb6: {  	[sflag:s29] =	ssyncadd.s32 $0xFFFFFFFF  }
0xb7: {  	_ =	strace $0x9000004B  }
0xb8: {  	_ =	sfence  }
0xb9: {  	s30 =	sld [smem:$0x0];
	_ =	sdelay $0x2  }
0xba: {  	s31 =	sshll.u32 s1, $0xD;
	s1 =	sshrl.u32 s1, $0x2  }
0xbb: {  	s3 =	sand.u32 $0x4000, s31;
	s1 =	sadd.s32 s1, s30  }
0xbc: {  	s0 =	sor.u32 s3, s0;
	s1 =	sshll.u32 s1, $0x11  }
0xbd: {  	s0 =	sor.u32 s1, s0  }
0xbe: {  	s0 =	sadd.s32 $0x8F2B, s0  }
0xbf: {  	[sflag:s0] =	ssyncadd.remote.s32 $0x1  }
0xc0: {  	_ =	sfence.sel $0xFFFF  }
0xc1: {  	[dreg:$0x0] =	wrdreg $0xFFFFFFFF;
	(pc) =	sbr.abs _section_cstart, $3  }
0xc2: {  	[dreg:$0x1] =	wrdreg $0xFFFFFFFF  }
0xc3: {  	_ =	task.clear_ibuf [dreg:s8], $0x2FFFF;
	_ =	strace $0x9FFFFFFF  }
0xc4: {  	(tm) =	ssettm $0x7FFFFFFF  }
0xc5: {  	_ =	shalt  }
tec
execute0_lowered:
.L_overlay_start_1:
0x0: {  	(tag) =	ssettag $0x1  }
0x1: {  	s0 =	rddreg [dreg:$0x0]  }
0x2: {  	s2 =	rddreg [dreg:$0x1]  }
0x3: {  	s1 =	rddreg [dreg:$0x2];
	s4 =	simm.s32 $0x0;
	s3 =	srdreg.scid  }
0x4: {  	s30 =	stileid.u32;
	s8 =	simm.s32 $0x400;
	s9 =	simm.s32 $0x8000  }
0x5: {  	s10 =	simm.s32 $0x1;
	s11 =	simm.s32 $0x80;
	s12 =	simm.s32 $0x6400  }
0x6: {  	s13 =	simm.s32 $0xA400;
	s14 =	simm.s32 $0xE400;
	s15 =	simm.s32 $0x12400  }
0x7: {  	s16 =	simm.s32 $0x16400;
	s17 =	simm.s32 $0x18400;
	s18 =	simm.s32 $0x2  }
0x8: {  	v0 =	vlaneseq.u32;
	s19 =	simm.s32 $0x1A400;
	s20 =	simm.s32 $0x1C400;
	s21 =	simm.s32 $0x3  }
0x9: {  	s22 =	simm.s32 $0x4;
	[smem:$0x7FF] =	sst s4;
	s3 =	sand.u32 $0x1, s3;
	v0 =	vmul.u32 $0x80, v0  }
0xa: {  	s4 =	sshll.u32 s30, $0xB;
	s6 =	ssub.s32 $0x2, s3;
	s3 =	sshll.u32 s3, $0xA  }
0xb: {  	s23 =	simm.s32 $0x0;
	s7 =	sshrl.u32 s6, $0x1;
	s4 =	sor.u32 s3, s4;
	v1 =	vor.u32 $0x800, v0  }
0xc: {  	s5 =	sadd.s32 $0x800, s2;
	v2 =	vor.u32 $0x1000, v0;
	v3 =	vor.u32 $0x1800, v0;
	v4 =	vor.u32 $0x2000, v0;
	s31 =	ssub.s32 s6, s7;
	s3 =	sshrl.u32 s4, $0x3  }
0xd: {  	_ =	strace $0x8000004A;
	v5 =	vor.u32 $0x2800, v0;
	v6 =	vor.u32 $0x3000, v0;
	v7 =	vor.u32 $0x3800, v0;
	s6 =	sadd.s32 s0, s3;
	s7 =	smax.u32 s31, $0x1  }
.LBB2_1:
0xe: {  	s0 =	simm.s32 $0x0  }
0xf: {  	[tilespmem:s0], [sflag:$0x1] =	stream.strided.gather [hbm4b:s6+s8], $0x6400, s9, s8, $0x38;
	[tilespmem:$0x1E400] =	vst v63  }
0x10: {  	_ =	swait.ge [sflag:s10], $0x6400  }
0x11: {  	[sflag:s10] =	ssyncset.done $0x0  }
0x12: {  	[sflag:s10] =	ssyncadd.s32 $0xFFFF9C00  }
0x13: {  	[tilespmem:s12], [sflag:$0x1] =	stream.indirect.gather [hbm4b:s5+s11], $0x80, s0, s11, $0xb8;
	[tilespmem:$0x1E400] =	vst v63  }
0x14: {  	s24 =	simm.s32 $0x0  }
0x15: {  	[tilespmem:s13], [sflag:$0x1] =	stream.indirect.gather [hbm4b:s5+s11], $0x80, s11, s11, $0xb8;
	[tilespmem:$0x1E400] =	vst v63  }
.LBB2_2:
0x16: {  	s31 =	sshll.u32 s24, $0x2  }
0x17: {  	s28 =	sor.u32 $0x2, s31  }
0x18: {  	s25 =	sshllo.u32 s24, $0x2;
	s0 =	sshll.u32 s28, $0x7  }
0x19: {  	s26 =	sshll.u32 s25, $0x7;
	s29 =	sand.u32 $0x3FFFFF00, s0  }
0x1a: {  	[tilespmem:s14], [sflag:$0x2] =	stream.indirect.gather [hbm4b:s5+s11], $0x80, s29, s11, $0xb8;
	[tilespmem:$0x1E400] =	vst v63  }
0x1b: {  	s26 =	sand.u32 $0x3FFFFF80, s26  }
0x1c: {  	[tilespmem:s15], [sflag:$0x2] =	stream.indirect.gather [hbm4b:s5+s11], $0x80, s26, s11, $0xb8;
	[tilespmem:$0x1E400] =	vst v63  }
0x1d: {  	_ =	swait.ge [sflag:s10], $0x4000  }
0x1e: {  	[sflag:s10] =	ssyncset.done $0x0  }
0x1f: {  	[sflag:s10] =	ssyncadd.s32 $0xFFFFC000  }
0x20: {  	_ =	swait.ge [sflag:s10], $0x4000  }
0x21: {  	p0 =	seq.s32 s24, $0x0;
	[sflag:s10] =	ssyncset.done $0x0  }
0x22: {  	s0 =	simm.s32 @!p0 $0x3;
	[sflag:s10] =	ssyncadd.s32 $0xFFFFC000  }
0x23: {  	_ =	swait.ge @!p0 [sflag:s0], $0x2000  }
0x24: {  	[sflag:s0] =	ssyncset.done @!p0 $0x0  }
0x25: {  	[sflag:s0] =	ssyncadd.s32 @!p0 $0xFFFFE000  }
0x26: {  	_ =	swait.ge @!p0 [sflag:s0], $0x2000  }
0x27: {  	s2 =	sshll.u32 s24, $0x9;
	[sflag:s0] =	ssyncset.done @!p0 $0x0  }
0x28: {  	s30 =	sand.u32 $0x3FFFFE00, s2;
	[sflag:s0] =	ssyncadd.s32 @!p0 $0xFFFFE000  }
0x29: {  	v8 =	vld [tilespmem:s30+$0x0];
	_ =	sdelay $0x4  }
0x2a: {  	v15 =	vand.u32 $0xF, v8  }
0x2b: {  	v8 =	vld [tilespmem:s30+$0x10];
	v9 =	vadd.s32 v0, v15;
	_ =	sdelay $0x3  }
0x2c: {  	v10 =	vld [tilespmem:s30+$0x20]  }
0x2d: {  	v8 =	vand.u32 $0xF, v8;
	v9 =	vld.idx.msk [tilespmem:v9+s12+$0x0], $0xffff  }
0x2e: {  	v11 =	vld [tilespmem:s30+$0x30];
	v13 =	vadd.s32 v1, v8  }
0x2f: {  	v12 =	vld [tilespmem:s30+$0x40]  }
0x30: {  	v14 =	vld [tilespmem:s30+$0x50]  }
0x31: {  	s0 =	simm.s32 $0x0;
	v16 =	vld [tilespmem:s30+$0x60]  }
0x32: {  	v17 =	vld [tilespmem:s30+$0x70];
	[tilespmem:s0+$0x16400] =	vst v9  }
0x33: {  	v9 =	vand.u32 $0xF, v10;
	v10 =	vld.idx.msk [tilespmem:v13+s12+$0x0], $0xffff  }
0x34: {  	v13 =	vadd.s32 v2, v9;
	_ =	sdelay $0x3  }
0x35: {  	[tilespmem:s0+$0x16410] =	vst v10  }
0x36: {  	v10 =	vand.u32 $0xF, v11;
	v11 =	vld.idx.msk [tilespmem:v13+s12+$0x0], $0xffff  }
0x37: {  	v13 =	vadd.s32 v3, v10;
	_ =	sdelay $0x3  }
0x38: {  	[tilespmem:s0+$0x16420] =	vst v11  }
0x39: {  	v11 =	vand.u32 $0xF, v12;
	v12 =	vld.idx.msk [tilespmem:v13+s12+$0x0], $0xffff  }
0x3a: {  	v13 =	vadd.s32 v4, v11;
	_ =	sdelay $0x3  }
0x3b: {  	[tilespmem:s0+$0x16430] =	vst v12  }
0x3c: {  	v12 =	vand.u32 $0xF, v14;
	v13 =	vld.idx.msk [tilespmem:v13+s12+$0x0], $0xffff  }
0x3d: {  	v14 =	vadd.s32 v5, v12;
	_ =	sdelay $0x3  }
0x3e: {  	[tilespmem:s0+$0x16440] =	vst v13  }
0x3f: {  	v13 =	vand.u32 $0xF, v16;
	v14 =	vld.idx.msk [tilespmem:v14+s12+$0x0], $0xffff  }
0x40: {  	v16 =	vadd.s32 v6, v13;
	_ =	sdelay $0x3  }
0x41: {  	[tilespmem:s0+$0x16450] =	vst v14  }
0x42: {  	v14 =	vand.u32 $0xF, v17;
	v16 =	vld.idx.msk [tilespmem:v16+s12+$0x0], $0xffff  }
0x43: {  	v17 =	vadd.s32 v7, v14;
	_ =	sdelay $0x3  }
0x44: {  	[tilespmem:s0+$0x16460] =	vst v16  }
0x45: {  	v15 =	vadd.s32 $0x1, v15;
	v16 =	vld.idx.msk [tilespmem:v17+s12+$0x0], $0xffff  }
0x46: {  	s3 =	simm.s32 $0x400;
	s2 =	simm.s32 $0x200;
	v17 =	vadd.s32 v0, v15  }
.LBB2_3:
0x47: {  	p1 =	sne.s32 s3, $0x7E00;
	_ =	sdelay $0x2  }
0x48: {  	[tilespmem:s0+$0x16470] =	vst v16  }
0x49: {  	v16 =	vld.idx.msk [tilespmem:v17+s12+$0x0], $0xffff  }
0x4a: {  	v8 =	vadd.s32 $0x1, v8  }
0x4b: {  	v17 =	vadd.s32 v1, v8;
	_ =	sdelay $0x2  }
0x4c: {  	s0 =	sshra.s32 s2, $0x2;
	s2 =	smov.u32 s3  }
0x4d: {  	[tilespmem:s0+$0x16400] =	vst v16  }
0x4e: {  	v16 =	vld.idx.msk [tilespmem:v17+s12+$0x0], $0xffff  }
0x4f: {  	v9 =	vadd.s32 $0x1, v9  }
0x50: {  	v17 =	vadd.s32 v2, v9;
	_ =	sdelay $0x3  }
0x51: {  	[tilespmem:s0+$0x16410] =	vst v16  }
0x52: {  	v16 =	vld.idx.msk [tilespmem:v17+s12+$0x0], $0xffff  }
0x53: {  	v10 =	vadd.s32 $0x1, v10  }
0x54: {  	v17 =	vadd.s32 v3, v10;
	_ =	sdelay $0x3  }
0x55: {  	[tilespmem:s0+$0x16420] =	vst v16  }
0x56: {  	v16 =	vld.idx.msk [tilespmem:v17+s12+$0x0], $0xffff  }
0x57: {  	v11 =	vadd.s32 $0x1, v11  }
0x58: {  	v17 =	vadd.s32 v4, v11;
	_ =	sdelay $0x3  }
0x59: {  	[tilespmem:s0+$0x16430] =	vst v16  }
0x5a: {  	v16 =	vld.idx.msk [tilespmem:v17+s12+$0x0], $0xffff  }
0x5b: {  	v12 =	vadd.s32 $0x1, v12  }
0x5c: {  	v17 =	vadd.s32 v5, v12;
	_ =	sdelay $0x3  }
0x5d: {  	[tilespmem:s0+$0x16440] =	vst v16  }
0x5e: {  	v16 =	vld.idx.msk [tilespmem:v17+s12+$0x0], $0xffff  }
0x5f: {  	v13 =	vadd.s32 $0x1, v13  }
0x60: {  	v17 =	vadd.s32 v6, v13;
	_ =	sdelay $0x3  }
0x61: {  	[tilespmem:s0+$0x16450] =	vst v16  }
0x62: {  	v16 =	vld.idx.msk [tilespmem:v17+s12+$0x0], $0xffff  }
0x63: {  	v14 =	vadd.s32 $0x1, v14  }
0x64: {  	v17 =	vadd.s32 v7, v14;
	_ =	sdelay $0x2  }
.Ltmp0:
0x65: {  	(pc) =	sbr.rel @p1 .LBB2_3-.Ltmp0, $4  }
0x66: {  	[tilespmem:s0+$0x16460] =	vst v16  }
0x67: {  	v16 =	vld.idx.msk [tilespmem:v17+s12+$0x0], $0xffff  }
0x68: {  	v15 =	vadd.s32 $0x1, v15  }
0x69: {  	s3 =	sadd.s32 $0x200, s3;
	v17 =	vadd.s32 v0, v15  }
0x6a: {  	_ =	sdelay $0x2  }
0x6b: {  	[tilespmem:s0+$0x16470] =	vst v16  }
0x6c: {  	v8 =	vadd.s32 $0x1, v8;
	v15 =	vld.idx.msk [tilespmem:v17+s12+$0x0], $0xffff  }
0x6d: {  	v8 =	vadd.s32 v1, v8;
	_ =	sdelay $0x2  }
0x6e: {  	s0 =	sshra.s32 s2, $0x2  }
0x6f: {  	[tilespmem:s0+$0x16400] =	vst v15  }
0x70: {  	v9 =	vadd.s32 $0x1, v9;
	v8 =	vld.idx.msk [tilespmem:v8+s12+$0x0], $0xffff  }
0x71: {  	v9 =	vadd.s32 v2, v9;
	_ =	sdelay $0x3  }
0x72: {  	[tilespmem:s0+$0x16410] =	vst v8  }
0x73: {  	v8 =	vld.idx.msk [tilespmem:v9+s12+$0x0], $0xffff;
	v9 =	vadd.s32 $0x1, v10  }
0x74: {  	v9 =	vadd.s32 v3, v9;
	_ =	sdelay $0x3  }
0x75: {  	[tilespmem:s0+$0x16420] =	vst v8  }
0x76: {  	v8 =	vld.idx.msk [tilespmem:v9+s12+$0x0], $0xffff;
	v9 =	vadd.s32 $0x1, v11  }
0x77: {  	v9 =	vadd.s32 v4, v9;
	_ =	sdelay $0x3  }
0x78: {  	[tilespmem:s0+$0x16430] =	vst v8  }
0x79: {  	v8 =	vld.idx.msk [tilespmem:v9+s12+$0x0], $0xffff;
	v9 =	vadd.s32 $0x1, v12  }
0x7a: {  	v9 =	vadd.s32 v5, v9;
	_ =	sdelay $0x3  }
0x7b: {  	[tilespmem:s0+$0x16440] =	vst v8  }
0x7c: {  	v8 =	vld.idx.msk [tilespmem:v9+s12+$0x0], $0xffff;
	v9 =	vadd.s32 $0x1, v13  }
0x7d: {  	v9 =	vadd.s32 v6, v9;
	_ =	sdelay $0x3  }
0x7e: {  	[tilespmem:s0+$0x16450] =	vst v8  }
0x7f: {  	v8 =	vld.idx.msk [tilespmem:v9+s12+$0x0], $0xffff;
	v9 =	vadd.s32 $0x1, v14  }
0x80: {  	v9 =	vadd.s32 v7, v9;
	_ =	sdelay $0x3  }
0x81: {  	[tilespmem:s0+$0x16460] =	vst v8  }
0x82: {  	v8 =	vld.idx.msk [tilespmem:v9+s12+$0x0], $0xffff;
	_ =	sdelay $0x1  }
0x83: {  	s3 =	sshll.u32 s24, $0x14  }
0x84: {  	s31 =	sor.u32 $0x1, s31;
	s2 =	sor.u32 s4, s3  }
0x85: {  	s3 =	sshll.u32 s31, $0x7;
	s2 =	sshrl.u32 s2, $0x3  }
0x86: {  	s2 =	sadd.s32 s1, s2;
	[tilespmem:s0+$0x16470] =	vst v8;
	s0 =	sand.u32 $0x3FFFFF80, s3  }
0x87: {  	[hbm4b:s2+s8] =	stream.strided.scatter [tilespmem:s16], [sflag:$0x3], $0x2000, s9, s8, $0x38;
	[tilespmem:$0x1E400] =	vst v63  }
0x88: {  	v8 =	vld [tilespmem:s0+$0x0];
	_ =	sdelay $0x4  }
0x89: {  	v15 =	vand.u32 $0xF, v8  }
0x8a: {  	v8 =	vld [tilespmem:s0+$0x10];
	v9 =	vadd.s32 v0, v15;
	_ =	sdelay $0x2  }
0x8b: {  	v10 =	vld [tilespmem:s0+$0x20]  }
0x8c: {  	v11 =	vld [tilespmem:s0+$0x30]  }
0x8d: {  	v8 =	vand.u32 $0xF, v8;
	v9 =	vld.idx.msk [tilespmem:v9+s13+$0x0], $0xffff  }
0x8e: {  	v12 =	vld [tilespmem:s0+$0x40];
	v13 =	vadd.s32 v1, v8  }
0x8f: {  	v14 =	vld [tilespmem:s0+$0x50]  }
0x90: {  	v16 =	vld [tilespmem:s0+$0x60]  }
0x91: {  	v17 =	vld [tilespmem:s0+$0x70];
	s0 =	simm.s32 $0x0  }
0x92: {  	[tilespmem:s0+$0x18400] =	vst v9  }
0x93: {  	v9 =	vand.u32 $0xF, v10;
	v10 =	vld.idx.msk [tilespmem:v13+s13+$0x0], $0xffff  }
0x94: {  	v13 =	vadd.s32 v2, v9;
	_ =	sdelay $0x3  }
0x95: {  	[tilespmem:s0+$0x18410] =	vst v10  }
0x96: {  	v10 =	vand.u32 $0xF, v11;
	v11 =	vld.idx.msk [tilespmem:v13+s13+$0x0], $0xffff  }
0x97: {  	v13 =	vadd.s32 v3, v10;
	_ =	sdelay $0x3  }
0x98: {  	[tilespmem:s0+$0x18420] =	vst v11  }
0x99: {  	v11 =	vand.u32 $0xF, v12;
	v12 =	vld.idx.msk [tilespmem:v13+s13+$0x0], $0xffff  }
0x9a: {  	v13 =	vadd.s32 v4, v11;
	_ =	sdelay $0x3  }
0x9b: {  	[tilespmem:s0+$0x18430] =	vst v12  }
0x9c: {  	v12 =	vand.u32 $0xF, v14;
	v13 =	vld.idx.msk [tilespmem:v13+s13+$0x0], $0xffff  }
0x9d: {  	v14 =	vadd.s32 v5, v12;
	_ =	sdelay $0x3  }
0x9e: {  	[tilespmem:s0+$0x18440] =	vst v13  }
0x9f: {  	v13 =	vand.u32 $0xF, v16;
	v14 =	vld.idx.msk [tilespmem:v14+s13+$0x0], $0xffff  }
0xa0: {  	v16 =	vadd.s32 v6, v13;
	_ =	sdelay $0x3  }
0xa1: {  	[tilespmem:s0+$0x18450] =	vst v14  }
0xa2: {  	v14 =	vand.u32 $0xF, v17;
	v16 =	vld.idx.msk [tilespmem:v16+s13+$0x0], $0xffff  }
0xa3: {  	v17 =	vadd.s32 v7, v14;
	_ =	sdelay $0x3  }
0xa4: {  	[tilespmem:s0+$0x18460] =	vst v16  }
0xa5: {  	v15 =	vadd.s32 $0x1, v15;
	v16 =	vld.idx.msk [tilespmem:v17+s13+$0x0], $0xffff  }
0xa6: {  	s3 =	simm.s32 $0x400;
	s2 =	simm.s32 $0x200;
	v17 =	vadd.s32 v0, v15  }
.LBB2_5:
0xa7: {  	p1 =	sne.s32 s3, $0x7E00;
	_ =	sdelay $0x2  }
0xa8: {  	[tilespmem:s0+$0x18470] =	vst v16  }
0xa9: {  	v16 =	vld.idx.msk [tilespmem:v17+s13+$0x0], $0xffff  }
0xaa: {  	v8 =	vadd.s32 $0x1, v8  }
0xab: {  	v17 =	vadd.s32 v1, v8;
	_ =	sdelay $0x2  }
0xac: {  	s0 =	sshra.s32 s2, $0x2;
	s2 =	smov.u32 s3  }
0xad: {  	[tilespmem:s0+$0x18400] =	vst v16  }
0xae: {  	v16 =	vld.idx.msk [tilespmem:v17+s13+$0x0], $0xffff  }
0xaf: {  	v9 =	vadd.s32 $0x1, v9  }
0xb0: {  	v17 =	vadd.s32 v2, v9;
	_ =	sdelay $0x3  }
0xb1: {  	[tilespmem:s0+$0x18410] =	vst v16  }
0xb2: {  	v16 =	vld.idx.msk [tilespmem:v17+s13+$0x0], $0xffff  }
0xb3: {  	v10 =	vadd.s32 $0x1, v10  }
0xb4: {  	v17 =	vadd.s32 v3, v10;
	_ =	sdelay $0x3  }
0xb5: {  	[tilespmem:s0+$0x18420] =	vst v16  }
0xb6: {  	v16 =	vld.idx.msk [tilespmem:v17+s13+$0x0], $0xffff  }
0xb7: {  	v11 =	vadd.s32 $0x1, v11  }
0xb8: {  	v17 =	vadd.s32 v4, v11;
	_ =	sdelay $0x3  }
0xb9: {  	[tilespmem:s0+$0x18430] =	vst v16  }
0xba: {  	v16 =	vld.idx.msk [tilespmem:v17+s13+$0x0], $0xffff  }
0xbb: {  	v12 =	vadd.s32 $0x1, v12  }
0xbc: {  	v17 =	vadd.s32 v5, v12;
	_ =	sdelay $0x3  }
0xbd: {  	[tilespmem:s0+$0x18440] =	vst v16  }
0xbe: {  	v16 =	vld.idx.msk [tilespmem:v17+s13+$0x0], $0xffff  }
0xbf: {  	v13 =	vadd.s32 $0x1, v13  }
0xc0: {  	v17 =	vadd.s32 v6, v13;
	_ =	sdelay $0x3  }
0xc1: {  	[tilespmem:s0+$0x18450] =	vst v16  }
0xc2: {  	v16 =	vld.idx.msk [tilespmem:v17+s13+$0x0], $0xffff  }
0xc3: {  	v14 =	vadd.s32 $0x1, v14  }
0xc4: {  	v17 =	vadd.s32 v7, v14;
	_ =	sdelay $0x2  }
.Ltmp1:
0xc5: {  	(pc) =	sbr.rel @p1 .LBB2_5-.Ltmp1, $4  }
0xc6: {  	[tilespmem:s0+$0x18460] =	vst v16  }
0xc7: {  	v16 =	vld.idx.msk [tilespmem:v17+s13+$0x0], $0xffff  }
0xc8: {  	v15 =	vadd.s32 $0x1, v15  }
0xc9: {  	s3 =	sadd.s32 $0x200, s3;
	v17 =	vadd.s32 v0, v15  }
0xca: {  	_ =	sdelay $0x2  }
0xcb: {  	[tilespmem:s0+$0x18470] =	vst v16  }
0xcc: {  	v8 =	vadd.s32 $0x1, v8;
	v15 =	vld.idx.msk [tilespmem:v17+s13+$0x0], $0xffff  }
0xcd: {  	v8 =	vadd.s32 v1, v8;
	_ =	sdelay $0x2  }
0xce: {  	s0 =	sshra.s32 s2, $0x2  }
0xcf: {  	[tilespmem:s0+$0x18400] =	vst v15  }
0xd0: {  	v9 =	vadd.s32 $0x1, v9;
	v8 =	vld.idx.msk [tilespmem:v8+s13+$0x0], $0xffff  }
0xd1: {  	v9 =	vadd.s32 v2, v9;
	_ =	sdelay $0x3  }
0xd2: {  	[tilespmem:s0+$0x18410] =	vst v8  }
0xd3: {  	v8 =	vld.idx.msk [tilespmem:v9+s13+$0x0], $0xffff;
	v9 =	vadd.s32 $0x1, v10  }
0xd4: {  	v9 =	vadd.s32 v3, v9;
	_ =	sdelay $0x3  }
0xd5: {  	[tilespmem:s0+$0x18420] =	vst v8  }
0xd6: {  	v8 =	vld.idx.msk [tilespmem:v9+s13+$0x0], $0xffff;
	v9 =	vadd.s32 $0x1, v11  }
0xd7: {  	v9 =	vadd.s32 v4, v9;
	_ =	sdelay $0x3  }
0xd8: {  	[tilespmem:s0+$0x18430] =	vst v8  }
0xd9: {  	v8 =	vld.idx.msk [tilespmem:v9+s13+$0x0], $0xffff;
	v9 =	vadd.s32 $0x1, v12  }
0xda: {  	v9 =	vadd.s32 v5, v9;
	_ =	sdelay $0x3  }
0xdb: {  	[tilespmem:s0+$0x18440] =	vst v8  }
0xdc: {  	v8 =	vld.idx.msk [tilespmem:v9+s13+$0x0], $0xffff;
	v9 =	vadd.s32 $0x1, v13  }
0xdd: {  	v9 =	vadd.s32 v6, v9;
	_ =	sdelay $0x3  }
0xde: {  	[tilespmem:s0+$0x18450] =	vst v8  }
0xdf: {  	v8 =	vld.idx.msk [tilespmem:v9+s13+$0x0], $0xffff;
	v9 =	vadd.s32 $0x1, v14  }
0xe0: {  	v9 =	vadd.s32 v7, v9;
	_ =	sdelay $0x3  }
0xe1: {  	[tilespmem:s0+$0x18460] =	vst v8  }
0xe2: {  	v8 =	vld.idx.msk [tilespmem:v9+s13+$0x0], $0xffff;
	_ =	sdelay $0x1  }
0xe3: {  	s3 =	sshll.u32 s31, $0x12  }
0xe4: {  	s2 =	sor.u32 s4, s3  }
0xe5: {  	s2 =	sshrl.u32 s2, $0x3  }
0xe6: {  	p1 =	seq.s32 s24, $0x31;
	s31 =	sadd.s32 s1, s2;
	[tilespmem:s0+$0x18470] =	vst v8  }
0xe7: {  	[hbm4b:s31+s8] =	stream.strided.scatter [tilespmem:s17], [sflag:$0x3], $0x2000, s9, s8, $0x38;
	[tilespmem:$0x1E400] =	vst v63  }
0xe8: {  	s3 =	simm.s32 @!p1 $0x6400;
	s2 =	simm.s32 @!p1 $0x80;
	s0 =	sadd.s32 @!p1 $0x200, s30  }
0xe9: {  	[tilespmem:s3], [sflag:$0x1] =	stream.indirect.gather @!p1 [hbm4b:s5+s2], $0x80, s0, s2, $0xb8;
	[tilespmem:$0x1E400] =	vst v63  }
0xea: {  	s0 =	sadd.s32 @!p1 $0x280, s30;
	s3 =	simm.s32 @!p1 $0xA400  }
0xeb: {  	[tilespmem:s3], [sflag:$0x1] =	stream.indirect.gather @!p1 [hbm4b:s5+s2], $0x80, s0, s2, $0xb8;
	[tilespmem:$0x1E400] =	vst v63  }
0xec: {  	_ =	swait.ge [sflag:s18], $0x4000  }
0xed: {  	[sflag:s18] =	ssyncset.done $0x0  }
0xee: {  	[sflag:s18] =	ssyncadd.s32 $0xFFFFC000  }
0xef: {  	_ =	swait.ge [sflag:s18], $0x4000  }
0xf0: {  	[sflag:s18] =	ssyncset.done $0x0  }
0xf1: {  	s0 =	simm.s32 @!p0 $0x4;
	[sflag:s18] =	ssyncadd.s32 $0xFFFFC000  }
0xf2: {  	_ =	swait.ge @!p0 [sflag:s0], $0x2000  }
0xf3: {  	[sflag:s0] =	ssyncset.done @!p0 $0x0  }
0xf4: {  	[sflag:s0] =	ssyncadd.s32 @!p0 $0xFFFFE000  }
0xf5: {  	_ =	swait.ge @!p0 [sflag:s0], $0x2000  }
0xf6: {  	[sflag:s0] =	ssyncset.done @!p0 $0x0  }
0xf7: {  	[sflag:s0] =	ssyncadd.s32 @!p0 $0xFFFFE000  }
0xf8: {  	v8 =	vld [tilespmem:s29+$0x0];
	_ =	sdelay $0x4  }
0xf9: {  	v15 =	vand.u32 $0xF, v8  }
0xfa: {  	v8 =	vld [tilespmem:s29+$0x10];
	v9 =	vadd.s32 v0, v15;
	_ =	sdelay $0x3  }
0xfb: {  	v10 =	vld [tilespmem:s29+$0x20]  }
0xfc: {  	v8 =	vand.u32 $0xF, v8;
	v9 =	vld.idx.msk [tilespmem:v9+s14+$0x0], $0xffff  }
0xfd: {  	v11 =	vld [tilespmem:s29+$0x30];
	v13 =	vadd.s32 v1, v8  }
0xfe: {  	v12 =	vld [tilespmem:s29+$0x40]  }
0xff: {  	v14 =	vld [tilespmem:s29+$0x50]  }
0x100: {  	s0 =	simm.s32 $0x0;
	v16 =	vld [tilespmem:s29+$0x60]  }
0x101: {  	v17 =	vld [tilespmem:s29+$0x70];
	[tilespmem:s0+$0x1A400] =	vst v9  }
0x102: {  	v9 =	vand.u32 $0xF, v10;
	v10 =	vld.idx.msk [tilespmem:v13+s14+$0x0], $0xffff  }
0x103: {  	v13 =	vadd.s32 v2, v9;
	_ =	sdelay $0x3  }
0x104: {  	[tilespmem:s0+$0x1A410] =	vst v10  }
0x105: {  	v10 =	vand.u32 $0xF, v11;
	v11 =	vld.idx.msk [tilespmem:v13+s14+$0x0], $0xffff  }
0x106: {  	v13 =	vadd.s32 v3, v10;
	_ =	sdelay $0x3  }
0x107: {  	[tilespmem:s0+$0x1A420] =	vst v11  }
0x108: {  	v11 =	vand.u32 $0xF, v12;
	v12 =	vld.idx.msk [tilespmem:v13+s14+$0x0], $0xffff  }
0x109: {  	v13 =	vadd.s32 v4, v11;
	_ =	sdelay $0x3  }
0x10a: {  	[tilespmem:s0+$0x1A430] =	vst v12  }
0x10b: {  	v12 =	vand.u32 $0xF, v14;
	v13 =	vld.idx.msk [tilespmem:v13+s14+$0x0], $0xffff  }
0x10c: {  	v14 =	vadd.s32 v5, v12;
	_ =	sdelay $0x3  }
0x10d: {  	[tilespmem:s0+$0x1A440] =	vst v13  }
0x10e: {  	v13 =	vand.u32 $0xF, v16;
	v14 =	vld.idx.msk [tilespmem:v14+s14+$0x0], $0xffff  }
0x10f: {  	v16 =	vadd.s32 v6, v13;
	_ =	sdelay $0x3  }
0x110: {  	[tilespmem:s0+$0x1A450] =	vst v14  }
0x111: {  	v14 =	vand.u32 $0xF, v17;
	v16 =	vld.idx.msk [tilespmem:v16+s14+$0x0], $0xffff  }
0x112: {  	v17 =	vadd.s32 v7, v14;
	_ =	sdelay $0x3  }
0x113: {  	[tilespmem:s0+$0x1A460] =	vst v16  }
0x114: {  	v15 =	vadd.s32 $0x1, v15;
	v16 =	vld.idx.msk [tilespmem:v17+s14+$0x0], $0xffff  }
0x115: {  	s2 =	simm.s32 $0x200;
	s3 =	simm.s32 $0x400;
	v17 =	vadd.s32 v0, v15  }
.LBB2_7:
0x116: {  	p0 =	sne.s32 s3, $0x7E00;
	_ =	sdelay $0x2  }
0x117: {  	[tilespmem:s0+$0x1A470] =	vst v16  }
0x118: {  	v16 =	vld.idx.msk [tilespmem:v17+s14+$0x0], $0xffff  }
0x119: {  	v8 =	vadd.s32 $0x1, v8  }
0x11a: {  	v17 =	vadd.s32 v1, v8;
	_ =	sdelay $0x2  }
0x11b: {  	s0 =	sshra.s32 s2, $0x2;
	s2 =	smov.u32 s3  }
0x11c: {  	[tilespmem:s0+$0x1A400] =	vst v16  }
0x11d: {  	v16 =	vld.idx.msk [tilespmem:v17+s14+$0x0], $0xffff  }
0x11e: {  	v9 =	vadd.s32 $0x1, v9  }
0x11f: {  	v17 =	vadd.s32 v2, v9;
	_ =	sdelay $0x3  }
0x120: {  	[tilespmem:s0+$0x1A410] =	vst v16  }
0x121: {  	v16 =	vld.idx.msk [tilespmem:v17+s14+$0x0], $0xffff  }
0x122: {  	v10 =	vadd.s32 $0x1, v10  }
0x123: {  	v17 =	vadd.s32 v3, v10;
	_ =	sdelay $0x3  }
0x124: {  	[tilespmem:s0+$0x1A420] =	vst v16  }
0x125: {  	v16 =	vld.idx.msk [tilespmem:v17+s14+$0x0], $0xffff  }
0x126: {  	v11 =	vadd.s32 $0x1, v11  }
0x127: {  	v17 =	vadd.s32 v4, v11;
	_ =	sdelay $0x3  }
0x128: {  	[tilespmem:s0+$0x1A430] =	vst v16  }
0x129: {  	v16 =	vld.idx.msk [tilespmem:v17+s14+$0x0], $0xffff  }
0x12a: {  	v12 =	vadd.s32 $0x1, v12  }
0x12b: {  	v17 =	vadd.s32 v5, v12;
	_ =	sdelay $0x3  }
0x12c: {  	[tilespmem:s0+$0x1A440] =	vst v16  }
0x12d: {  	v16 =	vld.idx.msk [tilespmem:v17+s14+$0x0], $0xffff  }
0x12e: {  	v13 =	vadd.s32 $0x1, v13  }
0x12f: {  	v17 =	vadd.s32 v6, v13;
	_ =	sdelay $0x3  }
0x130: {  	[tilespmem:s0+$0x1A450] =	vst v16  }
0x131: {  	v16 =	vld.idx.msk [tilespmem:v17+s14+$0x0], $0xffff  }
0x132: {  	v14 =	vadd.s32 $0x1, v14  }
0x133: {  	v17 =	vadd.s32 v7, v14;
	_ =	sdelay $0x2  }
.Ltmp2:
0x134: {  	(pc) =	sbr.rel @p0 .LBB2_7-.Ltmp2, $4  }
0x135: {  	[tilespmem:s0+$0x1A460] =	vst v16  }
0x136: {  	v16 =	vld.idx.msk [tilespmem:v17+s14+$0x0], $0xffff  }
0x137: {  	v15 =	vadd.s32 $0x1, v15  }
0x138: {  	s3 =	sadd.s32 $0x200, s3;
	v17 =	vadd.s32 v0, v15  }
0x139: {  	_ =	sdelay $0x2  }
0x13a: {  	[tilespmem:s0+$0x1A470] =	vst v16  }
0x13b: {  	v8 =	vadd.s32 $0x1, v8;
	v15 =	vld.idx.msk [tilespmem:v17+s14+$0x0], $0xffff  }
0x13c: {  	v8 =	vadd.s32 v1, v8;
	_ =	sdelay $0x2  }
0x13d: {  	s29 =	sshra.s32 s2, $0x2  }
0x13e: {  	[tilespmem:s29+$0x1A400] =	vst v15  }
0x13f: {  	v9 =	vadd.s32 $0x1, v9;
	v8 =	vld.idx.msk [tilespmem:v8+s14+$0x0], $0xffff  }
0x140: {  	v9 =	vadd.s32 v2, v9;
	_ =	sdelay $0x3  }
0x141: {  	[tilespmem:s29+$0x1A410] =	vst v8  }
0x142: {  	v8 =	vld.idx.msk [tilespmem:v9+s14+$0x0], $0xffff;
	v9 =	vadd.s32 $0x1, v10  }
0x143: {  	v9 =	vadd.s32 v3, v9;
	_ =	sdelay $0x3  }
0x144: {  	[tilespmem:s29+$0x1A420] =	vst v8  }
0x145: {  	v8 =	vld.idx.msk [tilespmem:v9+s14+$0x0], $0xffff;
	v9 =	vadd.s32 $0x1, v11  }
0x146: {  	v9 =	vadd.s32 v4, v9;
	_ =	sdelay $0x3  }
0x147: {  	[tilespmem:s29+$0x1A430] =	vst v8  }
0x148: {  	v8 =	vld.idx.msk [tilespmem:v9+s14+$0x0], $0xffff;
	v9 =	vadd.s32 $0x1, v12  }
0x149: {  	v9 =	vadd.s32 v5, v9;
	_ =	sdelay $0x3  }
0x14a: {  	[tilespmem:s29+$0x1A440] =	vst v8  }
0x14b: {  	v8 =	vld.idx.msk [tilespmem:v9+s14+$0x0], $0xffff;
	v9 =	vadd.s32 $0x1, v13  }
0x14c: {  	v9 =	vadd.s32 v6, v9;
	_ =	sdelay $0x3  }
0x14d: {  	[tilespmem:s29+$0x1A450] =	vst v8  }
0x14e: {  	v8 =	vld.idx.msk [tilespmem:v9+s14+$0x0], $0xffff;
	v9 =	vadd.s32 $0x1, v14  }
0x14f: {  	v9 =	vadd.s32 v7, v9;
	_ =	sdelay $0x3  }
0x150: {  	[tilespmem:s29+$0x1A460] =	vst v8  }
0x151: {  	v8 =	vld.idx.msk [tilespmem:v9+s14+$0x0], $0xffff;
	_ =	sdelay $0x1  }
0x152: {  	s30 =	sshll.u32 s28, $0x12  }
0x153: {  	s2 =	sor.u32 s4, s30  }
0x154: {  	s2 =	sshrl.u32 s2, $0x3  }
0x155: {  	s31 =	sadd.s32 s1, s2;
	[tilespmem:s29+$0x1A470] =	vst v8  }
0x156: {  	[hbm4b:s31+s8] =	stream.strided.scatter [tilespmem:s19], [sflag:$0x4], $0x2000, s9, s8, $0x38;
	[tilespmem:$0x1E400] =	vst v63  }
0x157: {  	v8 =	vld [tilespmem:s26+$0x0];
	_ =	sdelay $0x4  }
0x158: {  	v15 =	vand.u32 $0xF, v8  }
0x159: {  	v8 =	vld [tilespmem:s26+$0x10];
	v9 =	vadd.s32 v0, v15;
	_ =	sdelay $0x3  }
0x15a: {  	v10 =	vld [tilespmem:s26+$0x20]  }
0x15b: {  	v8 =	vand.u32 $0xF, v8;
	v9 =	vld.idx.msk [tilespmem:v9+s15+$0x0], $0xffff  }
0x15c: {  	v11 =	vld [tilespmem:s26+$0x30];
	v13 =	vadd.s32 v1, v8  }
0x15d: {  	v12 =	vld [tilespmem:s26+$0x40]  }
0x15e: {  	v14 =	vld [tilespmem:s26+$0x50]  }
0x15f: {  	s0 =	simm.s32 $0x0;
	v16 =	vld [tilespmem:s26+$0x60]  }
0x160: {  	v17 =	vld [tilespmem:s26+$0x70];
	[tilespmem:s0+$0x1C400] =	vst v9  }
0x161: {  	v9 =	vand.u32 $0xF, v10;
	v10 =	vld.idx.msk [tilespmem:v13+s15+$0x0], $0xffff  }
0x162: {  	v13 =	vadd.s32 v2, v9;
	_ =	sdelay $0x3  }
0x163: {  	[tilespmem:s0+$0x1C410] =	vst v10  }
0x164: {  	v10 =	vand.u32 $0xF, v11;
	v11 =	vld.idx.msk [tilespmem:v13+s15+$0x0], $0xffff  }
0x165: {  	v13 =	vadd.s32 v3, v10;
	_ =	sdelay $0x3  }
0x166: {  	[tilespmem:s0+$0x1C420] =	vst v11  }
0x167: {  	v11 =	vand.u32 $0xF, v12;
	v12 =	vld.idx.msk [tilespmem:v13+s15+$0x0], $0xffff  }
0x168: {  	v13 =	vadd.s32 v4, v11;
	_ =	sdelay $0x3  }
0x169: {  	[tilespmem:s0+$0x1C430] =	vst v12  }
0x16a: {  	v12 =	vand.u32 $0xF, v14;
	v13 =	vld.idx.msk [tilespmem:v13+s15+$0x0], $0xffff  }
0x16b: {  	v14 =	vadd.s32 v5, v12;
	_ =	sdelay $0x3  }
0x16c: {  	[tilespmem:s0+$0x1C440] =	vst v13  }
0x16d: {  	v13 =	vand.u32 $0xF, v16;
	v14 =	vld.idx.msk [tilespmem:v14+s15+$0x0], $0xffff  }
0x16e: {  	v16 =	vadd.s32 v6, v13;
	_ =	sdelay $0x3  }
0x16f: {  	[tilespmem:s0+$0x1C450] =	vst v14  }
0x170: {  	v14 =	vand.u32 $0xF, v17;
	v16 =	vld.idx.msk [tilespmem:v16+s15+$0x0], $0xffff  }
0x171: {  	v17 =	vadd.s32 v7, v14;
	_ =	sdelay $0x3  }
0x172: {  	[tilespmem:s0+$0x1C460] =	vst v16  }
0x173: {  	v15 =	vadd.s32 $0x1, v15;
	v16 =	vld.idx.msk [tilespmem:v17+s15+$0x0], $0xffff  }
0x174: {  	s3 =	simm.s32 $0x400;
	s2 =	simm.s32 $0x200;
	v17 =	vadd.s32 v0, v15  }
.LBB2_9:
0x175: {  	p0 =	sne.s32 s3, $0x7E00;
	_ =	sdelay $0x2  }
0x176: {  	[tilespmem:s0+$0x1C470] =	vst v16  }
0x177: {  	v16 =	vld.idx.msk [tilespmem:v17+s15+$0x0], $0xffff  }
0x178: {  	v8 =	vadd.s32 $0x1, v8  }
0x179: {  	v17 =	vadd.s32 v1, v8;
	_ =	sdelay $0x2  }
0x17a: {  	s0 =	sshra.s32 s2, $0x2;
	s2 =	smov.u32 s3  }
0x17b: {  	[tilespmem:s0+$0x1C400] =	vst v16  }
0x17c: {  	v16 =	vld.idx.msk [tilespmem:v17+s15+$0x0], $0xffff  }
0x17d: {  	v9 =	vadd.s32 $0x1, v9  }
0x17e: {  	v17 =	vadd.s32 v2, v9;
	_ =	sdelay $0x3  }
0x17f: {  	[tilespmem:s0+$0x1C410] =	vst v16  }
0x180: {  	v16 =	vld.idx.msk [tilespmem:v17+s15+$0x0], $0xffff  }
0x181: {  	v10 =	vadd.s32 $0x1, v10  }
0x182: {  	v17 =	vadd.s32 v3, v10;
	_ =	sdelay $0x3  }
0x183: {  	[tilespmem:s0+$0x1C420] =	vst v16  }
0x184: {  	v16 =	vld.idx.msk [tilespmem:v17+s15+$0x0], $0xffff  }
0x185: {  	v11 =	vadd.s32 $0x1, v11  }
0x186: {  	v17 =	vadd.s32 v4, v11;
	_ =	sdelay $0x3  }
0x187: {  	[tilespmem:s0+$0x1C430] =	vst v16  }
0x188: {  	v16 =	vld.idx.msk [tilespmem:v17+s15+$0x0], $0xffff  }
0x189: {  	v12 =	vadd.s32 $0x1, v12  }
0x18a: {  	v17 =	vadd.s32 v5, v12;
	_ =	sdelay $0x3  }
0x18b: {  	[tilespmem:s0+$0x1C440] =	vst v16  }
0x18c: {  	v16 =	vld.idx.msk [tilespmem:v17+s15+$0x0], $0xffff  }
0x18d: {  	v13 =	vadd.s32 $0x1, v13  }
0x18e: {  	v17 =	vadd.s32 v6, v13;
	_ =	sdelay $0x3  }
0x18f: {  	[tilespmem:s0+$0x1C450] =	vst v16  }
0x190: {  	v16 =	vld.idx.msk [tilespmem:v17+s15+$0x0], $0xffff  }
0x191: {  	v14 =	vadd.s32 $0x1, v14  }
0x192: {  	v17 =	vadd.s32 v7, v14;
	_ =	sdelay $0x2  }
.Ltmp3:
0x193: {  	(pc) =	sbr.rel @p0 .LBB2_9-.Ltmp3, $4  }
0x194: {  	[tilespmem:s0+$0x1C460] =	vst v16  }
0x195: {  	v16 =	vld.idx.msk [tilespmem:v17+s15+$0x0], $0xffff  }
0x196: {  	v15 =	vadd.s32 $0x1, v15  }
0x197: {  	s3 =	sadd.s32 $0x200, s3;
	v17 =	vadd.s32 v0, v15  }
0x198: {  	_ =	sdelay $0x2  }
0x199: {  	[tilespmem:s0+$0x1C470] =	vst v16  }
0x19a: {  	v8 =	vadd.s32 $0x1, v8;
	v15 =	vld.idx.msk [tilespmem:v17+s15+$0x0], $0xffff  }
0x19b: {  	v8 =	vadd.s32 v1, v8;
	_ =	sdelay $0x2  }
0x19c: {  	s29 =	sshra.s32 s2, $0x2  }
0x19d: {  	[tilespmem:s29+$0x1C400] =	vst v15  }
0x19e: {  	v9 =	vadd.s32 $0x1, v9;
	v8 =	vld.idx.msk [tilespmem:v8+s15+$0x0], $0xffff  }
0x19f: {  	v9 =	vadd.s32 v2, v9;
	_ =	sdelay $0x3  }
0x1a0: {  	[tilespmem:s29+$0x1C410] =	vst v8  }
0x1a1: {  	v59 =	vadd.s32 $0x1, v10;
	v8 =	vld.idx.msk [tilespmem:v9+s15+$0x0], $0xffff  }
0x1a2: {  	v9 =	vadd.s32 v3, v59;
	_ =	sdelay $0x3  }
0x1a3: {  	[tilespmem:s29+$0x1C420] =	vst v8  }
0x1a4: {  	v60 =	vadd.s32 $0x1, v11;
	v8 =	vld.idx.msk [tilespmem:v9+s15+$0x0], $0xffff  }
0x1a5: {  	v9 =	vadd.s32 v4, v60;
	_ =	sdelay $0x3  }
0x1a6: {  	[tilespmem:s29+$0x1C430] =	vst v8  }
0x1a7: {  	v61 =	vadd.s32 $0x1, v12;
	v8 =	vld.idx.msk [tilespmem:v9+s15+$0x0], $0xffff  }
0x1a8: {  	v9 =	vadd.s32 v5, v61;
	_ =	sdelay $0x3  }
0x1a9: {  	[tilespmem:s29+$0x1C440] =	vst v8  }
0x1aa: {  	v62 =	vadd.s32 $0x1, v13;
	v8 =	vld.idx.msk [tilespmem:v9+s15+$0x0], $0xffff  }
0x1ab: {  	v9 =	vadd.s32 v6, v62;
	_ =	sdelay $0x3  }
0x1ac: {  	[tilespmem:s29+$0x1C450] =	vst v8  }
0x1ad: {  	v63 =	vadd.s32 $0x1, v14;
	v8 =	vld.idx.msk [tilespmem:v9+s15+$0x0], $0xffff  }
0x1ae: {  	v9 =	vadd.s32 v7, v63;
	_ =	sdelay $0x3  }
0x1af: {  	[tilespmem:s29+$0x1C460] =	vst v8  }
0x1b0: {  	s24 =	sadd.s32 $0x1, s24;
	v8 =	vld.idx.msk [tilespmem:v9+s15+$0x0], $0xffff  }
0x1b1: {  	p0 =	sne.s32 s24, $0x32  }
.Ltmp4:
0x1b2: {  	s30 =	sshll.u32 s25, $0x12;
	(pc) =	sbr.rel @p0 .LBB2_2-.Ltmp4, $4  }
0x1b3: {  	s2 =	sor.u32 s4, s30  }
0x1b4: {  	s2 =	sshrl.u32 s2, $0x3  }
0x1b5: {  	s31 =	sadd.s32 s1, s2;
	[tilespmem:s29+$0x1C470] =	vst v8  }
0x1b6: {  	[hbm4b:s31+s8] =	stream.strided.scatter [tilespmem:s20], [sflag:$0x4], $0x2000, s9, s8, $0x38;
	[tilespmem:$0x1E400] =	vst v63  }
0x1b7: {  	_ =	swait.ge [sflag:s21], $0x2000  }
0x1b8: {  	[sflag:s21] =	ssyncset.done $0x0  }
0x1b9: {  	[sflag:s21] =	ssyncadd.s32 $0xFFFFE000  }
0x1ba: {  	_ =	swait.ge [sflag:s21], $0x2000  }
0x1bb: {  	[sflag:s21] =	ssyncset.done $0x0  }
0x1bc: {  	s23 =	sadd.s32 $0x1, s23;
	[sflag:s21] =	ssyncadd.s32 $0xFFFFE000  }
0x1bd: {  	p0 =	sne.s32 s23, s7;
	_ =	swait.ge [sflag:s22], $0x2000  }
.Ltmp5:
0x1be: {  	[sflag:s22] =	ssyncset.done $0x0;
	(pc) =	sbr.rel @p0 .LBB2_1-.Ltmp5, $4  }
0x1bf: {  	[sflag:s22] =	ssyncadd.s32 $0xFFFFE000  }
0x1c0: {  	_ =	swait.ge [sflag:s22], $0x2000  }
0x1c1: {  	[sflag:s22] =	ssyncset.done $0x0  }
0x1c2: {  	[sflag:s22] =	ssyncadd.s32 $0xFFFFE000  }
0x1c3: {  	_ =	sfence.sel $0x180000  }
0x1c4: {  	[bflag:$0x0] =	sbarrier.arrive $0xFFFF  }
0x1c5: {  	_ =	strace $0x9000004A  }
0x1c6: {  	s0 =	stileid.u32;
	[bflag:$0x2] =	sbarrier.arrive $0xFFFF  }
0x1c7: {  	p0 =	sne.s32 s0, $0x0;
	s0 =	rddreg [dreg:$0x3]  }
0x1c8: {  	s0 =	sadd.s32 @!p0 $0x100000, s0  }
0x1c9: {  	[sflag:s0] =	ssyncadd.tile.s32 @!p0 $0x1;
	_ =	shalt  }
.Lfunc_end2:
_tile_overlayer_lowered:
.L_overlay_start_2:
0x1ca: {  	(tag) =	ssettag $0x2  }
0x1cb: {  	s0 =	rddreg [dreg:$0x0];
	s2 =	stileid.u32  }
0x1cc: {  	s1 =	rddreg [dreg:$0x1];
	p0 =	sne.s32 s2, $0x0  }
0x1cd: {  	s3 =	rddreg [dreg:$0x2];
	[bflag:$0x3] =	sbarrier.arrive $0xFFFF;
	s2 =	simm.s32 @!p0 $0x1C05  }
0x1ce: {  	[timem:s3], [sflag:s2] =	dma.local @!p0 [hbm:s0], s1  }
0x1cf: {  	s0 =	simm.s32 @!p0 $0x5  }
0x1d0: {  	_ =	swait.ge @!p0 [sflag:s0], s1  }
0x1d1: {  	s1 =	ssub.s32 @!p0 $0x0, s1;
	[sflag:s0] =	ssyncset.done @!p0 $0x0  }
0x1d2: {  	[sflag:s0] =	ssyncadd.s32 @!p0 s1  }
0x1d3: {  	[bflag:$0x3] =	sbarrier.arrive $0xFFFF  }
0x1d4: {  	_ =	shalt  }

</sc_bundles>
